<compile_context>
chip_gen: v7x
topology: tpu7x:2x2x1
jax: 0.10.2.dev20260603
libtpu: 0.0.44.dev20260713+nightly
codegen_flags: <defaults>
</compile_context>

<pallas_src>
import functools

import jax
import jax.numpy as jnp
from jax import lax
from jax.experimental import pallas as pl
from jax.experimental.pallas import tpu as pltpu
from jax.experimental.pallas import tpu_sc as plsc

NC = 2
NS = 16
NW = NC * NS

TOTAL = 131072
DIM = 64
CHUNK = 128
PER_W = TOTAL // NW
NCHUNK = PER_W // CHUNK
NBUF = 8
K = 4

_mesh = plsc.VectorSubcoreMesh(core_axis_name="c", subcore_axis_name="s")


@functools.partial(
    pl.kernel,
    out_type=jax.ShapeDtypeStruct((TOTAL, DIM), jnp.float32),
    mesh=_mesh,
    scratch_types=dict(
        idx_v=pltpu.VMEM((NCHUNK, CHUNK), jnp.int32),
        rows_v=pltpu.VMEM((NBUF, CHUNK, DIM), jnp.float32),
        gsems=pltpu.SemaphoreType.DMA((NBUF,)),
        ssems=pltpu.SemaphoreType.DMA((NBUF,)),
    ),
    compiler_params=pltpu.CompilerParams(use_tc_tiling_on_sc=False),
)
def _gather_kernel(vals_hbm, table_hbm, out_hbm, idx_v, rows_v, gsems, ssems):
    wid = lax.axis_index("s") * NC + lax.axis_index("c")
    base = wid * PER_W
    pltpu.sync_copy(vals_hbm.at[wid], idx_v)

    def gd(c, b):
        return pltpu.make_async_copy(table_hbm.at[idx_v.at[c]], rows_v.at[b],
                                     gsems.at[b])

    def sd(c, b):
        return pltpu.make_async_copy(rows_v.at[b],
                                     out_hbm.at[pl.ds(base + c * CHUNK, CHUNK)],
                                     ssems.at[b])

    def step(c, b, do_wait_store, do_next_gather):
        gd(c, b).wait()
        sd(c, b).start()
        if do_next_gather:
            b2 = (b + K) % NBUF
            if do_wait_store:
                sd(c - K, b2).wait()
            gd(c + K, b2).start()

    for j in range(K):
        gd(j, j).start()

    for j in range(NBUF):
        step(j, j, do_wait_store=(j >= K), do_next_gather=True)

    @pl.loop(NBUF, NCHUNK - NBUF, step=NBUF)
    def _blk(c0):
        for j in range(NBUF):
            step(c0 + j, j, do_wait_store=True, do_next_gather=True)

    for j in range(NBUF):
        c = NCHUNK - NBUF + j
        step(c, j, do_wait_store=True, do_next_gather=(j < NBUF - K))

    for j in range(NBUF):
        sd(NCHUNK - NBUF + j, j).wait()


def kernel(values, lengths, table):
    del lengths
    vals = values.astype(jnp.int32).reshape(NW, NCHUNK, CHUNK)
    return _gather_kernel(vals, table)

# --- scband reference (transcript-rebuilt; emitter-appended) ---
"""Pipeline reference for scband-dummy-parameter-server-79671643341144 (READ-ONLY COPY).

The authoritative reference and input builder live on the scoring server;
editing this copy changes nothing except your own understanding.
"""

import jax, jax.numpy as jnp
import numpy as np

VOCAB = 1000000
DIM = 64
BATCH = 4096
PER_SAMPLE = 32
TOTAL = BATCH * PER_SAMPLE


def setup_inputs(seed: int = 0) -> dict:
    key = jax.random.key(seed)
    k1, k2 = jax.random.split(key)
    values = jax.random.randint(k1, (TOTAL,), 0, VOCAB, dtype=jnp.int64 if jax.config.jax_enable_x64 else jnp.int32)
    lengths = jnp.full((BATCH,), PER_SAMPLE, dtype=jnp.int32)
    table = jax.random.normal(k2, (VOCAB, DIM), dtype=jnp.float32) * 0.01
    return {"values": values, "lengths": lengths, "table": table}


def reference(values, lengths, table):
    # EmbeddingCollection: per-feature jagged embedding lookup.
    # KeyedJaggedTensor with one feature 'feat_0': values are token ids,
    # lengths gives per-sample bag sizes. EmbeddingCollection returns the
    # per-token embeddings (JaggedTensor values) -- a pure gather, no pooling.
    emb = jnp.take(table, values, axis=0)  # [TOTAL, DIM]
    return emb

if __name__ == "__main__":
    import jax
    _d = setup_inputs()
    print(jax.jit(kernel)(*tuple(_d.values())))

</pallas_src>

<mosaic_0001>
#map = affine_map<(d0, d1) -> (0, 0, 0)>
#map1 = affine_map<(d0, d1) -> (0, 0)>
module attributes {stable_mosaic.version = 14 : i64} {
  func.func @_gather_kernel(%arg0: i32, %arg1: i32, %arg2: memref<32x32x128xi32, #tpu.memory_space<hbm>>, %arg3: memref<1000000x64xf32, #tpu.memory_space<hbm>>, %arg4: memref<131072x64xf32, #tpu.memory_space<hbm>>, %arg5: memref<8x!tpu.dma_semaphore, #tpu.memory_space<semaphore_mem>>, %arg6: memref<32x128xi32, #tpu.memory_space<vmem>>, %arg7: memref<8x128x64xf32, #tpu.memory_space<vmem>>, %arg8: memref<8x!tpu.dma_semaphore, #tpu.memory_space<semaphore_mem>>) attributes {dimension_semantics = [#tpu.dimension_semantics<core_parallel>, #tpu.dimension_semantics<subcore_parallel>], iteration_bounds = array<i64: 2, 16>, scalar_prefetch = 0 : i64, scratch_operands = 4 : i64, tpu.core_type = #tpu.core_type<sc_vector_subcore>, window_params = [{transform_indices = #map}, {transform_indices = #map1}, {transform_indices = #map1}]} {
    %mul3A = arith.constant 2 : i32
    %mul3A_0 = arith.muli %arg1, %mul3A : i32
    %add3A = arith.addi %mul3A_0, %arg0 : i32
    %mul3A_1 = arith.constant 4096 : i32
    %mul3A_2 = arith.muli %add3A, %mul3A_1 : i32
    "tpu.region"() ({
      %run_scoped3A = tpu.sem_alloc : memref<!tpu.dma_semaphore, #tpu.memory_space<semaphore_mem>>
      %dma_start3A_1061 = arith.constant 0 : i32
      %dma_start3A_1062 = arith.constant 0 : i32
      %dma_start3A_1063 = tpu.memref_slice %arg2[%add3A, %dma_start3A_1061, %dma_start3A_1062] : memref<32x32x128xi32, #tpu.memory_space<hbm>> -> memref<1x32x128xi32, #tpu.memory_space<hbm>>
      %dma_start3A_1064 = tpu.memref_squeeze %dma_start3A_1063 : memref<1x32x128xi32, #tpu.memory_space<hbm>> -> memref<32x128xi32, #tpu.memory_space<hbm>>
      %dma_start3A_1065 = arith.constant 0 : i32
      %dma_start3A_1066 = arith.constant 0 : i32
      %dma_start3A_1067 = tpu.memref_slice %arg2[%add3A, %dma_start3A_1065, %dma_start3A_1066] : memref<32x32x128xi32, #tpu.memory_space<hbm>> -> memref<1x32x128xi32, #tpu.memory_space<hbm>>
      %dma_start3A_1068 = tpu.memref_squeeze %dma_start3A_1067 : memref<1x32x128xi32, #tpu.memory_space<hbm>> -> memref<32x128xi32, #tpu.memory_space<hbm>>
      tpu.enqueue_dma source(%dma_start3A_1068 : memref<32x128xi32, #tpu.memory_space<hbm>>) target(%arg6 : memref<32x128xi32, #tpu.memory_space<vmem>>) target_semaphore(%run_scoped3A : memref<!tpu.dma_semaphore, #tpu.memory_space<semaphore_mem>>)
      %dma_wait3A_1069 = arith.constant 0 : i32
      %dma_wait3A_1070 = arith.constant 0 : i32
      %dma_wait3A_1071 = tpu.memref_slice %arg2[%add3A, %dma_wait3A_1069, %dma_wait3A_1070] : memref<32x32x128xi32, #tpu.memory_space<hbm>> -> memref<1x32x128xi32, #tpu.memory_space<hbm>>
      %dma_wait3A_1072 = tpu.memref_squeeze %dma_wait3A_1071 : memref<1x32x128xi32, #tpu.memory_space<hbm>> -> memref<32x128xi32, #tpu.memory_space<hbm>>
      %dma_wait3A_1073 = arith.constant 0 : i32
      %dma_wait3A_1074 = arith.constant 0 : i32
      %dma_wait3A_1075 = tpu.memref_slice %arg2[%add3A, %dma_wait3A_1073, %dma_wait3A_1074] : memref<32x32x128xi32, #tpu.memory_space<hbm>> -> memref<1x32x128xi32, #tpu.memory_space<hbm>>
      %dma_wait3A_1076 = tpu.memref_squeeze %dma_wait3A_1075 : memref<1x32x128xi32, #tpu.memory_space<hbm>> -> memref<32x128xi32, #tpu.memory_space<hbm>>
      tpu.wait_dma2 semaphore(%run_scoped3A : memref<!tpu.dma_semaphore, #tpu.memory_space<semaphore_mem>>) src(%dma_wait3A_1076 : memref<32x128xi32, #tpu.memory_space<hbm>>) dst(%arg6 : memref<32x128xi32, #tpu.memory_space<vmem>>)
      tpu.yield
    }) : () -> ()
    %dma_start3A = arith.constant 0 : i32
    %dma_start3A_3 = arith.constant 0 : i32
    %dma_start3A_4 = arith.constant 0 : i32
    %dma_start3A_5 = arith.constant 0 : i32
    %dma_start3A_6 = arith.constant 0 : i32
    %dma_start3A_7 = tpu.memref_slice %arg7[%dma_start3A_3, %dma_start3A_5, %dma_start3A_6] : memref<8x128x64xf32, #tpu.memory_space<vmem>> -> memref<1x128x64xf32, #tpu.memory_space<vmem>>
    %dma_start3A_8 = tpu.memref_squeeze %dma_start3A_7 : memref<1x128x64xf32, #tpu.memory_space<vmem>> -> memref<128x64xf32, #tpu.memory_space<vmem>>
    %dma_start3A_9 = arith.constant 0 : i32
    %dma_start3A_10 = tpu.memref_slice %arg6[%dma_start3A, %dma_start3A_9] : memref<32x128xi32, #tpu.memory_space<vmem>> -> memref<1x128xi32, #tpu.memory_space<vmem>>
    %dma_start3A_11 = tpu.memref_squeeze %dma_start3A_10 : memref<1x128xi32, #tpu.memory_space<vmem>> -> memref<128xi32, #tpu.memory_space<vmem>>
    %dma_start3A_12 = arith.constant 0 : i32
    %dma_start3A_13 = arith.constant 0 : i32
    %dma_start3A_14 = tpu.memref_slice %arg3[%dma_start3A_12, %dma_start3A_13] : memref<1000000x64xf32, #tpu.memory_space<hbm>> -> memref<1000000x64xf32, #tpu.memory_space<hbm>>
    %dma_start3A_15 = tpu.memref_slice %arg5[%dma_start3A_4] : memref<8x!tpu.dma_semaphore, #tpu.memory_space<semaphore_mem>> -> memref<1x!tpu.dma_semaphore, #tpu.memory_space<semaphore_mem>>
    %dma_start3A_16 = tpu.memref_squeeze %dma_start3A_15 : memref<1x!tpu.dma_semaphore, #tpu.memory_space<semaphore_mem>> -> memref<!tpu.dma_semaphore, #tpu.memory_space<semaphore_mem>>
    tpu.enqueue_indirect_dma source(%dma_start3A_14 : memref<1000000x64xf32, #tpu.memory_space<hbm>>) target(%dma_start3A_8 : memref<128x64xf32, #tpu.memory_space<vmem>>) offsets(%dma_start3A_11 : memref<128xi32, #tpu.memory_space<vmem>>) semaphore(%dma_start3A_16 : memref<!tpu.dma_semaphore, #tpu.memory_space<semaphore_mem>>)
    %dma_start3A_17 = arith.constant 1 : i32
    %dma_start3A_18 = arith.constant 1 : i32
    %dma_start3A_19 = arith.constant 1 : i32
    %dma_start3A_20 = arith.constant 0 : i32
    %dma_start3A_21 = arith.constant 0 : i32
    %dma_start3A_22 = tpu.memref_slice %arg7[%dma_start3A_18, %dma_start3A_20, %dma_start3A_21] : memref<8x128x64xf32, #tpu.memory_space<vmem>> -> memref<1x128x64xf32, #tpu.memory_space<vmem>>
    %dma_start3A_23 = tpu.memref_squeeze %dma_start3A_22 : memref<1x128x64xf32, #tpu.memory_space<vmem>> -> memref<128x64xf32, #tpu.memory_space<vmem>>
    %dma_start3A_24 = arith.constant 0 : i32
    %dma_start3A_25 = tpu.memref_slice %arg6[%dma_start3A_17, %dma_start3A_24] : memref<32x128xi32, #tpu.memory_space<vmem>> -> memref<1x128xi32, #tpu.memory_space<vmem>>
    %dma_start3A_26 = tpu.memref_squeeze %dma_start3A_25 : memref<1x128xi32, #tpu.memory_space<vmem>> -> memref<128xi32, #tpu.memory_space<vmem>>
    %dma_start3A_27 = arith.constant 0 : i32
    %dma_start3A_28 = arith.constant 0 : i32
    %dma_start3A_29 = tpu.memref_slice %arg3[%dma_start3A_27, %dma_start3A_28] : memref<1000000x64xf32, #tpu.memory_space<hbm>> -> memref<1000000x64xf32, #tpu.memory_space<hbm>>
    %dma_start3A_30 = tpu.memref_slice %arg5[%dma_start3A_19] : memref<8x!tpu.dma_semaphore, #tpu.memory_space<semaphore_mem>> -> memref<1x!tpu.dma_semaphore, #tpu.memory_space<semaphore_mem>>
    %dma_start3A_31 = tpu.memref_squeeze %dma_start3A_30 : memref<1x!tpu.dma_semaphore, #tpu.memory_space<semaphore_mem>> -> memref<!tpu.dma_semaphore, #tpu.memory_space<semaphore_mem>>
    tpu.enqueue_indirect_dma source(%dma_start3A_29 : memref<1000000x64xf32, #tpu.memory_space<hbm>>) target(%dma_start3A_23 : memref<128x64xf32, #tpu.memory_space<vmem>>) offsets(%dma_start3A_26 : memref<128xi32, #tpu.memory_space<vmem>>) semaphore(%dma_start3A_31 : memref<!tpu.dma_semaphore, #tpu.memory_space<semaphore_mem>>)
    %dma_start3A_32 = arith.constant 2 : i32
    %dma_start3A_33 = arith.constant 2 : i32
    %dma_start3A_34 = arith.constant 2 : i32
    %dma_start3A_35 = arith.constant 0 : i32
    %dma_start3A_36 = arith.constant 0 : i32
    %dma_start3A_37 = tpu.memref_slice %arg7[%dma_start3A_33, %dma_start3A_35, %dma_start3A_36] : memref<8x128x64xf32, #tpu.memory_space<vmem>> -> memref<1x128x64xf32, #tpu.memory_space<vmem>>
    %dma_start3A_38 = tpu.memref_squeeze %dma_start3A_37 : memref<1x128x64xf32, #tpu.memory_space<vmem>> -> memref<128x64xf32, #tpu.memory_space<vmem>>
    %dma_start3A_39 = arith.constant 0 : i32
    %dma_start3A_40 = tpu.memref_slice %arg6[%dma_start3A_32, %dma_start3A_39] : memref<32x128xi32, #tpu.memory_space<vmem>> -> memref<1x128xi32, #tpu.memory_space<vmem>>
    %dma_start3A_41 = tpu.memref_squeeze %dma_start3A_40 : memref<1x128xi32, #tpu.memory_space<vmem>> -> memref<128xi32, #tpu.memory_space<vmem>>
    %dma_start3A_42 = arith.constant 0 : i32
    %dma_start3A_43 = arith.constant 0 : i32
    %dma_start3A_44 = tpu.memref_slice %arg3[%dma_start3A_42, %dma_start3A_43] : memref<1000000x64xf32, #tpu.memory_space<hbm>> -> memref<1000000x64xf32, #tpu.memory_space<hbm>>
    %dma_start3A_45 = tpu.memref_slice %arg5[%dma_start3A_34] : memref<8x!tpu.dma_semaphore, #tpu.memory_space<semaphore_mem>> -> memref<1x!tpu.dma_semaphore, #tpu.memory_space<semaphore_mem>>
    %dma_start3A_46 = tpu.memref_squeeze %dma_start3A_45 : memref<1x!tpu.dma_semaphore, #tpu.memory_space<semaphore_mem>> -> memref<!tpu.dma_semaphore, #tpu.memory_space<semaphore_mem>>
    tpu.enqueue_indirect_dma source(%dma_start3A_44 : memref<1000000x64xf32, #tpu.memory_space<hbm>>) target(%dma_start3A_38 : memref<128x64xf32, #tpu.memory_space<vmem>>) offsets(%dma_start3A_41 : memref<128xi32, #tpu.memory_space<vmem>>) semaphore(%dma_start3A_46 : memref<!tpu.dma_semaphore, #tpu.memory_space<semaphore_mem>>)
    %dma_start3A_47 = arith.constant 3 : i32
    %dma_start3A_48 = arith.constant 3 : i32
    %dma_start3A_49 = arith.constant 3 : i32
    %dma_start3A_50 = arith.constant 0 : i32
    %dma_start3A_51 = arith.constant 0 : i32
    %dma_start3A_52 = tpu.memref_slice %arg7[%dma_start3A_48, %dma_start3A_50, %dma_start3A_51] : memref<8x128x64xf32, #tpu.memory_space<vmem>> -> memref<1x128x64xf32, #tpu.memory_space<vmem>>
    %dma_start3A_53 = tpu.memref_squeeze %dma_start3A_52 : memref<1x128x64xf32, #tpu.memory_space<vmem>> -> memref<128x64xf32, #tpu.memory_space<vmem>>
    %dma_start3A_54 = arith.constant 0 : i32
    %dma_start3A_55 = tpu.memref_slice %arg6[%dma_start3A_47, %dma_start3A_54] : memref<32x128xi32, #tpu.memory_space<vmem>> -> memref<1x128xi32, #tpu.memory_space<vmem>>
    %dma_start3A_56 = tpu.memref_squeeze %dma_start3A_55 : memref<1x128xi32, #tpu.memory_space<vmem>> -> memref<128xi32, #tpu.memory_space<vmem>>
    %dma_start3A_57 = arith.constant 0 : i32
    %dma_start3A_58 = arith.constant 0 : i32
    %dma_start3A_59 = tpu.memref_slice %arg3[%dma_start3A_57, %dma_start3A_58] : memref<1000000x64xf32, #tpu.memory_space<hbm>> -> memref<1000000x64xf32, #tpu.memory_space<hbm>>
    %dma_start3A_60 = tpu.memref_slice %arg5[%dma_start3A_49] : memref<8x!tpu.dma_semaphore, #tpu.memory_space<semaphore_mem>> -> memref<1x!tpu.dma_semaphore, #tpu.memory_space<semaphore_mem>>
    %dma_start3A_61 = tpu.memref_squeeze %dma_start3A_60 : memref<1x!tpu.dma_semaphore, #tpu.memory_space<semaphore_mem>> -> memref<!tpu.dma_semaphore, #tpu.memory_space<semaphore_mem>>
    tpu.enqueue_indirect_dma source(%dma_start3A_59 : memref<1000000x64xf32, #tpu.memory_space<hbm>>) target(%dma_start3A_53 : memref<128x64xf32, #tpu.memory_space<vmem>>) offsets(%dma_start3A_56 : memref<128xi32, #tpu.memory_space<vmem>>) semaphore(%dma_start3A_61 : memref<!tpu.dma_semaphore, #tpu.memory_space<semaphore_mem>>)
    %dma_wait3A = arith.constant 0 : i32
    %dma_wait3A_62 = arith.constant 0 : i32
    %dma_wait3A_63 = arith.constant 0 : i32
    %dma_wait3A_64 = arith.constant 0 : i32
    %dma_wait3A_65 = arith.constant 0 : i32
    %dma_wait3A_66 = tpu.memref_slice %arg7[%dma_wait3A_62, %dma_wait3A_64, %dma_wait3A_65] : memref<8x128x64xf32, #tpu.memory_space<vmem>> -> memref<1x128x64xf32, #tpu.memory_space<vmem>>
    %dma_wait3A_67 = tpu.memref_squeeze %dma_wait3A_66 : memref<1x128x64xf32, #tpu.memory_space<vmem>> -> memref<128x64xf32, #tpu.memory_space<vmem>>
    %dma_wait3A_68 = arith.constant 0 : i32
    %dma_wait3A_69 = tpu.memref_slice %arg6[%dma_wait3A, %dma_wait3A_68] : memref<32x128xi32, #tpu.memory_space<vmem>> -> memref<1x128xi32, #tpu.memory_space<vmem>>
    %dma_wait3A_70 = tpu.memref_squeeze %dma_wait3A_69 : memref<1x128xi32, #tpu.memory_space<vmem>> -> memref<128xi32, #tpu.memory_space<vmem>>
    %dma_wait3A_71 = arith.constant 0 : i32
    %dma_wait3A_72 = arith.constant 0 : i32
    %dma_wait3A_73 = tpu.memref_slice %arg3[%dma_wait3A_71, %dma_wait3A_72] : memref<1000000x64xf32, #tpu.memory_space<hbm>> -> memref<1000000x64xf32, #tpu.memory_space<hbm>>
    %dma_wait3A_74 = tpu.memref_slice %arg5[%dma_wait3A_63] : memref<8x!tpu.dma_semaphore, #tpu.memory_space<semaphore_mem>> -> memref<1x!tpu.dma_semaphore, #tpu.memory_space<semaphore_mem>>
    %dma_wait3A_75 = tpu.memref_squeeze %dma_wait3A_74 : memref<1x!tpu.dma_semaphore, #tpu.memory_space<semaphore_mem>> -> memref<!tpu.dma_semaphore, #tpu.memory_space<semaphore_mem>>
    tpu.wait_indirect_dma semaphore(%dma_wait3A_75 : memref<!tpu.dma_semaphore, #tpu.memory_space<semaphore_mem>>) src(%dma_wait3A_73 : memref<1000000x64xf32, #tpu.memory_space<hbm>>) dst(%dma_wait3A_67 : memref<128x64xf32, #tpu.memory_space<vmem>>)
    %add3A_76 = arith.constant 0 : i32
    %add3A_77 = arith.addi %mul3A_2, %add3A_76 : i32
    %dma_start3A_78 = arith.constant 0 : i32
    %dma_start3A_79 = arith.constant 0 : i32
    %dma_start3A_80 = arith.constant 0 : i32
    %dma_start3A_81 = arith.constant 0 : i32
    %dma_start3A_82 = tpu.memref_slice %arg7[%dma_start3A_78, %dma_start3A_80, %dma_start3A_81] : memref<8x128x64xf32, #tpu.memory_space<vmem>> -> memref<1x128x64xf32, #tpu.memory_space<vmem>>
    %dma_start3A_83 = tpu.memref_squeeze %dma_start3A_82 : memref<1x128x64xf32, #tpu.memory_space<vmem>> -> memref<128x64xf32, #tpu.memory_space<vmem>>
    %dma_start3A_84 = arith.constant 0 : i32
    %dma_start3A_85 = tpu.memref_slice %arg4[%add3A_77, %dma_start3A_84] : memref<131072x64xf32, #tpu.memory_space<hbm>> -> memref<128x64xf32, #tpu.memory_space<hbm>>
    %dma_start3A_86 = tpu.memref_slice %arg8[%dma_start3A_79] : memref<8x!tpu.dma_semaphore, #tpu.memory_space<semaphore_mem>> -> memref<1x!tpu.dma_semaphore, #tpu.memory_space<semaphore_mem>>
    %dma_start3A_87 = tpu.memref_squeeze %dma_start3A_86 : memref<1x!tpu.dma_semaphore, #tpu.memory_space<semaphore_mem>> -> memref<!tpu.dma_semaphore, #tpu.memory_space<semaphore_mem>>
    %dma_start3A_88 = arith.constant 0 : i32
    %dma_start3A_89 = tpu.memref_slice %arg4[%add3A_77, %dma_start3A_88] : memref<131072x64xf32, #tpu.memory_space<hbm>> -> memref<128x64xf32, #tpu.memory_space<hbm>>
    %dma_start3A_90 = arith.constant 0 : i32
    %dma_start3A_91 = arith.constant 0 : i32
    %dma_start3A_92 = tpu.memref_slice %arg7[%dma_start3A_78, %dma_start3A_90, %dma_start3A_91] : memref<8x128x64xf32, #tpu.memory_space<vmem>> -> memref<1x128x64xf32, #tpu.memory_space<vmem>>
    %dma_start3A_93 = tpu.memref_squeeze %dma_start3A_92 : memref<1x128x64xf32, #tpu.memory_space<vmem>> -> memref<128x64xf32, #tpu.memory_space<vmem>>
    tpu.enqueue_dma source(%dma_start3A_93 : memref<128x64xf32, #tpu.memory_space<vmem>>) target(%dma_start3A_89 : memref<128x64xf32, #tpu.memory_space<hbm>>) target_semaphore(%dma_start3A_87 : memref<!tpu.dma_semaphore, #tpu.memory_space<semaphore_mem>>)
    %dma_start3A_94 = arith.constant 4 : i32
    %dma_start3A_95 = arith.constant 4 : i32
    %dma_start3A_96 = arith.constant 4 : i32
    %dma_start3A_97 = arith.constant 0 : i32
    %dma_start3A_98 = arith.constant 0 : i32
    %dma_start3A_99 = tpu.memref_slice %arg7[%dma_start3A_95, %dma_start3A_97, %dma_start3A_98] : memref<8x128x64xf32, #tpu.memory_space<vmem>> -> memref<1x128x64xf32, #tpu.memory_space<vmem>>
    %dma_start3A_100 = tpu.memref_squeeze %dma_start3A_99 : memref<1x128x64xf32, #tpu.memory_space<vmem>> -> memref<128x64xf32, #tpu.memory_space<vmem>>
    %dma_start3A_101 = arith.constant 0 : i32
    %dma_start3A_102 = tpu.memref_slice %arg6[%dma_start3A_94, %dma_start3A_101] : memref<32x128xi32, #tpu.memory_space<vmem>> -> memref<1x128xi32, #tpu.memory_space<vmem>>
    %dma_start3A_103 = tpu.memref_squeeze %dma_start3A_102 : memref<1x128xi32, #tpu.memory_space<vmem>> -> memref<128xi32, #tpu.memory_space<vmem>>
    %dma_start3A_104 = arith.constant 0 : i32
    %dma_start3A_105 = arith.constant 0 : i32
    %dma_start3A_106 = tpu.memref_slice %arg3[%dma_start3A_104, %dma_start3A_105] : memref<1000000x64xf32, #tpu.memory_space<hbm>> -> memref<1000000x64xf32, #tpu.memory_space<hbm>>
    %dma_start3A_107 = tpu.memref_slice %arg5[%dma_start3A_96] : memref<8x!tpu.dma_semaphore, #tpu.memory_space<semaphore_mem>> -> memref<1x!tpu.dma_semaphore, #tpu.memory_space<semaphore_mem>>
    %dma_start3A_108 = tpu.memref_squeeze %dma_start3A_107 : memref<1x!tpu.dma_semaphore, #tpu.memory_space<semaphore_mem>> -> memref<!tpu.dma_semaphore, #tpu.memory_space<semaphore_mem>>
    tpu.enqueue_indirect_dma source(%dma_start3A_106 : memref<1000000x64xf32, #tpu.memory_space<hbm>>) target(%dma_start3A_100 : memref<128x64xf32, #tpu.memory_space<vmem>>) offsets(%dma_start3A_103 : memref<128xi32, #tpu.memory_space<vmem>>) semaphore(%dma_start3A_108 : memref<!tpu.dma_semaphore, #tpu.memory_space<semaphore_mem>>)
    %dma_wait3A_109 = arith.constant 1 : i32
    %dma_wait3A_110 = arith.constant 1 : i32
    %dma_wait3A_111 = arith.constant 1 : i32
    %dma_wait3A_112 = arith.constant 0 : i32
    %dma_wait3A_113 = arith.constant 0 : i32
    %dma_wait3A_114 = tpu.memref_slice %arg7[%dma_wait3A_110, %dma_wait3A_112, %dma_wait3A_113] : memref<8x128x64xf32, #tpu.memory_space<vmem>> -> memref<1x128x64xf32, #tpu.memory_space<vmem>>
    %dma_wait3A_115 = tpu.memref_squeeze %dma_wait3A_114 : memref<1x128x64xf32, #tpu.memory_space<vmem>> -> memref<128x64xf32, #tpu.memory_space<vmem>>
    %dma_wait3A_116 = arith.constant 0 : i32
    %dma_wait3A_117 = tpu.memref_slice %arg6[%dma_wait3A_109, %dma_wait3A_116] : memref<32x128xi32, #tpu.memory_space<vmem>> -> memref<1x128xi32, #tpu.memory_space<vmem>>
    %dma_wait3A_118 = tpu.memref_squeeze %dma_wait3A_117 : memref<1x128xi32, #tpu.memory_space<vmem>> -> memref<128xi32, #tpu.memory_space<vmem>>
    %dma_wait3A_119 = arith.constant 0 : i32
    %dma_wait3A_120 = arith.constant 0 : i32
    %dma_wait3A_121 = tpu.memref_slice %arg3[%dma_wait3A_119, %dma_wait3A_120] : memref<1000000x64xf32, #tpu.memory_space<hbm>> -> memref<1000000x64xf32, #tpu.memory_space<hbm>>
    %dma_wait3A_122 = tpu.memref_slice %arg5[%dma_wait3A_111] : memref<8x!tpu.dma_semaphore, #tpu.memory_space<semaphore_mem>> -> memref<1x!tpu.dma_semaphore, #tpu.memory_space<semaphore_mem>>
    %dma_wait3A_123 = tpu.memref_squeeze %dma_wait3A_122 : memref<1x!tpu.dma_semaphore, #tpu.memory_space<semaphore_mem>> -> memref<!tpu.dma_semaphore, #tpu.memory_space<semaphore_mem>>
    tpu.wait_indirect_dma semaphore(%dma_wait3A_123 : memref<!tpu.dma_semaphore, #tpu.memory_space<semaphore_mem>>) src(%dma_wait3A_121 : memref<1000000x64xf32, #tpu.memory_space<hbm>>) dst(%dma_wait3A_115 : memref<128x64xf32, #tpu.memory_space<vmem>>)
    %add3A_124 = arith.constant 128 : i32
    %add3A_125 = arith.addi %mul3A_2, %add3A_124 : i32
    %dma_start3A_126 = arith.constant 1 : i32
    %dma_start3A_127 = arith.constant 1 : i32
    %dma_start3A_128 = arith.constant 0 : i32
    %dma_start3A_129 = arith.constant 0 : i32
    %dma_start3A_130 = tpu.memref_slice %arg7[%dma_start3A_126, %dma_start3A_128, %dma_start3A_129] : memref<8x128x64xf32, #tpu.memory_space<vmem>> -> memref<1x128x64xf32, #tpu.memory_space<vmem>>
    %dma_start3A_131 = tpu.memref_squeeze %dma_start3A_130 : memref<1x128x64xf32, #tpu.memory_space<vmem>> -> memref<128x64xf32, #tpu.memory_space<vmem>>
    %dma_start3A_132 = arith.constant 0 : i32
    %dma_start3A_133 = tpu.memref_slice %arg4[%add3A_125, %dma_start3A_132] : memref<131072x64xf32, #tpu.memory_space<hbm>> -> memref<128x64xf32, #tpu.memory_space<hbm>>
    %dma_start3A_134 = tpu.memref_slice %arg8[%dma_start3A_127] : memref<8x!tpu.dma_semaphore, #tpu.memory_space<semaphore_mem>> -> memref<1x!tpu.dma_semaphore, #tpu.memory_space<semaphore_mem>>
    %dma_start3A_135 = tpu.memref_squeeze %dma_start3A_134 : memref<1x!tpu.dma_semaphore, #tpu.memory_space<semaphore_mem>> -> memref<!tpu.dma_semaphore, #tpu.memory_space<semaphore_mem>>
    %dma_start3A_136 = arith.constant 0 : i32
    %dma_start3A_137 = tpu.memref_slice %arg4[%add3A_125, %dma_start3A_136] : memref<131072x64xf32, #tpu.memory_space<hbm>> -> memref<128x64xf32, #tpu.memory_space<hbm>>
    %dma_start3A_138 = arith.constant 0 : i32
    %dma_start3A_139 = arith.constant 0 : i32
    %dma_start3A_140 = tpu.memref_slice %arg7[%dma_start3A_126, %dma_start3A_138, %dma_start3A_139] : memref<8x128x64xf32, #tpu.memory_space<vmem>> -> memref<1x128x64xf32, #tpu.memory_space<vmem>>
    %dma_start3A_141 = tpu.memref_squeeze %dma_start3A_140 : memref<1x128x64xf32, #tpu.memory_space<vmem>> -> memref<128x64xf32, #tpu.memory_space<vmem>>
    tpu.enqueue_dma source(%dma_start3A_141 : memref<128x64xf32, #tpu.memory_space<vmem>>) target(%dma_start3A_137 : memref<128x64xf32, #tpu.memory_space<hbm>>) target_semaphore(%dma_start3A_135 : memref<!tpu.dma_semaphore, #tpu.memory_space<semaphore_mem>>)
    %dma_start3A_142 = arith.constant 5 : i32
    %dma_start3A_143 = arith.constant 5 : i32
    %dma_start3A_144 = arith.constant 5 : i32
    %dma_start3A_145 = arith.constant 0 : i32
    %dma_start3A_146 = arith.constant 0 : i32
    %dma_start3A_147 = tpu.memref_slice %arg7[%dma_start3A_143, %dma_start3A_145, %dma_start3A_146] : memref<8x128x64xf32, #tpu.memory_space<vmem>> -> memref<1x128x64xf32, #tpu.memory_space<vmem>>
    %dma_start3A_148 = tpu.memref_squeeze %dma_start3A_147 : memref<1x128x64xf32, #tpu.memory_space<vmem>> -> memref<128x64xf32, #tpu.memory_space<vmem>>
    %dma_start3A_149 = arith.constant 0 : i32
    %dma_start3A_150 = tpu.memref_slice %arg6[%dma_start3A_142, %dma_start3A_149] : memref<32x128xi32, #tpu.memory_space<vmem>> -> memref<1x128xi32, #tpu.memory_space<vmem>>
    %dma_start3A_151 = tpu.memref_squeeze %dma_start3A_150 : memref<1x128xi32, #tpu.memory_space<vmem>> -> memref<128xi32, #tpu.memory_space<vmem>>
    %dma_start3A_152 = arith.constant 0 : i32
    %dma_start3A_153 = arith.constant 0 : i32
    %dma_start3A_154 = tpu.memref_slice %arg3[%dma_start3A_152, %dma_start3A_153] : memref<1000000x64xf32, #tpu.memory_space<hbm>> -> memref<1000000x64xf32, #tpu.memory_space<hbm>>
    %dma_start3A_155 = tpu.memref_slice %arg5[%dma_start3A_144] : memref<8x!tpu.dma_semaphore, #tpu.memory_space<semaphore_mem>> -> memref<1x!tpu.dma_semaphore, #tpu.memory_space<semaphore_mem>>
    %dma_start3A_156 = tpu.memref_squeeze %dma_start3A_155 : memref<1x!tpu.dma_semaphore, #tpu.memory_space<semaphore_mem>> -> memref<!tpu.dma_semaphore, #tpu.memory_space<semaphore_mem>>
    tpu.enqueue_indirect_dma source(%dma_start3A_154 : memref<1000000x64xf32, #tpu.memory_space<hbm>>) target(%dma_start3A_148 : memref<128x64xf32, #tpu.memory_space<vmem>>) offsets(%dma_start3A_151 : memref<128xi32, #tpu.memory_space<vmem>>) semaphore(%dma_start3A_156 : memref<!tpu.dma_semaphore, #tpu.memory_space<semaphore_mem>>)
    %dma_wait3A_157 = arith.constant 2 : i32
    %dma_wait3A_158 = arith.constant 2 : i32
    %dma_wait3A_159 = arith.constant 2 : i32
    %dma_wait3A_160 = arith.constant 0 : i32
    %dma_wait3A_161 = arith.constant 0 : i32
    %dma_wait3A_162 = tpu.memref_slice %arg7[%dma_wait3A_158, %dma_wait3A_160, %dma_wait3A_161] : memref<8x128x64xf32, #tpu.memory_space<vmem>> -> memref<1x128x64xf32, #tpu.memory_space<vmem>>
    %dma_wait3A_163 = tpu.memref_squeeze %dma_wait3A_162 : memref<1x128x64xf32, #tpu.memory_space<vmem>> -> memref<128x64xf32, #tpu.memory_space<vmem>>
    %dma_wait3A_164 = arith.constant 0 : i32
    %dma_wait3A_165 = tpu.memref_slice %arg6[%dma_wait3A_157, %dma_wait3A_164] : memref<32x128xi32, #tpu.memory_space<vmem>> -> memref<1x128xi32, #tpu.memory_space<vmem>>
    %dma_wait3A_166 = tpu.memref_squeeze %dma_wait3A_165 : memref<1x128xi32, #tpu.memory_space<vmem>> -> memref<128xi32, #tpu.memory_space<vmem>>
    %dma_wait3A_167 = arith.constant 0 : i32
    %dma_wait3A_168 = arith.constant 0 : i32
    %dma_wait3A_169 = tpu.memref_slice %arg3[%dma_wait3A_167, %dma_wait3A_168] : memref<1000000x64xf32, #tpu.memory_space<hbm>> -> memref<1000000x64xf32, #tpu.memory_space<hbm>>
    %dma_wait3A_170 = tpu.memref_slice %arg5[%dma_wait3A_159] : memref<8x!tpu.dma_semaphore, #tpu.memory_space<semaphore_mem>> -> memref<1x!tpu.dma_semaphore, #tpu.memory_space<semaphore_mem>>
    %dma_wait3A_171 = tpu.memref_squeeze %dma_wait3A_170 : memref<1x!tpu.dma_semaphore, #tpu.memory_space<semaphore_mem>> -> memref<!tpu.dma_semaphore, #tpu.memory_space<semaphore_mem>>
    tpu.wait_indirect_dma semaphore(%dma_wait3A_171 : memref<!tpu.dma_semaphore, #tpu.memory_space<semaphore_mem>>) src(%dma_wait3A_169 : memref<1000000x64xf32, #tpu.memory_space<hbm>>) dst(%dma_wait3A_163 : memref<128x64xf32, #tpu.memory_space<vmem>>)
    %add3A_172 = arith.constant 256 : i32
    %add3A_173 = arith.addi %mul3A_2, %add3A_172 : i32
    %dma_start3A_174 = arith.constant 2 : i32
    %dma_start3A_175 = arith.constant 2 : i32
    %dma_start3A_176 = arith.constant 0 : i32
    %dma_start3A_177 = arith.constant 0 : i32
    %dma_start3A_178 = tpu.memref_slice %arg7[%dma_start3A_174, %dma_start3A_176, %dma_start3A_177] : memref<8x128x64xf32, #tpu.memory_space<vmem>> -> memref<1x128x64xf32, #tpu.memory_space<vmem>>
    %dma_start3A_179 = tpu.memref_squeeze %dma_start3A_178 : memref<1x128x64xf32, #tpu.memory_space<vmem>> -> memref<128x64xf32, #tpu.memory_space<vmem>>
    %dma_start3A_180 = arith.constant 0 : i32
    %dma_start3A_181 = tpu.memref_slice %arg4[%add3A_173, %dma_start3A_180] : memref<131072x64xf32, #tpu.memory_space<hbm>> -> memref<128x64xf32, #tpu.memory_space<hbm>>
    %dma_start3A_182 = tpu.memref_slice %arg8[%dma_start3A_175] : memref<8x!tpu.dma_semaphore, #tpu.memory_space<semaphore_mem>> -> memref<1x!tpu.dma_semaphore, #tpu.memory_space<semaphore_mem>>
    %dma_start3A_183 = tpu.memref_squeeze %dma_start3A_182 : memref<1x!tpu.dma_semaphore, #tpu.memory_space<semaphore_mem>> -> memref<!tpu.dma_semaphore, #tpu.memory_space<semaphore_mem>>
    %dma_start3A_184 = arith.constant 0 : i32
    %dma_start3A_185 = tpu.memref_slice %arg4[%add3A_173, %dma_start3A_184] : memref<131072x64xf32, #tpu.memory_space<hbm>> -> memref<128x64xf32, #tpu.memory_space<hbm>>
    %dma_start3A_186 = arith.constant 0 : i32
    %dma_start3A_187 = arith.constant 0 : i32
    %dma_start3A_188 = tpu.memref_slice %arg7[%dma_start3A_174, %dma_start3A_186, %dma_start3A_187] : memref<8x128x64xf32, #tpu.memory_space<vmem>> -> memref<1x128x64xf32, #tpu.memory_space<vmem>>
    %dma_start3A_189 = tpu.memref_squeeze %dma_start3A_188 : memref<1x128x64xf32, #tpu.memory_space<vmem>> -> memref<128x64xf32, #tpu.memory_space<vmem>>
    tpu.enqueue_dma source(%dma_start3A_189 : memref<128x64xf32, #tpu.memory_space<vmem>>) target(%dma_start3A_185 : memref<128x64xf32, #tpu.memory_space<hbm>>) target_semaphore(%dma_start3A_183 : memref<!tpu.dma_semaphore, #tpu.memory_space<semaphore_mem>>)
    %dma_start3A_190 = arith.constant 6 : i32
    %dma_start3A_191 = arith.constant 6 : i32
    %dma_start3A_192 = arith.constant 6 : i32
    %dma_start3A_193 = arith.constant 0 : i32
    %dma_start3A_194 = arith.constant 0 : i32
    %dma_start3A_195 = tpu.memref_slice %arg7[%dma_start3A_191, %dma_start3A_193, %dma_start3A_194] : memref<8x128x64xf32, #tpu.memory_space<vmem>> -> memref<1x128x64xf32, #tpu.memory_space<vmem>>
    %dma_start3A_196 = tpu.memref_squeeze %dma_start3A_195 : memref<1x128x64xf32, #tpu.memory_space<vmem>> -> memref<128x64xf32, #tpu.memory_space<vmem>>
    %dma_start3A_197 = arith.constant 0 : i32
    %dma_start3A_198 = tpu.memref_slice %arg6[%dma_start3A_190, %dma_start3A_197] : memref<32x128xi32, #tpu.memory_space<vmem>> -> memref<1x128xi32, #tpu.memory_space<vmem>>
    %dma_start3A_199 = tpu.memref_squeeze %dma_start3A_198 : memref<1x128xi32, #tpu.memory_space<vmem>> -> memref<128xi32, #tpu.memory_space<vmem>>
    %dma_start3A_200 = arith.constant 0 : i32
    %dma_start3A_201 = arith.constant 0 : i32
    %dma_start3A_202 = tpu.memref_slice %arg3[%dma_start3A_200, %dma_start3A_201] : memref<1000000x64xf32, #tpu.memory_space<hbm>> -> memref<1000000x64xf32, #tpu.memory_space<hbm>>
    %dma_start3A_203 = tpu.memref_slice %arg5[%dma_start3A_192] : memref<8x!tpu.dma_semaphore, #tpu.memory_space<semaphore_mem>> -> memref<1x!tpu.dma_semaphore, #tpu.memory_space<semaphore_mem>>
    %dma_start3A_204 = tpu.memref_squeeze %dma_start3A_203 : memref<1x!tpu.dma_semaphore, #tpu.memory_space<semaphore_mem>> -> memref<!tpu.dma_semaphore, #tpu.memory_space<semaphore_mem>>
    tpu.enqueue_indirect_dma source(%dma_start3A_202 : memref<1000000x64xf32, #tpu.memory_space<hbm>>) target(%dma_start3A_196 : memref<128x64xf32, #tpu.memory_space<vmem>>) offsets(%dma_start3A_199 : memref<128xi32, #tpu.memory_space<vmem>>) semaphore(%dma_start3A_204 : memref<!tpu.dma_semaphore, #tpu.memory_space<semaphore_mem>>)
    %dma_wait3A_205 = arith.constant 3 : i32
    %dma_wait3A_206 = arith.constant 3 : i32
    %dma_wait3A_207 = arith.constant 3 : i32
    %dma_wait3A_208 = arith.constant 0 : i32
    %dma_wait3A_209 = arith.constant 0 : i32
    %dma_wait3A_210 = tpu.memref_slice %arg7[%dma_wait3A_206, %dma_wait3A_208, %dma_wait3A_209] : memref<8x128x64xf32, #tpu.memory_space<vmem>> -> memref<1x128x64xf32, #tpu.memory_space<vmem>>
    %dma_wait3A_211 = tpu.memref_squeeze %dma_wait3A_210 : memref<1x128x64xf32, #tpu.memory_space<vmem>> -> memref<128x64xf32, #tpu.memory_space<vmem>>
    %dma_wait3A_212 = arith.constant 0 : i32
    %dma_wait3A_213 = tpu.memref_slice %arg6[%dma_wait3A_205, %dma_wait3A_212] : memref<32x128xi32, #tpu.memory_space<vmem>> -> memref<1x128xi32, #tpu.memory_space<vmem>>
    %dma_wait3A_214 = tpu.memref_squeeze %dma_wait3A_213 : memref<1x128xi32, #tpu.memory_space<vmem>> -> memref<128xi32, #tpu.memory_space<vmem>>
    %dma_wait3A_215 = arith.constant 0 : i32
    %dma_wait3A_216 = arith.constant 0 : i32
    %dma_wait3A_217 = tpu.memref_slice %arg3[%dma_wait3A_215, %dma_wait3A_216] : memref<1000000x64xf32, #tpu.memory_space<hbm>> -> memref<1000000x64xf32, #tpu.memory_space<hbm>>
    %dma_wait3A_218 = tpu.memref_slice %arg5[%dma_wait3A_207] : memref<8x!tpu.dma_semaphore, #tpu.memory_space<semaphore_mem>> -> memref<1x!tpu.dma_semaphore, #tpu.memory_space<semaphore_mem>>
    %dma_wait3A_219 = tpu.memref_squeeze %dma_wait3A_218 : memref<1x!tpu.dma_semaphore, #tpu.memory_space<semaphore_mem>> -> memref<!tpu.dma_semaphore, #tpu.memory_space<semaphore_mem>>
    tpu.wait_indirect_dma semaphore(%dma_wait3A_219 : memref<!tpu.dma_semaphore, #tpu.memory_space<semaphore_mem>>) src(%dma_wait3A_217 : memref<1000000x64xf32, #tpu.memory_space<hbm>>) dst(%dma_wait3A_211 : memref<128x64xf32, #tpu.memory_space<vmem>>)
    %add3A_220 = arith.constant 384 : i32
    %add3A_221 = arith.addi %mul3A_2, %add3A_220 : i32
    %dma_start3A_222 = arith.constant 3 : i32
    %dma_start3A_223 = arith.constant 3 : i32
    %dma_start3A_224 = arith.constant 0 : i32
    %dma_start3A_225 = arith.constant 0 : i32
    %dma_start3A_226 = tpu.memref_slice %arg7[%dma_start3A_222, %dma_start3A_224, %dma_start3A_225] : memref<8x128x64xf32, #tpu.memory_space<vmem>> -> memref<1x128x64xf32, #tpu.memory_space<vmem>>
    %dma_start3A_227 = tpu.memref_squeeze %dma_start3A_226 : memref<1x128x64xf32, #tpu.memory_space<vmem>> -> memref<128x64xf32, #tpu.memory_space<vmem>>
    %dma_start3A_228 = arith.constant 0 : i32
    %dma_start3A_229 = tpu.memref_slice %arg4[%add3A_221, %dma_start3A_228] : memref<131072x64xf32, #tpu.memory_space<hbm>> -> memref<128x64xf32, #tpu.memory_space<hbm>>
    %dma_start3A_230 = tpu.memref_slice %arg8[%dma_start3A_223] : memref<8x!tpu.dma_semaphore, #tpu.memory_space<semaphore_mem>> -> memref<1x!tpu.dma_semaphore, #tpu.memory_space<semaphore_mem>>
    %dma_start3A_231 = tpu.memref_squeeze %dma_start3A_230 : memref<1x!tpu.dma_semaphore, #tpu.memory_space<semaphore_mem>> -> memref<!tpu.dma_semaphore, #tpu.memory_space<semaphore_mem>>
    %dma_start3A_232 = arith.constant 0 : i32
    %dma_start3A_233 = tpu.memref_slice %arg4[%add3A_221, %dma_start3A_232] : memref<131072x64xf32, #tpu.memory_space<hbm>> -> memref<128x64xf32, #tpu.memory_space<hbm>>
    %dma_start3A_234 = arith.constant 0 : i32
    %dma_start3A_235 = arith.constant 0 : i32
    %dma_start3A_236 = tpu.memref_slice %arg7[%dma_start3A_222, %dma_start3A_234, %dma_start3A_235] : memref<8x128x64xf32, #tpu.memory_space<vmem>> -> memref<1x128x64xf32, #tpu.memory_space<vmem>>
    %dma_start3A_237 = tpu.memref_squeeze %dma_start3A_236 : memref<1x128x64xf32, #tpu.memory_space<vmem>> -> memref<128x64xf32, #tpu.memory_space<vmem>>
    tpu.enqueue_dma source(%dma_start3A_237 : memref<128x64xf32, #tpu.memory_space<vmem>>) target(%dma_start3A_233 : memref<128x64xf32, #tpu.memory_space<hbm>>) target_semaphore(%dma_start3A_231 : memref<!tpu.dma_semaphore, #tpu.memory_space<semaphore_mem>>)
    %dma_start3A_238 = arith.constant 7 : i32
    %dma_start3A_239 = arith.constant 7 : i32
    %dma_start3A_240 = arith.constant 7 : i32
    %dma_start3A_241 = arith.constant 0 : i32
    %dma_start3A_242 = arith.constant 0 : i32
    %dma_start3A_243 = tpu.memref_slice %arg7[%dma_start3A_239, %dma_start3A_241, %dma_start3A_242] : memref<8x128x64xf32, #tpu.memory_space<vmem>> -> memref<1x128x64xf32, #tpu.memory_space<vmem>>
    %dma_start3A_244 = tpu.memref_squeeze %dma_start3A_243 : memref<1x128x64xf32, #tpu.memory_space<vmem>> -> memref<128x64xf32, #tpu.memory_space<vmem>>
    %dma_start3A_245 = arith.constant 0 : i32
    %dma_start3A_246 = tpu.memref_slice %arg6[%dma_start3A_238, %dma_start3A_245] : memref<32x128xi32, #tpu.memory_space<vmem>> -> memref<1x128xi32, #tpu.memory_space<vmem>>
    %dma_start3A_247 = tpu.memref_squeeze %dma_start3A_246 : memref<1x128xi32, #tpu.memory_space<vmem>> -> memref<128xi32, #tpu.memory_space<vmem>>
    %dma_start3A_248 = arith.constant 0 : i32
    %dma_start3A_249 = arith.constant 0 : i32
    %dma_start3A_250 = tpu.memref_slice %arg3[%dma_start3A_248, %dma_start3A_249] : memref<1000000x64xf32, #tpu.memory_space<hbm>> -> memref<1000000x64xf32, #tpu.memory_space<hbm>>
    %dma_start3A_251 = tpu.memref_slice %arg5[%dma_start3A_240] : memref<8x!tpu.dma_semaphore, #tpu.memory_space<semaphore_mem>> -> memref<1x!tpu.dma_semaphore, #tpu.memory_space<semaphore_mem>>
    %dma_start3A_252 = tpu.memref_squeeze %dma_start3A_251 : memref<1x!tpu.dma_semaphore, #tpu.memory_space<semaphore_mem>> -> memref<!tpu.dma_semaphore, #tpu.memory_space<semaphore_mem>>
    tpu.enqueue_indirect_dma source(%dma_start3A_250 : memref<1000000x64xf32, #tpu.memory_space<hbm>>) target(%dma_start3A_244 : memref<128x64xf32, #tpu.memory_space<vmem>>) offsets(%dma_start3A_247 : memref<128xi32, #tpu.memory_space<vmem>>) semaphore(%dma_start3A_252 : memref<!tpu.dma_semaphore, #tpu.memory_space<semaphore_mem>>)
    %dma_wait3A_253 = arith.constant 4 : i32
    %dma_wait3A_254 = arith.constant 4 : i32
    %dma_wait3A_255 = arith.constant 4 : i32
    %dma_wait3A_256 = arith.constant 0 : i32
    %dma_wait3A_257 = arith.constant 0 : i32
    %dma_wait3A_258 = tpu.memref_slice %arg7[%dma_wait3A_254, %dma_wait3A_256, %dma_wait3A_257] : memref<8x128x64xf32, #tpu.memory_space<vmem>> -> memref<1x128x64xf32, #tpu.memory_space<vmem>>
    %dma_wait3A_259 = tpu.memref_squeeze %dma_wait3A_258 : memref<1x128x64xf32, #tpu.memory_space<vmem>> -> memref<128x64xf32, #tpu.memory_space<vmem>>
    %dma_wait3A_260 = arith.constant 0 : i32
    %dma_wait3A_261 = tpu.memref_slice %arg6[%dma_wait3A_253, %dma_wait3A_260] : memref<32x128xi32, #tpu.memory_space<vmem>> -> memref<1x128xi32, #tpu.memory_space<vmem>>
    %dma_wait3A_262 = tpu.memref_squeeze %dma_wait3A_261 : memref<1x128xi32, #tpu.memory_space<vmem>> -> memref<128xi32, #tpu.memory_space<vmem>>
    %dma_wait3A_263 = arith.constant 0 : i32
    %dma_wait3A_264 = arith.constant 0 : i32
    %dma_wait3A_265 = tpu.memref_slice %arg3[%dma_wait3A_263, %dma_wait3A_264] : memref<1000000x64xf32, #tpu.memory_space<hbm>> -> memref<1000000x64xf32, #tpu.memory_space<hbm>>
    %dma_wait3A_266 = tpu.memref_slice %arg5[%dma_wait3A_255] : memref<8x!tpu.dma_semaphore, #tpu.memory_space<semaphore_mem>> -> memref<1x!tpu.dma_semaphore, #tpu.memory_space<semaphore_mem>>
    %dma_wait3A_267 = tpu.memref_squeeze %dma_wait3A_266 : memref<1x!tpu.dma_semaphore, #tpu.memory_space<semaphore_mem>> -> memref<!tpu.dma_semaphore, #tpu.memory_space<semaphore_mem>>
    tpu.wait_indirect_dma semaphore(%dma_wait3A_267 : memref<!tpu.dma_semaphore, #tpu.memory_space<semaphore_mem>>) src(%dma_wait3A_265 : memref<1000000x64xf32, #tpu.memory_space<hbm>>) dst(%dma_wait3A_259 : memref<128x64xf32, #tpu.memory_space<vmem>>)
    %add3A_268 = arith.constant 512 : i32
    %add3A_269 = arith.addi %mul3A_2, %add3A_268 : i32
    %dma_start3A_270 = arith.constant 4 : i32
    %dma_start3A_271 = arith.constant 4 : i32
    %dma_start3A_272 = arith.constant 0 : i32
    %dma_start3A_273 = arith.constant 0 : i32
    %dma_start3A_274 = tpu.memref_slice %arg7[%dma_start3A_270, %dma_start3A_272, %dma_start3A_273] : memref<8x128x64xf32, #tpu.memory_space<vmem>> -> memref<1x128x64xf32, #tpu.memory_space<vmem>>
    %dma_start3A_275 = tpu.memref_squeeze %dma_start3A_274 : memref<1x128x64xf32, #tpu.memory_space<vmem>> -> memref<128x64xf32, #tpu.memory_space<vmem>>
    %dma_start3A_276 = arith.constant 0 : i32
    %dma_start3A_277 = tpu.memref_slice %arg4[%add3A_269, %dma_start3A_276] : memref<131072x64xf32, #tpu.memory_space<hbm>> -> memref<128x64xf32, #tpu.memory_space<hbm>>
    %dma_start3A_278 = tpu.memref_slice %arg8[%dma_start3A_271] : memref<8x!tpu.dma_semaphore, #tpu.memory_space<semaphore_mem>> -> memref<1x!tpu.dma_semaphore, #tpu.memory_space<semaphore_mem>>
    %dma_start3A_279 = tpu.memref_squeeze %dma_start3A_278 : memref<1x!tpu.dma_semaphore, #tpu.memory_space<semaphore_mem>> -> memref<!tpu.dma_semaphore, #tpu.memory_space<semaphore_mem>>
    %dma_start3A_280 = arith.constant 0 : i32
    %dma_start3A_281 = tpu.memref_slice %arg4[%add3A_269, %dma_start3A_280] : memref<131072x64xf32, #tpu.memory_space<hbm>> -> memref<128x64xf32, #tpu.memory_space<hbm>>
    %dma_start3A_282 = arith.constant 0 : i32
    %dma_start3A_283 = arith.constant 0 : i32
    %dma_start3A_284 = tpu.memref_slice %arg7[%dma_start3A_270, %dma_start3A_282, %dma_start3A_283] : memref<8x128x64xf32, #tpu.memory_space<vmem>> -> memref<1x128x64xf32, #tpu.memory_space<vmem>>
    %dma_start3A_285 = tpu.memref_squeeze %dma_start3A_284 : memref<1x128x64xf32, #tpu.memory_space<vmem>> -> memref<128x64xf32, #tpu.memory_space<vmem>>
    tpu.enqueue_dma source(%dma_start3A_285 : memref<128x64xf32, #tpu.memory_space<vmem>>) target(%dma_start3A_281 : memref<128x64xf32, #tpu.memory_space<hbm>>) target_semaphore(%dma_start3A_279 : memref<!tpu.dma_semaphore, #tpu.memory_space<semaphore_mem>>)
    %add3A_286 = arith.constant 0 : i32
    %add3A_287 = arith.addi %mul3A_2, %add3A_286 : i32
    %dma_wait3A_288 = arith.constant 0 : i32
    %dma_wait3A_289 = arith.constant 0 : i32
    %dma_wait3A_290 = arith.constant 0 : i32
    %dma_wait3A_291 = arith.constant 0 : i32
    %dma_wait3A_292 = tpu.memref_slice %arg7[%dma_wait3A_288, %dma_wait3A_290, %dma_wait3A_291] : memref<8x128x64xf32, #tpu.memory_space<vmem>> -> memref<1x128x64xf32, #tpu.memory_space<vmem>>
    %dma_wait3A_293 = tpu.memref_squeeze %dma_wait3A_292 : memref<1x128x64xf32, #tpu.memory_space<vmem>> -> memref<128x64xf32, #tpu.memory_space<vmem>>
    %dma_wait3A_294 = arith.constant 0 : i32
    %dma_wait3A_295 = tpu.memref_slice %arg4[%add3A_287, %dma_wait3A_294] : memref<131072x64xf32, #tpu.memory_space<hbm>> -> memref<128x64xf32, #tpu.memory_space<hbm>>
    %dma_wait3A_296 = tpu.memref_slice %arg8[%dma_wait3A_289] : memref<8x!tpu.dma_semaphore, #tpu.memory_space<semaphore_mem>> -> memref<1x!tpu.dma_semaphore, #tpu.memory_space<semaphore_mem>>
    %dma_wait3A_297 = tpu.memref_squeeze %dma_wait3A_296 : memref<1x!tpu.dma_semaphore, #tpu.memory_space<semaphore_mem>> -> memref<!tpu.dma_semaphore, #tpu.memory_space<semaphore_mem>>
    %dma_wait3A_298 = arith.constant 0 : i32
    %dma_wait3A_299 = tpu.memref_slice %arg4[%add3A_287, %dma_wait3A_298] : memref<131072x64xf32, #tpu.memory_space<hbm>> -> memref<128x64xf32, #tpu.memory_space<hbm>>
    %dma_wait3A_300 = arith.constant 0 : i32
    %dma_wait3A_301 = arith.constant 0 : i32
    %dma_wait3A_302 = tpu.memref_slice %arg7[%dma_wait3A_288, %dma_wait3A_300, %dma_wait3A_301] : memref<8x128x64xf32, #tpu.memory_space<vmem>> -> memref<1x128x64xf32, #tpu.memory_space<vmem>>
    %dma_wait3A_303 = tpu.memref_squeeze %dma_wait3A_302 : memref<1x128x64xf32, #tpu.memory_space<vmem>> -> memref<128x64xf32, #tpu.memory_space<vmem>>
    tpu.wait_dma2 semaphore(%dma_wait3A_297 : memref<!tpu.dma_semaphore, #tpu.memory_space<semaphore_mem>>) src(%dma_wait3A_303 : memref<128x64xf32, #tpu.memory_space<vmem>>) dst(%dma_wait3A_299 : memref<128x64xf32, #tpu.memory_space<hbm>>)
    %dma_start3A_304 = arith.constant 8 : i32
    %dma_start3A_305 = arith.constant 0 : i32
    %dma_start3A_306 = arith.constant 0 : i32
    %dma_start3A_307 = arith.constant 0 : i32
    %dma_start3A_308 = arith.constant 0 : i32
    %dma_start3A_309 = tpu.memref_slice %arg7[%dma_start3A_305, %dma_start3A_307, %dma_start3A_308] : memref<8x128x64xf32, #tpu.memory_space<vmem>> -> memref<1x128x64xf32, #tpu.memory_space<vmem>>
    %dma_start3A_310 = tpu.memref_squeeze %dma_start3A_309 : memref<1x128x64xf32, #tpu.memory_space<vmem>> -> memref<128x64xf32, #tpu.memory_space<vmem>>
    %dma_start3A_311 = arith.constant 0 : i32
    %dma_start3A_312 = tpu.memref_slice %arg6[%dma_start3A_304, %dma_start3A_311] : memref<32x128xi32, #tpu.memory_space<vmem>> -> memref<1x128xi32, #tpu.memory_space<vmem>>
    %dma_start3A_313 = tpu.memref_squeeze %dma_start3A_312 : memref<1x128xi32, #tpu.memory_space<vmem>> -> memref<128xi32, #tpu.memory_space<vmem>>
    %dma_start3A_314 = arith.constant 0 : i32
    %dma_start3A_315 = arith.constant 0 : i32
    %dma_start3A_316 = tpu.memref_slice %arg3[%dma_start3A_314, %dma_start3A_315] : memref<1000000x64xf32, #tpu.memory_space<hbm>> -> memref<1000000x64xf32, #tpu.memory_space<hbm>>
    %dma_start3A_317 = tpu.memref_slice %arg5[%dma_start3A_306] : memref<8x!tpu.dma_semaphore, #tpu.memory_space<semaphore_mem>> -> memref<1x!tpu.dma_semaphore, #tpu.memory_space<semaphore_mem>>
    %dma_start3A_318 = tpu.memref_squeeze %dma_start3A_317 : memref<1x!tpu.dma_semaphore, #tpu.memory_space<semaphore_mem>> -> memref<!tpu.dma_semaphore, #tpu.memory_space<semaphore_mem>>
    tpu.enqueue_indirect_dma source(%dma_start3A_316 : memref<1000000x64xf32, #tpu.memory_space<hbm>>) target(%dma_start3A_310 : memref<128x64xf32, #tpu.memory_space<vmem>>) offsets(%dma_start3A_313 : memref<128xi32, #tpu.memory_space<vmem>>) semaphore(%dma_start3A_318 : memref<!tpu.dma_semaphore, #tpu.memory_space<semaphore_mem>>)
    %dma_wait3A_319 = arith.constant 5 : i32
    %dma_wait3A_320 = arith.constant 5 : i32
    %dma_wait3A_321 = arith.constant 5 : i32
    %dma_wait3A_322 = arith.constant 0 : i32
    %dma_wait3A_323 = arith.constant 0 : i32
    %dma_wait3A_324 = tpu.memref_slice %arg7[%dma_wait3A_320, %dma_wait3A_322, %dma_wait3A_323] : memref<8x128x64xf32, #tpu.memory_space<vmem>> -> memref<1x128x64xf32, #tpu.memory_space<vmem>>
    %dma_wait3A_325 = tpu.memref_squeeze %dma_wait3A_324 : memref<1x128x64xf32, #tpu.memory_space<vmem>> -> memref<128x64xf32, #tpu.memory_space<vmem>>
    %dma_wait3A_326 = arith.constant 0 : i32
    %dma_wait3A_327 = tpu.memref_slice %arg6[%dma_wait3A_319, %dma_wait3A_326] : memref<32x128xi32, #tpu.memory_space<vmem>> -> memref<1x128xi32, #tpu.memory_space<vmem>>
    %dma_wait3A_328 = tpu.memref_squeeze %dma_wait3A_327 : memref<1x128xi32, #tpu.memory_space<vmem>> -> memref<128xi32, #tpu.memory_space<vmem>>
    %dma_wait3A_329 = arith.constant 0 : i32
    %dma_wait3A_330 = arith.constant 0 : i32
    %dma_wait3A_331 = tpu.memref_slice %arg3[%dma_wait3A_329, %dma_wait3A_330] : memref<1000000x64xf32, #tpu.memory_space<hbm>> -> memref<1000000x64xf32, #tpu.memory_space<hbm>>
    %dma_wait3A_332 = tpu.memref_slice %arg5[%dma_wait3A_321] : memref<8x!tpu.dma_semaphore, #tpu.memory_space<semaphore_mem>> -> memref<1x!tpu.dma_semaphore, #tpu.memory_space<semaphore_mem>>
    %dma_wait3A_333 = tpu.memref_squeeze %dma_wait3A_332 : memref<1x!tpu.dma_semaphore, #tpu.memory_space<semaphore_mem>> -> memref<!tpu.dma_semaphore, #tpu.memory_space<semaphore_mem>>
    tpu.wait_indirect_dma semaphore(%dma_wait3A_333 : memref<!tpu.dma_semaphore, #tpu.memory_space<semaphore_mem>>) src(%dma_wait3A_331 : memref<1000000x64xf32, #tpu.memory_space<hbm>>) dst(%dma_wait3A_325 : memref<128x64xf32, #tpu.memory_space<vmem>>)
    %add3A_334 = arith.constant 640 : i32
    %add3A_335 = arith.addi %mul3A_2, %add3A_334 : i32
    %dma_start3A_336 = arith.constant 5 : i32
    %dma_start3A_337 = arith.constant 5 : i32
    %dma_start3A_338 = arith.constant 0 : i32
    %dma_start3A_339 = arith.constant 0 : i32
    %dma_start3A_340 = tpu.memref_slice %arg7[%dma_start3A_336, %dma_start3A_338, %dma_start3A_339] : memref<8x128x64xf32, #tpu.memory_space<vmem>> -> memref<1x128x64xf32, #tpu.memory_space<vmem>>
    %dma_start3A_341 = tpu.memref_squeeze %dma_start3A_340 : memref<1x128x64xf32, #tpu.memory_space<vmem>> -> memref<128x64xf32, #tpu.memory_space<vmem>>
    %dma_start3A_342 = arith.constant 0 : i32
    %dma_start3A_343 = tpu.memref_slice %arg4[%add3A_335, %dma_start3A_342] : memref<131072x64xf32, #tpu.memory_space<hbm>> -> memref<128x64xf32, #tpu.memory_space<hbm>>
    %dma_start3A_344 = tpu.memref_slice %arg8[%dma_start3A_337] : memref<8x!tpu.dma_semaphore, #tpu.memory_space<semaphore_mem>> -> memref<1x!tpu.dma_semaphore, #tpu.memory_space<semaphore_mem>>
    %dma_start3A_345 = tpu.memref_squeeze %dma_start3A_344 : memref<1x!tpu.dma_semaphore, #tpu.memory_space<semaphore_mem>> -> memref<!tpu.dma_semaphore, #tpu.memory_space<semaphore_mem>>
    %dma_start3A_346 = arith.constant 0 : i32
    %dma_start3A_347 = tpu.memref_slice %arg4[%add3A_335, %dma_start3A_346] : memref<131072x64xf32, #tpu.memory_space<hbm>> -> memref<128x64xf32, #tpu.memory_space<hbm>>
    %dma_start3A_348 = arith.constant 0 : i32
    %dma_start3A_349 = arith.constant 0 : i32
    %dma_start3A_350 = tpu.memref_slice %arg7[%dma_start3A_336, %dma_start3A_348, %dma_start3A_349] : memref<8x128x64xf32, #tpu.memory_space<vmem>> -> memref<1x128x64xf32, #tpu.memory_space<vmem>>
    %dma_start3A_351 = tpu.memref_squeeze %dma_start3A_350 : memref<1x128x64xf32, #tpu.memory_space<vmem>> -> memref<128x64xf32, #tpu.memory_space<vmem>>
    tpu.enqueue_dma source(%dma_start3A_351 : memref<128x64xf32, #tpu.memory_space<vmem>>) target(%dma_start3A_347 : memref<128x64xf32, #tpu.memory_space<hbm>>) target_semaphore(%dma_start3A_345 : memref<!tpu.dma_semaphore, #tpu.memory_space<semaphore_mem>>)
    %add3A_352 = arith.constant 128 : i32
    %add3A_353 = arith.addi %mul3A_2, %add3A_352 : i32
    %dma_wait3A_354 = arith.constant 1 : i32
    %dma_wait3A_355 = arith.constant 1 : i32
    %dma_wait3A_356 = arith.constant 0 : i32
    %dma_wait3A_357 = arith.constant 0 : i32
    %dma_wait3A_358 = tpu.memref_slice %arg7[%dma_wait3A_354, %dma_wait3A_356, %dma_wait3A_357] : memref<8x128x64xf32, #tpu.memory_space<vmem>> -> memref<1x128x64xf32, #tpu.memory_space<vmem>>
    %dma_wait3A_359 = tpu.memref_squeeze %dma_wait3A_358 : memref<1x128x64xf32, #tpu.memory_space<vmem>> -> memref<128x64xf32, #tpu.memory_space<vmem>>
    %dma_wait3A_360 = arith.constant 0 : i32
    %dma_wait3A_361 = tpu.memref_slice %arg4[%add3A_353, %dma_wait3A_360] : memref<131072x64xf32, #tpu.memory_space<hbm>> -> memref<128x64xf32, #tpu.memory_space<hbm>>
    %dma_wait3A_362 = tpu.memref_slice %arg8[%dma_wait3A_355] : memref<8x!tpu.dma_semaphore, #tpu.memory_space<semaphore_mem>> -> memref<1x!tpu.dma_semaphore, #tpu.memory_space<semaphore_mem>>
    %dma_wait3A_363 = tpu.memref_squeeze %dma_wait3A_362 : memref<1x!tpu.dma_semaphore, #tpu.memory_space<semaphore_mem>> -> memref<!tpu.dma_semaphore, #tpu.memory_space<semaphore_mem>>
    %dma_wait3A_364 = arith.constant 0 : i32
    %dma_wait3A_365 = tpu.memref_slice %arg4[%add3A_353, %dma_wait3A_364] : memref<131072x64xf32, #tpu.memory_space<hbm>> -> memref<128x64xf32, #tpu.memory_space<hbm>>
    %dma_wait3A_366 = arith.constant 0 : i32
    %dma_wait3A_367 = arith.constant 0 : i32
    %dma_wait3A_368 = tpu.memref_slice %arg7[%dma_wait3A_354, %dma_wait3A_366, %dma_wait3A_367] : memref<8x128x64xf32, #tpu.memory_space<vmem>> -> memref<1x128x64xf32, #tpu.memory_space<vmem>>
    %dma_wait3A_369 = tpu.memref_squeeze %dma_wait3A_368 : memref<1x128x64xf32, #tpu.memory_space<vmem>> -> memref<128x64xf32, #tpu.memory_space<vmem>>
    tpu.wait_dma2 semaphore(%dma_wait3A_363 : memref<!tpu.dma_semaphore, #tpu.memory_space<semaphore_mem>>) src(%dma_wait3A_369 : memref<128x64xf32, #tpu.memory_space<vmem>>) dst(%dma_wait3A_365 : memref<128x64xf32, #tpu.memory_space<hbm>>)
    %dma_start3A_370 = arith.constant 9 : i32
    %dma_start3A_371 = arith.constant 1 : i32
    %dma_start3A_372 = arith.constant 1 : i32
    %dma_start3A_373 = arith.constant 0 : i32
    %dma_start3A_374 = arith.constant 0 : i32
    %dma_start3A_375 = tpu.memref_slice %arg7[%dma_start3A_371, %dma_start3A_373, %dma_start3A_374] : memref<8x128x64xf32, #tpu.memory_space<vmem>> -> memref<1x128x64xf32, #tpu.memory_space<vmem>>
    %dma_start3A_376 = tpu.memref_squeeze %dma_start3A_375 : memref<1x128x64xf32, #tpu.memory_space<vmem>> -> memref<128x64xf32, #tpu.memory_space<vmem>>
    %dma_start3A_377 = arith.constant 0 : i32
    %dma_start3A_378 = tpu.memref_slice %arg6[%dma_start3A_370, %dma_start3A_377] : memref<32x128xi32, #tpu.memory_space<vmem>> -> memref<1x128xi32, #tpu.memory_space<vmem>>
    %dma_start3A_379 = tpu.memref_squeeze %dma_start3A_378 : memref<1x128xi32, #tpu.memory_space<vmem>> -> memref<128xi32, #tpu.memory_space<vmem>>
    %dma_start3A_380 = arith.constant 0 : i32
    %dma_start3A_381 = arith.constant 0 : i32
    %dma_start3A_382 = tpu.memref_slice %arg3[%dma_start3A_380, %dma_start3A_381] : memref<1000000x64xf32, #tpu.memory_space<hbm>> -> memref<1000000x64xf32, #tpu.memory_space<hbm>>
    %dma_start3A_383 = tpu.memref_slice %arg5[%dma_start3A_372] : memref<8x!tpu.dma_semaphore, #tpu.memory_space<semaphore_mem>> -> memref<1x!tpu.dma_semaphore, #tpu.memory_space<semaphore_mem>>
    %dma_start3A_384 = tpu.memref_squeeze %dma_start3A_383 : memref<1x!tpu.dma_semaphore, #tpu.memory_space<semaphore_mem>> -> memref<!tpu.dma_semaphore, #tpu.memory_space<semaphore_mem>>
    tpu.enqueue_indirect_dma source(%dma_start3A_382 : memref<1000000x64xf32, #tpu.memory_space<hbm>>) target(%dma_start3A_376 : memref<128x64xf32, #tpu.memory_space<vmem>>) offsets(%dma_start3A_379 : memref<128xi32, #tpu.memory_space<vmem>>) semaphore(%dma_start3A_384 : memref<!tpu.dma_semaphore, #tpu.memory_space<semaphore_mem>>)
    %dma_wait3A_385 = arith.constant 6 : i32
    %dma_wait3A_386 = arith.constant 6 : i32
    %dma_wait3A_387 = arith.constant 6 : i32
    %dma_wait3A_388 = arith.constant 0 : i32
    %dma_wait3A_389 = arith.constant 0 : i32
    %dma_wait3A_390 = tpu.memref_slice %arg7[%dma_wait3A_386, %dma_wait3A_388, %dma_wait3A_389] : memref<8x128x64xf32, #tpu.memory_space<vmem>> -> memref<1x128x64xf32, #tpu.memory_space<vmem>>
    %dma_wait3A_391 = tpu.memref_squeeze %dma_wait3A_390 : memref<1x128x64xf32, #tpu.memory_space<vmem>> -> memref<128x64xf32, #tpu.memory_space<vmem>>
    %dma_wait3A_392 = arith.constant 0 : i32
    %dma_wait3A_393 = tpu.memref_slice %arg6[%dma_wait3A_385, %dma_wait3A_392] : memref<32x128xi32, #tpu.memory_space<vmem>> -> memref<1x128xi32, #tpu.memory_space<vmem>>
    %dma_wait3A_394 = tpu.memref_squeeze %dma_wait3A_393 : memref<1x128xi32, #tpu.memory_space<vmem>> -> memref<128xi32, #tpu.memory_space<vmem>>
    %dma_wait3A_395 = arith.constant 0 : i32
    %dma_wait3A_396 = arith.constant 0 : i32
    %dma_wait3A_397 = tpu.memref_slice %arg3[%dma_wait3A_395, %dma_wait3A_396] : memref<1000000x64xf32, #tpu.memory_space<hbm>> -> memref<1000000x64xf32, #tpu.memory_space<hbm>>
    %dma_wait3A_398 = tpu.memref_slice %arg5[%dma_wait3A_387] : memref<8x!tpu.dma_semaphore, #tpu.memory_space<semaphore_mem>> -> memref<1x!tpu.dma_semaphore, #tpu.memory_space<semaphore_mem>>
    %dma_wait3A_399 = tpu.memref_squeeze %dma_wait3A_398 : memref<1x!tpu.dma_semaphore, #tpu.memory_space<semaphore_mem>> -> memref<!tpu.dma_semaphore, #tpu.memory_space<semaphore_mem>>
    tpu.wait_indirect_dma semaphore(%dma_wait3A_399 : memref<!tpu.dma_semaphore, #tpu.memory_space<semaphore_mem>>) src(%dma_wait3A_397 : memref<1000000x64xf32, #tpu.memory_space<hbm>>) dst(%dma_wait3A_391 : memref<128x64xf32, #tpu.memory_space<vmem>>)
    %add3A_400 = arith.constant 768 : i32
    %add3A_401 = arith.addi %mul3A_2, %add3A_400 : i32
    %dma_start3A_402 = arith.constant 6 : i32
    %dma_start3A_403 = arith.constant 6 : i32
    %dma_start3A_404 = arith.constant 0 : i32
    %dma_start3A_405 = arith.constant 0 : i32
    %dma_start3A_406 = tpu.memref_slice %arg7[%dma_start3A_402, %dma_start3A_404, %dma_start3A_405] : memref<8x128x64xf32, #tpu.memory_space<vmem>> -> memref<1x128x64xf32, #tpu.memory_space<vmem>>
    %dma_start3A_407 = tpu.memref_squeeze %dma_start3A_406 : memref<1x128x64xf32, #tpu.memory_space<vmem>> -> memref<128x64xf32, #tpu.memory_space<vmem>>
    %dma_start3A_408 = arith.constant 0 : i32
    %dma_start3A_409 = tpu.memref_slice %arg4[%add3A_401, %dma_start3A_408] : memref<131072x64xf32, #tpu.memory_space<hbm>> -> memref<128x64xf32, #tpu.memory_space<hbm>>
    %dma_start3A_410 = tpu.memref_slice %arg8[%dma_start3A_403] : memref<8x!tpu.dma_semaphore, #tpu.memory_space<semaphore_mem>> -> memref<1x!tpu.dma_semaphore, #tpu.memory_space<semaphore_mem>>
    %dma_start3A_411 = tpu.memref_squeeze %dma_start3A_410 : memref<1x!tpu.dma_semaphore, #tpu.memory_space<semaphore_mem>> -> memref<!tpu.dma_semaphore, #tpu.memory_space<semaphore_mem>>
    %dma_start3A_412 = arith.constant 0 : i32
    %dma_start3A_413 = tpu.memref_slice %arg4[%add3A_401, %dma_start3A_412] : memref<131072x64xf32, #tpu.memory_space<hbm>> -> memref<128x64xf32, #tpu.memory_space<hbm>>
    %dma_start3A_414 = arith.constant 0 : i32
    %dma_start3A_415 = arith.constant 0 : i32
    %dma_start3A_416 = tpu.memref_slice %arg7[%dma_start3A_402, %dma_start3A_414, %dma_start3A_415] : memref<8x128x64xf32, #tpu.memory_space<vmem>> -> memref<1x128x64xf32, #tpu.memory_space<vmem>>
    %dma_start3A_417 = tpu.memref_squeeze %dma_start3A_416 : memref<1x128x64xf32, #tpu.memory_space<vmem>> -> memref<128x64xf32, #tpu.memory_space<vmem>>
    tpu.enqueue_dma source(%dma_start3A_417 : memref<128x64xf32, #tpu.memory_space<vmem>>) target(%dma_start3A_413 : memref<128x64xf32, #tpu.memory_space<hbm>>) target_semaphore(%dma_start3A_411 : memref<!tpu.dma_semaphore, #tpu.memory_space<semaphore_mem>>)
    %add3A_418 = arith.constant 256 : i32
    %add3A_419 = arith.addi %mul3A_2, %add3A_418 : i32
    %dma_wait3A_420 = arith.constant 2 : i32
    %dma_wait3A_421 = arith.constant 2 : i32
    %dma_wait3A_422 = arith.constant 0 : i32
    %dma_wait3A_423 = arith.constant 0 : i32
    %dma_wait3A_424 = tpu.memref_slice %arg7[%dma_wait3A_420, %dma_wait3A_422, %dma_wait3A_423] : memref<8x128x64xf32, #tpu.memory_space<vmem>> -> memref<1x128x64xf32, #tpu.memory_space<vmem>>
    %dma_wait3A_425 = tpu.memref_squeeze %dma_wait3A_424 : memref<1x128x64xf32, #tpu.memory_space<vmem>> -> memref<128x64xf32, #tpu.memory_space<vmem>>
    %dma_wait3A_426 = arith.constant 0 : i32
    %dma_wait3A_427 = tpu.memref_slice %arg4[%add3A_419, %dma_wait3A_426] : memref<131072x64xf32, #tpu.memory_space<hbm>> -> memref<128x64xf32, #tpu.memory_space<hbm>>
    %dma_wait3A_428 = tpu.memref_slice %arg8[%dma_wait3A_421] : memref<8x!tpu.dma_semaphore, #tpu.memory_space<semaphore_mem>> -> memref<1x!tpu.dma_semaphore, #tpu.memory_space<semaphore_mem>>
    %dma_wait3A_429 = tpu.memref_squeeze %dma_wait3A_428 : memref<1x!tpu.dma_semaphore, #tpu.memory_space<semaphore_mem>> -> memref<!tpu.dma_semaphore, #tpu.memory_space<semaphore_mem>>
    %dma_wait3A_430 = arith.constant 0 : i32
    %dma_wait3A_431 = tpu.memref_slice %arg4[%add3A_419, %dma_wait3A_430] : memref<131072x64xf32, #tpu.memory_space<hbm>> -> memref<128x64xf32, #tpu.memory_space<hbm>>
    %dma_wait3A_432 = arith.constant 0 : i32
    %dma_wait3A_433 = arith.constant 0 : i32
    %dma_wait3A_434 = tpu.memref_slice %arg7[%dma_wait3A_420, %dma_wait3A_432, %dma_wait3A_433] : memref<8x128x64xf32, #tpu.memory_space<vmem>> -> memref<1x128x64xf32, #tpu.memory_space<vmem>>
    %dma_wait3A_435 = tpu.memref_squeeze %dma_wait3A_434 : memref<1x128x64xf32, #tpu.memory_space<vmem>> -> memref<128x64xf32, #tpu.memory_space<vmem>>
    tpu.wait_dma2 semaphore(%dma_wait3A_429 : memref<!tpu.dma_semaphore, #tpu.memory_space<semaphore_mem>>) src(%dma_wait3A_435 : memref<128x64xf32, #tpu.memory_space<vmem>>) dst(%dma_wait3A_431 : memref<128x64xf32, #tpu.memory_space<hbm>>)
    %dma_start3A_436 = arith.constant 10 : i32
    %dma_start3A_437 = arith.constant 2 : i32
    %dma_start3A_438 = arith.constant 2 : i32
    %dma_start3A_439 = arith.constant 0 : i32
    %dma_start3A_440 = arith.constant 0 : i32
    %dma_start3A_441 = tpu.memref_slice %arg7[%dma_start3A_437, %dma_start3A_439, %dma_start3A_440] : memref<8x128x64xf32, #tpu.memory_space<vmem>> -> memref<1x128x64xf32, #tpu.memory_space<vmem>>
    %dma_start3A_442 = tpu.memref_squeeze %dma_start3A_441 : memref<1x128x64xf32, #tpu.memory_space<vmem>> -> memref<128x64xf32, #tpu.memory_space<vmem>>
    %dma_start3A_443 = arith.constant 0 : i32
    %dma_start3A_444 = tpu.memref_slice %arg6[%dma_start3A_436, %dma_start3A_443] : memref<32x128xi32, #tpu.memory_space<vmem>> -> memref<1x128xi32, #tpu.memory_space<vmem>>
    %dma_start3A_445 = tpu.memref_squeeze %dma_start3A_444 : memref<1x128xi32, #tpu.memory_space<vmem>> -> memref<128xi32, #tpu.memory_space<vmem>>
    %dma_start3A_446 = arith.constant 0 : i32
    %dma_start3A_447 = arith.constant 0 : i32
    %dma_start3A_448 = tpu.memref_slice %arg3[%dma_start3A_446, %dma_start3A_447] : memref<1000000x64xf32, #tpu.memory_space<hbm>> -> memref<1000000x64xf32, #tpu.memory_space<hbm>>
    %dma_start3A_449 = tpu.memref_slice %arg5[%dma_start3A_438] : memref<8x!tpu.dma_semaphore, #tpu.memory_space<semaphore_mem>> -> memref<1x!tpu.dma_semaphore, #tpu.memory_space<semaphore_mem>>
    %dma_start3A_450 = tpu.memref_squeeze %dma_start3A_449 : memref<1x!tpu.dma_semaphore, #tpu.memory_space<semaphore_mem>> -> memref<!tpu.dma_semaphore, #tpu.memory_space<semaphore_mem>>
    tpu.enqueue_indirect_dma source(%dma_start3A_448 : memref<1000000x64xf32, #tpu.memory_space<hbm>>) target(%dma_start3A_442 : memref<128x64xf32, #tpu.memory_space<vmem>>) offsets(%dma_start3A_445 : memref<128xi32, #tpu.memory_space<vmem>>) semaphore(%dma_start3A_450 : memref<!tpu.dma_semaphore, #tpu.memory_space<semaphore_mem>>)
    %dma_wait3A_451 = arith.constant 7 : i32
    %dma_wait3A_452 = arith.constant 7 : i32
    %dma_wait3A_453 = arith.constant 7 : i32
    %dma_wait3A_454 = arith.constant 0 : i32
    %dma_wait3A_455 = arith.constant 0 : i32
    %dma_wait3A_456 = tpu.memref_slice %arg7[%dma_wait3A_452, %dma_wait3A_454, %dma_wait3A_455] : memref<8x128x64xf32, #tpu.memory_space<vmem>> -> memref<1x128x64xf32, #tpu.memory_space<vmem>>
    %dma_wait3A_457 = tpu.memref_squeeze %dma_wait3A_456 : memref<1x128x64xf32, #tpu.memory_space<vmem>> -> memref<128x64xf32, #tpu.memory_space<vmem>>
    %dma_wait3A_458 = arith.constant 0 : i32
    %dma_wait3A_459 = tpu.memref_slice %arg6[%dma_wait3A_451, %dma_wait3A_458] : memref<32x128xi32, #tpu.memory_space<vmem>> -> memref<1x128xi32, #tpu.memory_space<vmem>>
    %dma_wait3A_460 = tpu.memref_squeeze %dma_wait3A_459 : memref<1x128xi32, #tpu.memory_space<vmem>> -> memref<128xi32, #tpu.memory_space<vmem>>
    %dma_wait3A_461 = arith.constant 0 : i32
    %dma_wait3A_462 = arith.constant 0 : i32
    %dma_wait3A_463 = tpu.memref_slice %arg3[%dma_wait3A_461, %dma_wait3A_462] : memref<1000000x64xf32, #tpu.memory_space<hbm>> -> memref<1000000x64xf32, #tpu.memory_space<hbm>>
    %dma_wait3A_464 = tpu.memref_slice %arg5[%dma_wait3A_453] : memref<8x!tpu.dma_semaphore, #tpu.memory_space<semaphore_mem>> -> memref<1x!tpu.dma_semaphore, #tpu.memory_space<semaphore_mem>>
    %dma_wait3A_465 = tpu.memref_squeeze %dma_wait3A_464 : memref<1x!tpu.dma_semaphore, #tpu.memory_space<semaphore_mem>> -> memref<!tpu.dma_semaphore, #tpu.memory_space<semaphore_mem>>
    tpu.wait_indirect_dma semaphore(%dma_wait3A_465 : memref<!tpu.dma_semaphore, #tpu.memory_space<semaphore_mem>>) src(%dma_wait3A_463 : memref<1000000x64xf32, #tpu.memory_space<hbm>>) dst(%dma_wait3A_457 : memref<128x64xf32, #tpu.memory_space<vmem>>)
    %add3A_466 = arith.constant 896 : i32
    %add3A_467 = arith.addi %mul3A_2, %add3A_466 : i32
    %dma_start3A_468 = arith.constant 7 : i32
    %dma_start3A_469 = arith.constant 7 : i32
    %dma_start3A_470 = arith.constant 0 : i32
    %dma_start3A_471 = arith.constant 0 : i32
    %dma_start3A_472 = tpu.memref_slice %arg7[%dma_start3A_468, %dma_start3A_470, %dma_start3A_471] : memref<8x128x64xf32, #tpu.memory_space<vmem>> -> memref<1x128x64xf32, #tpu.memory_space<vmem>>
    %dma_start3A_473 = tpu.memref_squeeze %dma_start3A_472 : memref<1x128x64xf32, #tpu.memory_space<vmem>> -> memref<128x64xf32, #tpu.memory_space<vmem>>
    %dma_start3A_474 = arith.constant 0 : i32
    %dma_start3A_475 = tpu.memref_slice %arg4[%add3A_467, %dma_start3A_474] : memref<131072x64xf32, #tpu.memory_space<hbm>> -> memref<128x64xf32, #tpu.memory_space<hbm>>
    %dma_start3A_476 = tpu.memref_slice %arg8[%dma_start3A_469] : memref<8x!tpu.dma_semaphore, #tpu.memory_space<semaphore_mem>> -> memref<1x!tpu.dma_semaphore, #tpu.memory_space<semaphore_mem>>
    %dma_start3A_477 = tpu.memref_squeeze %dma_start3A_476 : memref<1x!tpu.dma_semaphore, #tpu.memory_space<semaphore_mem>> -> memref<!tpu.dma_semaphore, #tpu.memory_space<semaphore_mem>>
    %dma_start3A_478 = arith.constant 0 : i32
    %dma_start3A_479 = tpu.memref_slice %arg4[%add3A_467, %dma_start3A_478] : memref<131072x64xf32, #tpu.memory_space<hbm>> -> memref<128x64xf32, #tpu.memory_space<hbm>>
    %dma_start3A_480 = arith.constant 0 : i32
    %dma_start3A_481 = arith.constant 0 : i32
    %dma_start3A_482 = tpu.memref_slice %arg7[%dma_start3A_468, %dma_start3A_480, %dma_start3A_481] : memref<8x128x64xf32, #tpu.memory_space<vmem>> -> memref<1x128x64xf32, #tpu.memory_space<vmem>>
    %dma_start3A_483 = tpu.memref_squeeze %dma_start3A_482 : memref<1x128x64xf32, #tpu.memory_space<vmem>> -> memref<128x64xf32, #tpu.memory_space<vmem>>
    tpu.enqueue_dma source(%dma_start3A_483 : memref<128x64xf32, #tpu.memory_space<vmem>>) target(%dma_start3A_479 : memref<128x64xf32, #tpu.memory_space<hbm>>) target_semaphore(%dma_start3A_477 : memref<!tpu.dma_semaphore, #tpu.memory_space<semaphore_mem>>)
    %add3A_484 = arith.constant 384 : i32
    %add3A_485 = arith.addi %mul3A_2, %add3A_484 : i32
    %dma_wait3A_486 = arith.constant 3 : i32
    %dma_wait3A_487 = arith.constant 3 : i32
    %dma_wait3A_488 = arith.constant 0 : i32
    %dma_wait3A_489 = arith.constant 0 : i32
    %dma_wait3A_490 = tpu.memref_slice %arg7[%dma_wait3A_486, %dma_wait3A_488, %dma_wait3A_489] : memref<8x128x64xf32, #tpu.memory_space<vmem>> -> memref<1x128x64xf32, #tpu.memory_space<vmem>>
    %dma_wait3A_491 = tpu.memref_squeeze %dma_wait3A_490 : memref<1x128x64xf32, #tpu.memory_space<vmem>> -> memref<128x64xf32, #tpu.memory_space<vmem>>
    %dma_wait3A_492 = arith.constant 0 : i32
    %dma_wait3A_493 = tpu.memref_slice %arg4[%add3A_485, %dma_wait3A_492] : memref<131072x64xf32, #tpu.memory_space<hbm>> -> memref<128x64xf32, #tpu.memory_space<hbm>>
    %dma_wait3A_494 = tpu.memref_slice %arg8[%dma_wait3A_487] : memref<8x!tpu.dma_semaphore, #tpu.memory_space<semaphore_mem>> -> memref<1x!tpu.dma_semaphore, #tpu.memory_space<semaphore_mem>>
    %dma_wait3A_495 = tpu.memref_squeeze %dma_wait3A_494 : memref<1x!tpu.dma_semaphore, #tpu.memory_space<semaphore_mem>> -> memref<!tpu.dma_semaphore, #tpu.memory_space<semaphore_mem>>
    %dma_wait3A_496 = arith.constant 0 : i32
    %dma_wait3A_497 = tpu.memref_slice %arg4[%add3A_485, %dma_wait3A_496] : memref<131072x64xf32, #tpu.memory_space<hbm>> -> memref<128x64xf32, #tpu.memory_space<hbm>>
    %dma_wait3A_498 = arith.constant 0 : i32
    %dma_wait3A_499 = arith.constant 0 : i32
    %dma_wait3A_500 = tpu.memref_slice %arg7[%dma_wait3A_486, %dma_wait3A_498, %dma_wait3A_499] : memref<8x128x64xf32, #tpu.memory_space<vmem>> -> memref<1x128x64xf32, #tpu.memory_space<vmem>>
    %dma_wait3A_501 = tpu.memref_squeeze %dma_wait3A_500 : memref<1x128x64xf32, #tpu.memory_space<vmem>> -> memref<128x64xf32, #tpu.memory_space<vmem>>
    tpu.wait_dma2 semaphore(%dma_wait3A_495 : memref<!tpu.dma_semaphore, #tpu.memory_space<semaphore_mem>>) src(%dma_wait3A_501 : memref<128x64xf32, #tpu.memory_space<vmem>>) dst(%dma_wait3A_497 : memref<128x64xf32, #tpu.memory_space<hbm>>)
    %dma_start3A_502 = arith.constant 11 : i32
    %dma_start3A_503 = arith.constant 3 : i32
    %dma_start3A_504 = arith.constant 3 : i32
    %dma_start3A_505 = arith.constant 0 : i32
    %dma_start3A_506 = arith.constant 0 : i32
    %dma_start3A_507 = tpu.memref_slice %arg7[%dma_start3A_503, %dma_start3A_505, %dma_start3A_506] : memref<8x128x64xf32, #tpu.memory_space<vmem>> -> memref<1x128x64xf32, #tpu.memory_space<vmem>>
    %dma_start3A_508 = tpu.memref_squeeze %dma_start3A_507 : memref<1x128x64xf32, #tpu.memory_space<vmem>> -> memref<128x64xf32, #tpu.memory_space<vmem>>
    %dma_start3A_509 = arith.constant 0 : i32
    %dma_start3A_510 = tpu.memref_slice %arg6[%dma_start3A_502, %dma_start3A_509] : memref<32x128xi32, #tpu.memory_space<vmem>> -> memref<1x128xi32, #tpu.memory_space<vmem>>
    %dma_start3A_511 = tpu.memref_squeeze %dma_start3A_510 : memref<1x128xi32, #tpu.memory_space<vmem>> -> memref<128xi32, #tpu.memory_space<vmem>>
    %dma_start3A_512 = arith.constant 0 : i32
    %dma_start3A_513 = arith.constant 0 : i32
    %dma_start3A_514 = tpu.memref_slice %arg3[%dma_start3A_512, %dma_start3A_513] : memref<1000000x64xf32, #tpu.memory_space<hbm>> -> memref<1000000x64xf32, #tpu.memory_space<hbm>>
    %dma_start3A_515 = tpu.memref_slice %arg5[%dma_start3A_504] : memref<8x!tpu.dma_semaphore, #tpu.memory_space<semaphore_mem>> -> memref<1x!tpu.dma_semaphore, #tpu.memory_space<semaphore_mem>>
    %dma_start3A_516 = tpu.memref_squeeze %dma_start3A_515 : memref<1x!tpu.dma_semaphore, #tpu.memory_space<semaphore_mem>> -> memref<!tpu.dma_semaphore, #tpu.memory_space<semaphore_mem>>
    tpu.enqueue_indirect_dma source(%dma_start3A_514 : memref<1000000x64xf32, #tpu.memory_space<hbm>>) target(%dma_start3A_508 : memref<128x64xf32, #tpu.memory_space<vmem>>) offsets(%dma_start3A_511 : memref<128xi32, #tpu.memory_space<vmem>>) semaphore(%dma_start3A_516 : memref<!tpu.dma_semaphore, #tpu.memory_space<semaphore_mem>>)
    %scan3A = arith.constant 0 : i32
    %scan3A_517 = arith.constant 2 : i32
    %scan3A_518 = arith.addi %scan3A, %scan3A_517 : i32
    %scan3A_519 = arith.constant 1 : i32
    scf.for %scan3A_1061 = %scan3A to %scan3A_518 step %scan3A_519  : i32 {
      %mul3A_1062 = arith.constant 8 : i32
      %mul3A_1063 = arith.muli %scan3A_1061, %mul3A_1062 : i32
      %add3A_1064 = arith.constant 8 : i32
      %add3A_1065 = arith.addi %add3A_1064, %mul3A_1063 : i32
      %add3A_1066 = arith.constant 0 : i32
      %add3A_1067 = arith.addi %add3A_1065, %add3A_1066 : i32
      %dma_wait3A_1068 = arith.constant 0 : i32
      %dma_wait3A_1069 = arith.constant 0 : i32
      %dma_wait3A_1070 = arith.constant 0 : i32
      %dma_wait3A_1071 = arith.constant 0 : i32
      %dma_wait3A_1072 = tpu.memref_slice %arg7[%dma_wait3A_1068, %dma_wait3A_1070, %dma_wait3A_1071] : memref<8x128x64xf32, #tpu.memory_space<vmem>> -> memref<1x128x64xf32, #tpu.memory_space<vmem>>
      %dma_wait3A_1073 = tpu.memref_squeeze %dma_wait3A_1072 : memref<1x128x64xf32, #tpu.memory_space<vmem>> -> memref<128x64xf32, #tpu.memory_space<vmem>>
      %dma_wait3A_1074 = arith.constant 0 : i32
      %dma_wait3A_1075 = tpu.memref_slice %arg6[%add3A_1067, %dma_wait3A_1074] : memref<32x128xi32, #tpu.memory_space<vmem>> -> memref<1x128xi32, #tpu.memory_space<vmem>>
      %dma_wait3A_1076 = tpu.memref_squeeze %dma_wait3A_1075 : memref<1x128xi32, #tpu.memory_space<vmem>> -> memref<128xi32, #tpu.memory_space<vmem>>
      %dma_wait3A_1077 = arith.constant 0 : i32
      %dma_wait3A_1078 = arith.constant 0 : i32
      %dma_wait3A_1079 = tpu.memref_slice %arg3[%dma_wait3A_1077, %dma_wait3A_1078] : memref<1000000x64xf32, #tpu.memory_space<hbm>> -> memref<1000000x64xf32, #tpu.memory_space<hbm>>
      %dma_wait3A_1080 = tpu.memref_slice %arg5[%dma_wait3A_1069] : memref<8x!tpu.dma_semaphore, #tpu.memory_space<semaphore_mem>> -> memref<1x!tpu.dma_semaphore, #tpu.memory_space<semaphore_mem>>
      %dma_wait3A_1081 = tpu.memref_squeeze %dma_wait3A_1080 : memref<1x!tpu.dma_semaphore, #tpu.memory_space<semaphore_mem>> -> memref<!tpu.dma_semaphore, #tpu.memory_space<semaphore_mem>>
      tpu.wait_indirect_dma semaphore(%dma_wait3A_1081 : memref<!tpu.dma_semaphore, #tpu.memory_space<semaphore_mem>>) src(%dma_wait3A_1079 : memref<1000000x64xf32, #tpu.memory_space<hbm>>) dst(%dma_wait3A_1073 : memref<128x64xf32, #tpu.memory_space<vmem>>)
      %mul3A_1082 = arith.constant 128 : i32
      %mul3A_1083 = arith.muli %add3A_1067, %mul3A_1082 : i32
      %add3A_1084 = arith.addi %mul3A_2, %mul3A_1083 : i32
      %dma_start3A_1085 = arith.constant 0 : i32
      %dma_start3A_1086 = arith.constant 0 : i32
      %dma_start3A_1087 = arith.constant 0 : i32
      %dma_start3A_1088 = arith.constant 0 : i32
      %dma_start3A_1089 = tpu.memref_slice %arg7[%dma_start3A_1085, %dma_start3A_1087, %dma_start3A_1088] : memref<8x128x64xf32, #tpu.memory_space<vmem>> -> memref<1x128x64xf32, #tpu.memory_space<vmem>>
      %dma_start3A_1090 = tpu.memref_squeeze %dma_start3A_1089 : memref<1x128x64xf32, #tpu.memory_space<vmem>> -> memref<128x64xf32, #tpu.memory_space<vmem>>
      %dma_start3A_1091 = arith.constant 0 : i32
      %dma_start3A_1092 = tpu.memref_slice %arg4[%add3A_1084, %dma_start3A_1091] : memref<131072x64xf32, #tpu.memory_space<hbm>> -> memref<128x64xf32, #tpu.memory_space<hbm>>
      %dma_start3A_1093 = tpu.memref_slice %arg8[%dma_start3A_1086] : memref<8x!tpu.dma_semaphore, #tpu.memory_space<semaphore_mem>> -> memref<1x!tpu.dma_semaphore, #tpu.memory_space<semaphore_mem>>
      %dma_start3A_1094 = tpu.memref_squeeze %dma_start3A_1093 : memref<1x!tpu.dma_semaphore, #tpu.memory_space<semaphore_mem>> -> memref<!tpu.dma_semaphore, #tpu.memory_space<semaphore_mem>>
      %dma_start3A_1095 = arith.constant 0 : i32
      %dma_start3A_1096 = tpu.memref_slice %arg4[%add3A_1084, %dma_start3A_1095] : memref<131072x64xf32, #tpu.memory_space<hbm>> -> memref<128x64xf32, #tpu.memory_space<hbm>>
      %dma_start3A_1097 = arith.constant 0 : i32
      %dma_start3A_1098 = arith.constant 0 : i32
      %dma_start3A_1099 = tpu.memref_slice %arg7[%dma_start3A_1085, %dma_start3A_1097, %dma_start3A_1098] : memref<8x128x64xf32, #tpu.memory_space<vmem>> -> memref<1x128x64xf32, #tpu.memory_space<vmem>>
      %dma_start3A_1100 = tpu.memref_squeeze %dma_start3A_1099 : memref<1x128x64xf32, #tpu.memory_space<vmem>> -> memref<128x64xf32, #tpu.memory_space<vmem>>
      tpu.enqueue_dma source(%dma_start3A_1100 : memref<128x64xf32, #tpu.memory_space<vmem>>) target(%dma_start3A_1096 : memref<128x64xf32, #tpu.memory_space<hbm>>) target_semaphore(%dma_start3A_1094 : memref<!tpu.dma_semaphore, #tpu.memory_space<semaphore_mem>>)
      %sub3A = arith.constant 4 : i32
      %sub3A_1101 = arith.subi %add3A_1067, %sub3A : i32
      %mul3A_1102 = arith.constant 128 : i32
      %mul3A_1103 = arith.muli %sub3A_1101, %mul3A_1102 : i32
      %add3A_1104 = arith.addi %mul3A_2, %mul3A_1103 : i32
      %dma_wait3A_1105 = arith.constant 4 : i32
      %dma_wait3A_1106 = arith.constant 4 : i32
      %dma_wait3A_1107 = arith.constant 0 : i32
      %dma_wait3A_1108 = arith.constant 0 : i32
      %dma_wait3A_1109 = tpu.memref_slice %arg7[%dma_wait3A_1105, %dma_wait3A_1107, %dma_wait3A_1108] : memref<8x128x64xf32, #tpu.memory_space<vmem>> -> memref<1x128x64xf32, #tpu.memory_space<vmem>>
      %dma_wait3A_1110 = tpu.memref_squeeze %dma_wait3A_1109 : memref<1x128x64xf32, #tpu.memory_space<vmem>> -> memref<128x64xf32, #tpu.memory_space<vmem>>
      %dma_wait3A_1111 = arith.constant 0 : i32
      %dma_wait3A_1112 = tpu.memref_slice %arg4[%add3A_1104, %dma_wait3A_1111] : memref<131072x64xf32, #tpu.memory_space<hbm>> -> memref<128x64xf32, #tpu.memory_space<hbm>>
      %dma_wait3A_1113 = tpu.memref_slice %arg8[%dma_wait3A_1106] : memref<8x!tpu.dma_semaphore, #tpu.memory_space<semaphore_mem>> -> memref<1x!tpu.dma_semaphore, #tpu.memory_space<semaphore_mem>>
      %dma_wait3A_1114 = tpu.memref_squeeze %dma_wait3A_1113 : memref<1x!tpu.dma_semaphore, #tpu.memory_space<semaphore_mem>> -> memref<!tpu.dma_semaphore, #tpu.memory_space<semaphore_mem>>
      %dma_wait3A_1115 = arith.constant 0 : i32
      %dma_wait3A_1116 = tpu.memref_slice %arg4[%add3A_1104, %dma_wait3A_1115] : memref<131072x64xf32, #tpu.memory_space<hbm>> -> memref<128x64xf32, #tpu.memory_space<hbm>>
      %dma_wait3A_1117 = arith.constant 0 : i32
      %dma_wait3A_1118 = arith.constant 0 : i32
      %dma_wait3A_1119 = tpu.memref_slice %arg7[%dma_wait3A_1105, %dma_wait3A_1117, %dma_wait3A_1118] : memref<8x128x64xf32, #tpu.memory_space<vmem>> -> memref<1x128x64xf32, #tpu.memory_space<vmem>>
      %dma_wait3A_1120 = tpu.memref_squeeze %dma_wait3A_1119 : memref<1x128x64xf32, #tpu.memory_space<vmem>> -> memref<128x64xf32, #tpu.memory_space<vmem>>
      tpu.wait_dma2 semaphore(%dma_wait3A_1114 : memref<!tpu.dma_semaphore, #tpu.memory_space<semaphore_mem>>) src(%dma_wait3A_1120 : memref<128x64xf32, #tpu.memory_space<vmem>>) dst(%dma_wait3A_1116 : memref<128x64xf32, #tpu.memory_space<hbm>>)
      %add3A_1121 = arith.constant 4 : i32
      %add3A_1122 = arith.addi %add3A_1067, %add3A_1121 : i32
      %dma_start3A_1123 = arith.constant 4 : i32
      %dma_start3A_1124 = arith.constant 4 : i32
      %dma_start3A_1125 = arith.constant 0 : i32
      %dma_start3A_1126 = arith.constant 0 : i32
      %dma_start3A_1127 = tpu.memref_slice %arg7[%dma_start3A_1123, %dma_start3A_1125, %dma_start3A_1126] : memref<8x128x64xf32, #tpu.memory_space<vmem>> -> memref<1x128x64xf32, #tpu.memory_space<vmem>>
      %dma_start3A_1128 = tpu.memref_squeeze %dma_start3A_1127 : memref<1x128x64xf32, #tpu.memory_space<vmem>> -> memref<128x64xf32, #tpu.memory_space<vmem>>
      %dma_start3A_1129 = arith.constant 0 : i32
      %dma_start3A_1130 = tpu.memref_slice %arg6[%add3A_1122, %dma_start3A_1129] : memref<32x128xi32, #tpu.memory_space<vmem>> -> memref<1x128xi32, #tpu.memory_space<vmem>>
      %dma_start3A_1131 = tpu.memref_squeeze %dma_start3A_1130 : memref<1x128xi32, #tpu.memory_space<vmem>> -> memref<128xi32, #tpu.memory_space<vmem>>
      %dma_start3A_1132 = arith.constant 0 : i32
      %dma_start3A_1133 = arith.constant 0 : i32
      %dma_start3A_1134 = tpu.memref_slice %arg3[%dma_start3A_1132, %dma_start3A_1133] : memref<1000000x64xf32, #tpu.memory_space<hbm>> -> memref<1000000x64xf32, #tpu.memory_space<hbm>>
      %dma_start3A_1135 = tpu.memref_slice %arg5[%dma_start3A_1124] : memref<8x!tpu.dma_semaphore, #tpu.memory_space<semaphore_mem>> -> memref<1x!tpu.dma_semaphore, #tpu.memory_space<semaphore_mem>>
      %dma_start3A_1136 = tpu.memref_squeeze %dma_start3A_1135 : memref<1x!tpu.dma_semaphore, #tpu.memory_space<semaphore_mem>> -> memref<!tpu.dma_semaphore, #tpu.memory_space<semaphore_mem>>
      tpu.enqueue_indirect_dma source(%dma_start3A_1134 : memref<1000000x64xf32, #tpu.memory_space<hbm>>) target(%dma_start3A_1128 : memref<128x64xf32, #tpu.memory_space<vmem>>) offsets(%dma_start3A_1131 : memref<128xi32, #tpu.memory_space<vmem>>) semaphore(%dma_start3A_1136 : memref<!tpu.dma_semaphore, #tpu.memory_space<semaphore_mem>>)
      %add3A_1137 = arith.constant 1 : i32
      %add3A_1138 = arith.addi %add3A_1065, %add3A_1137 : i32
      %dma_wait3A_1139 = arith.constant 1 : i32
      %dma_wait3A_1140 = arith.constant 1 : i32
      %dma_wait3A_1141 = arith.constant 0 : i32
      %dma_wait3A_1142 = arith.constant 0 : i32
      %dma_wait3A_1143 = tpu.memref_slice %arg7[%dma_wait3A_1139, %dma_wait3A_1141, %dma_wait3A_1142] : memref<8x128x64xf32, #tpu.memory_space<vmem>> -> memref<1x128x64xf32, #tpu.memory_space<vmem>>
      %dma_wait3A_1144 = tpu.memref_squeeze %dma_wait3A_1143 : memref<1x128x64xf32, #tpu.memory_space<vmem>> -> memref<128x64xf32, #tpu.memory_space<vmem>>
      %dma_wait3A_1145 = arith.constant 0 : i32
      %dma_wait3A_1146 = tpu.memref_slice %arg6[%add3A_1138, %dma_wait3A_1145] : memref<32x128xi32, #tpu.memory_space<vmem>> -> memref<1x128xi32, #tpu.memory_space<vmem>>
      %dma_wait3A_1147 = tpu.memref_squeeze %dma_wait3A_1146 : memref<1x128xi32, #tpu.memory_space<vmem>> -> memref<128xi32, #tpu.memory_space<vmem>>
      %dma_wait3A_1148 = arith.constant 0 : i32
      %dma_wait3A_1149 = arith.constant 0 : i32
      %dma_wait3A_1150 = tpu.memref_slice %arg3[%dma_wait3A_1148, %dma_wait3A_1149] : memref<1000000x64xf32, #tpu.memory_space<hbm>> -> memref<1000000x64xf32, #tpu.memory_space<hbm>>
      %dma_wait3A_1151 = tpu.memref_slice %arg5[%dma_wait3A_1140] : memref<8x!tpu.dma_semaphore, #tpu.memory_space<semaphore_mem>> -> memref<1x!tpu.dma_semaphore, #tpu.memory_space<semaphore_mem>>
      %dma_wait3A_1152 = tpu.memref_squeeze %dma_wait3A_1151 : memref<1x!tpu.dma_semaphore, #tpu.memory_space<semaphore_mem>> -> memref<!tpu.dma_semaphore, #tpu.memory_space<semaphore_mem>>
      tpu.wait_indirect_dma semaphore(%dma_wait3A_1152 : memref<!tpu.dma_semaphore, #tpu.memory_space<semaphore_mem>>) src(%dma_wait3A_1150 : memref<1000000x64xf32, #tpu.memory_space<hbm>>) dst(%dma_wait3A_1144 : memref<128x64xf32, #tpu.memory_space<vmem>>)
      %mul3A_1153 = arith.constant 128 : i32
      %mul3A_1154 = arith.muli %add3A_1138, %mul3A_1153 : i32
      %add3A_1155 = arith.addi %mul3A_2, %mul3A_1154 : i32
      %dma_start3A_1156 = arith.constant 1 : i32
      %dma_start3A_1157 = arith.constant 1 : i32
      %dma_start3A_1158 = arith.constant 0 : i32
      %dma_start3A_1159 = arith.constant 0 : i32
      %dma_start3A_1160 = tpu.memref_slice %arg7[%dma_start3A_1156, %dma_start3A_1158, %dma_start3A_1159] : memref<8x128x64xf32, #tpu.memory_space<vmem>> -> memref<1x128x64xf32, #tpu.memory_space<vmem>>
      %dma_start3A_1161 = tpu.memref_squeeze %dma_start3A_1160 : memref<1x128x64xf32, #tpu.memory_space<vmem>> -> memref<128x64xf32, #tpu.memory_space<vmem>>
      %dma_start3A_1162 = arith.constant 0 : i32
      %dma_start3A_1163 = tpu.memref_slice %arg4[%add3A_1155, %dma_start3A_1162] : memref<131072x64xf32, #tpu.memory_space<hbm>> -> memref<128x64xf32, #tpu.memory_space<hbm>>
      %dma_start3A_1164 = tpu.memref_slice %arg8[%dma_start3A_1157] : memref<8x!tpu.dma_semaphore, #tpu.memory_space<semaphore_mem>> -> memref<1x!tpu.dma_semaphore, #tpu.memory_space<semaphore_mem>>
      %dma_start3A_1165 = tpu.memref_squeeze %dma_start3A_1164 : memref<1x!tpu.dma_semaphore, #tpu.memory_space<semaphore_mem>> -> memref<!tpu.dma_semaphore, #tpu.memory_space<semaphore_mem>>
      %dma_start3A_1166 = arith.constant 0 : i32
      %dma_start3A_1167 = tpu.memref_slice %arg4[%add3A_1155, %dma_start3A_1166] : memref<131072x64xf32, #tpu.memory_space<hbm>> -> memref<128x64xf32, #tpu.memory_space<hbm>>
      %dma_start3A_1168 = arith.constant 0 : i32
      %dma_start3A_1169 = arith.constant 0 : i32
      %dma_start3A_1170 = tpu.memref_slice %arg7[%dma_start3A_1156, %dma_start3A_1168, %dma_start3A_1169] : memref<8x128x64xf32, #tpu.memory_space<vmem>> -> memref<1x128x64xf32, #tpu.memory_space<vmem>>
      %dma_start3A_1171 = tpu.memref_squeeze %dma_start3A_1170 : memref<1x128x64xf32, #tpu.memory_space<vmem>> -> memref<128x64xf32, #tpu.memory_space<vmem>>
      tpu.enqueue_dma source(%dma_start3A_1171 : memref<128x64xf32, #tpu.memory_space<vmem>>) target(%dma_start3A_1167 : memref<128x64xf32, #tpu.memory_space<hbm>>) target_semaphore(%dma_start3A_1165 : memref<!tpu.dma_semaphore, #tpu.memory_space<semaphore_mem>>)
      %sub3A_1172 = arith.constant 4 : i32
      %sub3A_1173 = arith.subi %add3A_1138, %sub3A_1172 : i32
      %mul3A_1174 = arith.constant 128 : i32
      %mul3A_1175 = arith.muli %sub3A_1173, %mul3A_1174 : i32
      %add3A_1176 = arith.addi %mul3A_2, %mul3A_1175 : i32
      %dma_wait3A_1177 = arith.constant 5 : i32
      %dma_wait3A_1178 = arith.constant 5 : i32
      %dma_wait3A_1179 = arith.constant 0 : i32
      %dma_wait3A_1180 = arith.constant 0 : i32
      %dma_wait3A_1181 = tpu.memref_slice %arg7[%dma_wait3A_1177, %dma_wait3A_1179, %dma_wait3A_1180] : memref<8x128x64xf32, #tpu.memory_space<vmem>> -> memref<1x128x64xf32, #tpu.memory_space<vmem>>
      %dma_wait3A_1182 = tpu.memref_squeeze %dma_wait3A_1181 : memref<1x128x64xf32, #tpu.memory_space<vmem>> -> memref<128x64xf32, #tpu.memory_space<vmem>>
      %dma_wait3A_1183 = arith.constant 0 : i32
      %dma_wait3A_1184 = tpu.memref_slice %arg4[%add3A_1176, %dma_wait3A_1183] : memref<131072x64xf32, #tpu.memory_space<hbm>> -> memref<128x64xf32, #tpu.memory_space<hbm>>
      %dma_wait3A_1185 = tpu.memref_slice %arg8[%dma_wait3A_1178] : memref<8x!tpu.dma_semaphore, #tpu.memory_space<semaphore_mem>> -> memref<1x!tpu.dma_semaphore, #tpu.memory_space<semaphore_mem>>
      %dma_wait3A_1186 = tpu.memref_squeeze %dma_wait3A_1185 : memref<1x!tpu.dma_semaphore, #tpu.memory_space<semaphore_mem>> -> memref<!tpu.dma_semaphore, #tpu.memory_space<semaphore_mem>>
      %dma_wait3A_1187 = arith.constant 0 : i32
      %dma_wait3A_1188 = tpu.memref_slice %arg4[%add3A_1176, %dma_wait3A_1187] : memref<131072x64xf32, #tpu.memory_space<hbm>> -> memref<128x64xf32, #tpu.memory_space<hbm>>
      %dma_wait3A_1189 = arith.constant 0 : i32
      %dma_wait3A_1190 = arith.constant 0 : i32
      %dma_wait3A_1191 = tpu.memref_slice %arg7[%dma_wait3A_1177, %dma_wait3A_1189, %dma_wait3A_1190] : memref<8x128x64xf32, #tpu.memory_space<vmem>> -> memref<1x128x64xf32, #tpu.memory_space<vmem>>
      %dma_wait3A_1192 = tpu.memref_squeeze %dma_wait3A_1191 : memref<1x128x64xf32, #tpu.memory_space<vmem>> -> memref<128x64xf32, #tpu.memory_space<vmem>>
      tpu.wait_dma2 semaphore(%dma_wait3A_1186 : memref<!tpu.dma_semaphore, #tpu.memory_space<semaphore_mem>>) src(%dma_wait3A_1192 : memref<128x64xf32, #tpu.memory_space<vmem>>) dst(%dma_wait3A_1188 : memref<128x64xf32, #tpu.memory_space<hbm>>)
      %add3A_1193 = arith.constant 4 : i32
      %add3A_1194 = arith.addi %add3A_1138, %add3A_1193 : i32
      %dma_start3A_1195 = arith.constant 5 : i32
      %dma_start3A_1196 = arith.constant 5 : i32
      %dma_start3A_1197 = arith.constant 0 : i32
      %dma_start3A_1198 = arith.constant 0 : i32
      %dma_start3A_1199 = tpu.memref_slice %arg7[%dma_start3A_1195, %dma_start3A_1197, %dma_start3A_1198] : memref<8x128x64xf32, #tpu.memory_space<vmem>> -> memref<1x128x64xf32, #tpu.memory_space<vmem>>
      %dma_start3A_1200 = tpu.memref_squeeze %dma_start3A_1199 : memref<1x128x64xf32, #tpu.memory_space<vmem>> -> memref<128x64xf32, #tpu.memory_space<vmem>>
      %dma_start3A_1201 = arith.constant 0 : i32
      %dma_start3A_1202 = tpu.memref_slice %arg6[%add3A_1194, %dma_start3A_1201] : memref<32x128xi32, #tpu.memory_space<vmem>> -> memref<1x128xi32, #tpu.memory_space<vmem>>
      %dma_start3A_1203 = tpu.memref_squeeze %dma_start3A_1202 : memref<1x128xi32, #tpu.memory_space<vmem>> -> memref<128xi32, #tpu.memory_space<vmem>>
      %dma_start3A_1204 = arith.constant 0 : i32
      %dma_start3A_1205 = arith.constant 0 : i32
      %dma_start3A_1206 = tpu.memref_slice %arg3[%dma_start3A_1204, %dma_start3A_1205] : memref<1000000x64xf32, #tpu.memory_space<hbm>> -> memref<1000000x64xf32, #tpu.memory_space<hbm>>
      %dma_start3A_1207 = tpu.memref_slice %arg5[%dma_start3A_1196] : memref<8x!tpu.dma_semaphore, #tpu.memory_space<semaphore_mem>> -> memref<1x!tpu.dma_semaphore, #tpu.memory_space<semaphore_mem>>
      %dma_start3A_1208 = tpu.memref_squeeze %dma_start3A_1207 : memref<1x!tpu.dma_semaphore, #tpu.memory_space<semaphore_mem>> -> memref<!tpu.dma_semaphore, #tpu.memory_space<semaphore_mem>>
      tpu.enqueue_indirect_dma source(%dma_start3A_1206 : memref<1000000x64xf32, #tpu.memory_space<hbm>>) target(%dma_start3A_1200 : memref<128x64xf32, #tpu.memory_space<vmem>>) offsets(%dma_start3A_1203 : memref<128xi32, #tpu.memory_space<vmem>>) semaphore(%dma_start3A_1208 : memref<!tpu.dma_semaphore, #tpu.memory_space<semaphore_mem>>)
      %add3A_1209 = arith.constant 2 : i32
      %add3A_1210 = arith.addi %add3A_1065, %add3A_1209 : i32
      %dma_wait3A_1211 = arith.constant 2 : i32
      %dma_wait3A_1212 = arith.constant 2 : i32
      %dma_wait3A_1213 = arith.constant 0 : i32
      %dma_wait3A_1214 = arith.constant 0 : i32
      %dma_wait3A_1215 = tpu.memref_slice %arg7[%dma_wait3A_1211, %dma_wait3A_1213, %dma_wait3A_1214] : memref<8x128x64xf32, #tpu.memory_space<vmem>> -> memref<1x128x64xf32, #tpu.memory_space<vmem>>
      %dma_wait3A_1216 = tpu.memref_squeeze %dma_wait3A_1215 : memref<1x128x64xf32, #tpu.memory_space<vmem>> -> memref<128x64xf32, #tpu.memory_space<vmem>>
      %dma_wait3A_1217 = arith.constant 0 : i32
      %dma_wait3A_1218 = tpu.memref_slice %arg6[%add3A_1210, %dma_wait3A_1217] : memref<32x128xi32, #tpu.memory_space<vmem>> -> memref<1x128xi32, #tpu.memory_space<vmem>>
      %dma_wait3A_1219 = tpu.memref_squeeze %dma_wait3A_1218 : memref<1x128xi32, #tpu.memory_space<vmem>> -> memref<128xi32, #tpu.memory_space<vmem>>
      %dma_wait3A_1220 = arith.constant 0 : i32
      %dma_wait3A_1221 = arith.constant 0 : i32
      %dma_wait3A_1222 = tpu.memref_slice %arg3[%dma_wait3A_1220, %dma_wait3A_1221] : memref<1000000x64xf32, #tpu.memory_space<hbm>> -> memref<1000000x64xf32, #tpu.memory_space<hbm>>
      %dma_wait3A_1223 = tpu.memref_slice %arg5[%dma_wait3A_1212] : memref<8x!tpu.dma_semaphore, #tpu.memory_space<semaphore_mem>> -> memref<1x!tpu.dma_semaphore, #tpu.memory_space<semaphore_mem>>
      %dma_wait3A_1224 = tpu.memref_squeeze %dma_wait3A_1223 : memref<1x!tpu.dma_semaphore, #tpu.memory_space<semaphore_mem>> -> memref<!tpu.dma_semaphore, #tpu.memory_space<semaphore_mem>>
      tpu.wait_indirect_dma semaphore(%dma_wait3A_1224 : memref<!tpu.dma_semaphore, #tpu.memory_space<semaphore_mem>>) src(%dma_wait3A_1222 : memref<1000000x64xf32, #tpu.memory_space<hbm>>) dst(%dma_wait3A_1216 : memref<128x64xf32, #tpu.memory_space<vmem>>)
      %mul3A_1225 = arith.constant 128 : i32
      %mul3A_1226 = arith.muli %add3A_1210, %mul3A_1225 : i32
      %add3A_1227 = arith.addi %mul3A_2, %mul3A_1226 : i32
      %dma_start3A_1228 = arith.constant 2 : i32
      %dma_start3A_1229 = arith.constant 2 : i32
      %dma_start3A_1230 = arith.constant 0 : i32
      %dma_start3A_1231 = arith.constant 0 : i32
      %dma_start3A_1232 = tpu.memref_slice %arg7[%dma_start3A_1228, %dma_start3A_1230, %dma_start3A_1231] : memref<8x128x64xf32, #tpu.memory_space<vmem>> -> memref<1x128x64xf32, #tpu.memory_space<vmem>>
      %dma_start3A_1233 = tpu.memref_squeeze %dma_start3A_1232 : memref<1x128x64xf32, #tpu.memory_space<vmem>> -> memref<128x64xf32, #tpu.memory_space<vmem>>
      %dma_start3A_1234 = arith.constant 0 : i32
      %dma_start3A_1235 = tpu.memref_slice %arg4[%add3A_1227, %dma_start3A_1234] : memref<131072x64xf32, #tpu.memory_space<hbm>> -> memref<128x64xf32, #tpu.memory_space<hbm>>
      %dma_start3A_1236 = tpu.memref_slice %arg8[%dma_start3A_1229] : memref<8x!tpu.dma_semaphore, #tpu.memory_space<semaphore_mem>> -> memref<1x!tpu.dma_semaphore, #tpu.memory_space<semaphore_mem>>
      %dma_start3A_1237 = tpu.memref_squeeze %dma_start3A_1236 : memref<1x!tpu.dma_semaphore, #tpu.memory_space<semaphore_mem>> -> memref<!tpu.dma_semaphore, #tpu.memory_space<semaphore_mem>>
      %dma_start3A_1238 = arith.constant 0 : i32
      %dma_start3A_1239 = tpu.memref_slice %arg4[%add3A_1227, %dma_start3A_1238] : memref<131072x64xf32, #tpu.memory_space<hbm>> -> memref<128x64xf32, #tpu.memory_space<hbm>>
      %dma_start3A_1240 = arith.constant 0 : i32
      %dma_start3A_1241 = arith.constant 0 : i32
      %dma_start3A_1242 = tpu.memref_slice %arg7[%dma_start3A_1228, %dma_start3A_1240, %dma_start3A_1241] : memref<8x128x64xf32, #tpu.memory_space<vmem>> -> memref<1x128x64xf32, #tpu.memory_space<vmem>>
      %dma_start3A_1243 = tpu.memref_squeeze %dma_start3A_1242 : memref<1x128x64xf32, #tpu.memory_space<vmem>> -> memref<128x64xf32, #tpu.memory_space<vmem>>
      tpu.enqueue_dma source(%dma_start3A_1243 : memref<128x64xf32, #tpu.memory_space<vmem>>) target(%dma_start3A_1239 : memref<128x64xf32, #tpu.memory_space<hbm>>) target_semaphore(%dma_start3A_1237 : memref<!tpu.dma_semaphore, #tpu.memory_space<semaphore_mem>>)
      %sub3A_1244 = arith.constant 4 : i32
      %sub3A_1245 = arith.subi %add3A_1210, %sub3A_1244 : i32
      %mul3A_1246 = arith.constant 128 : i32
      %mul3A_1247 = arith.muli %sub3A_1245, %mul3A_1246 : i32
      %add3A_1248 = arith.addi %mul3A_2, %mul3A_1247 : i32
      %dma_wait3A_1249 = arith.constant 6 : i32
      %dma_wait3A_1250 = arith.constant 6 : i32
      %dma_wait3A_1251 = arith.constant 0 : i32
      %dma_wait3A_1252 = arith.constant 0 : i32
      %dma_wait3A_1253 = tpu.memref_slice %arg7[%dma_wait3A_1249, %dma_wait3A_1251, %dma_wait3A_1252] : memref<8x128x64xf32, #tpu.memory_space<vmem>> -> memref<1x128x64xf32, #tpu.memory_space<vmem>>
      %dma_wait3A_1254 = tpu.memref_squeeze %dma_wait3A_1253 : memref<1x128x64xf32, #tpu.memory_space<vmem>> -> memref<128x64xf32, #tpu.memory_space<vmem>>
      %dma_wait3A_1255 = arith.constant 0 : i32
      %dma_wait3A_1256 = tpu.memref_slice %arg4[%add3A_1248, %dma_wait3A_1255] : memref<131072x64xf32, #tpu.memory_space<hbm>> -> memref<128x64xf32, #tpu.memory_space<hbm>>
      %dma_wait3A_1257 = tpu.memref_slice %arg8[%dma_wait3A_1250] : memref<8x!tpu.dma_semaphore, #tpu.memory_space<semaphore_mem>> -> memref<1x!tpu.dma_semaphore, #tpu.memory_space<semaphore_mem>>
      %dma_wait3A_1258 = tpu.memref_squeeze %dma_wait3A_1257 : memref<1x!tpu.dma_semaphore, #tpu.memory_space<semaphore_mem>> -> memref<!tpu.dma_semaphore, #tpu.memory_space<semaphore_mem>>
      %dma_wait3A_1259 = arith.constant 0 : i32
      %dma_wait3A_1260 = tpu.memref_slice %arg4[%add3A_1248, %dma_wait3A_1259] : memref<131072x64xf32, #tpu.memory_space<hbm>> -> memref<128x64xf32, #tpu.memory_space<hbm>>
      %dma_wait3A_1261 = arith.constant 0 : i32
      %dma_wait3A_1262 = arith.constant 0 : i32
      %dma_wait3A_1263 = tpu.memref_slice %arg7[%dma_wait3A_1249, %dma_wait3A_1261, %dma_wait3A_1262] : memref<8x128x64xf32, #tpu.memory_space<vmem>> -> memref<1x128x64xf32, #tpu.memory_space<vmem>>
      %dma_wait3A_1264 = tpu.memref_squeeze %dma_wait3A_1263 : memref<1x128x64xf32, #tpu.memory_space<vmem>> -> memref<128x64xf32, #tpu.memory_space<vmem>>
      tpu.wait_dma2 semaphore(%dma_wait3A_1258 : memref<!tpu.dma_semaphore, #tpu.memory_space<semaphore_mem>>) src(%dma_wait3A_1264 : memref<128x64xf32, #tpu.memory_space<vmem>>) dst(%dma_wait3A_1260 : memref<128x64xf32, #tpu.memory_space<hbm>>)
      %add3A_1265 = arith.constant 4 : i32
      %add3A_1266 = arith.addi %add3A_1210, %add3A_1265 : i32
      %dma_start3A_1267 = arith.constant 6 : i32
      %dma_start3A_1268 = arith.constant 6 : i32
      %dma_start3A_1269 = arith.constant 0 : i32
      %dma_start3A_1270 = arith.constant 0 : i32
      %dma_start3A_1271 = tpu.memref_slice %arg7[%dma_start3A_1267, %dma_start3A_1269, %dma_start3A_1270] : memref<8x128x64xf32, #tpu.memory_space<vmem>> -> memref<1x128x64xf32, #tpu.memory_space<vmem>>
      %dma_start3A_1272 = tpu.memref_squeeze %dma_start3A_1271 : memref<1x128x64xf32, #tpu.memory_space<vmem>> -> memref<128x64xf32, #tpu.memory_space<vmem>>
      %dma_start3A_1273 = arith.constant 0 : i32
      %dma_start3A_1274 = tpu.memref_slice %arg6[%add3A_1266, %dma_start3A_1273] : memref<32x128xi32, #tpu.memory_space<vmem>> -> memref<1x128xi32, #tpu.memory_space<vmem>>
      %dma_start3A_1275 = tpu.memref_squeeze %dma_start3A_1274 : memref<1x128xi32, #tpu.memory_space<vmem>> -> memref<128xi32, #tpu.memory_space<vmem>>
      %dma_start3A_1276 = arith.constant 0 : i32
      %dma_start3A_1277 = arith.constant 0 : i32
      %dma_start3A_1278 = tpu.memref_slice %arg3[%dma_start3A_1276, %dma_start3A_1277] : memref<1000000x64xf32, #tpu.memory_space<hbm>> -> memref<1000000x64xf32, #tpu.memory_space<hbm>>
      %dma_start3A_1279 = tpu.memref_slice %arg5[%dma_start3A_1268] : memref<8x!tpu.dma_semaphore, #tpu.memory_space<semaphore_mem>> -> memref<1x!tpu.dma_semaphore, #tpu.memory_space<semaphore_mem>>
      %dma_start3A_1280 = tpu.memref_squeeze %dma_start3A_1279 : memref<1x!tpu.dma_semaphore, #tpu.memory_space<semaphore_mem>> -> memref<!tpu.dma_semaphore, #tpu.memory_space<semaphore_mem>>
      tpu.enqueue_indirect_dma source(%dma_start3A_1278 : memref<1000000x64xf32, #tpu.memory_space<hbm>>) target(%dma_start3A_1272 : memref<128x64xf32, #tpu.memory_space<vmem>>) offsets(%dma_start3A_1275 : memref<128xi32, #tpu.memory_space<vmem>>) semaphore(%dma_start3A_1280 : memref<!tpu.dma_semaphore, #tpu.memory_space<semaphore_mem>>)
      %add3A_1281 = arith.constant 3 : i32
      %add3A_1282 = arith.addi %add3A_1065, %add3A_1281 : i32
      %dma_wait3A_1283 = arith.constant 3 : i32
      %dma_wait3A_1284 = arith.constant 3 : i32
      %dma_wait3A_1285 = arith.constant 0 : i32
      %dma_wait3A_1286 = arith.constant 0 : i32
      %dma_wait3A_1287 = tpu.memref_slice %arg7[%dma_wait3A_1283, %dma_wait3A_1285, %dma_wait3A_1286] : memref<8x128x64xf32, #tpu.memory_space<vmem>> -> memref<1x128x64xf32, #tpu.memory_space<vmem>>
      %dma_wait3A_1288 = tpu.memref_squeeze %dma_wait3A_1287 : memref<1x128x64xf32, #tpu.memory_space<vmem>> -> memref<128x64xf32, #tpu.memory_space<vmem>>
      %dma_wait3A_1289 = arith.constant 0 : i32
      %dma_wait3A_1290 = tpu.memref_slice %arg6[%add3A_1282, %dma_wait3A_1289] : memref<32x128xi32, #tpu.memory_space<vmem>> -> memref<1x128xi32, #tpu.memory_space<vmem>>
      %dma_wait3A_1291 = tpu.memref_squeeze %dma_wait3A_1290 : memref<1x128xi32, #tpu.memory_space<vmem>> -> memref<128xi32, #tpu.memory_space<vmem>>
      %dma_wait3A_1292 = arith.constant 0 : i32
      %dma_wait3A_1293 = arith.constant 0 : i32
      %dma_wait3A_1294 = tpu.memref_slice %arg3[%dma_wait3A_1292, %dma_wait3A_1293] : memref<1000000x64xf32, #tpu.memory_space<hbm>> -> memref<1000000x64xf32, #tpu.memory_space<hbm>>
      %dma_wait3A_1295 = tpu.memref_slice %arg5[%dma_wait3A_1284] : memref<8x!tpu.dma_semaphore, #tpu.memory_space<semaphore_mem>> -> memref<1x!tpu.dma_semaphore, #tpu.memory_space<semaphore_mem>>
      %dma_wait3A_1296 = tpu.memref_squeeze %dma_wait3A_1295 : memref<1x!tpu.dma_semaphore, #tpu.memory_space<semaphore_mem>> -> memref<!tpu.dma_semaphore, #tpu.memory_space<semaphore_mem>>
      tpu.wait_indirect_dma semaphore(%dma_wait3A_1296 : memref<!tpu.dma_semaphore, #tpu.memory_space<semaphore_mem>>) src(%dma_wait3A_1294 : memref<1000000x64xf32, #tpu.memory_space<hbm>>) dst(%dma_wait3A_1288 : memref<128x64xf32, #tpu.memory_space<vmem>>)
      %mul3A_1297 = arith.constant 128 : i32
      %mul3A_1298 = arith.muli %add3A_1282, %mul3A_1297 : i32
      %add3A_1299 = arith.addi %mul3A_2, %mul3A_1298 : i32
      %dma_start3A_1300 = arith.constant 3 : i32
      %dma_start3A_1301 = arith.constant 3 : i32
      %dma_start3A_1302 = arith.constant 0 : i32
      %dma_start3A_1303 = arith.constant 0 : i32
      %dma_start3A_1304 = tpu.memref_slice %arg7[%dma_start3A_1300, %dma_start3A_1302, %dma_start3A_1303] : memref<8x128x64xf32, #tpu.memory_space<vmem>> -> memref<1x128x64xf32, #tpu.memory_space<vmem>>
      %dma_start3A_1305 = tpu.memref_squeeze %dma_start3A_1304 : memref<1x128x64xf32, #tpu.memory_space<vmem>> -> memref<128x64xf32, #tpu.memory_space<vmem>>
      %dma_start3A_1306 = arith.constant 0 : i32
      %dma_start3A_1307 = tpu.memref_slice %arg4[%add3A_1299, %dma_start3A_1306] : memref<131072x64xf32, #tpu.memory_space<hbm>> -> memref<128x64xf32, #tpu.memory_space<hbm>>
      %dma_start3A_1308 = tpu.memref_slice %arg8[%dma_start3A_1301] : memref<8x!tpu.dma_semaphore, #tpu.memory_space<semaphore_mem>> -> memref<1x!tpu.dma_semaphore, #tpu.memory_space<semaphore_mem>>
      %dma_start3A_1309 = tpu.memref_squeeze %dma_start3A_1308 : memref<1x!tpu.dma_semaphore, #tpu.memory_space<semaphore_mem>> -> memref<!tpu.dma_semaphore, #tpu.memory_space<semaphore_mem>>
      %dma_start3A_1310 = arith.constant 0 : i32
      %dma_start3A_1311 = tpu.memref_slice %arg4[%add3A_1299, %dma_start3A_1310] : memref<131072x64xf32, #tpu.memory_space<hbm>> -> memref<128x64xf32, #tpu.memory_space<hbm>>
      %dma_start3A_1312 = arith.constant 0 : i32
      %dma_start3A_1313 = arith.constant 0 : i32
      %dma_start3A_1314 = tpu.memref_slice %arg7[%dma_start3A_1300, %dma_start3A_1312, %dma_start3A_1313] : memref<8x128x64xf32, #tpu.memory_space<vmem>> -> memref<1x128x64xf32, #tpu.memory_space<vmem>>
      %dma_start3A_1315 = tpu.memref_squeeze %dma_start3A_1314 : memref<1x128x64xf32, #tpu.memory_space<vmem>> -> memref<128x64xf32, #tpu.memory_space<vmem>>
      tpu.enqueue_dma source(%dma_start3A_1315 : memref<128x64xf32, #tpu.memory_space<vmem>>) target(%dma_start3A_1311 : memref<128x64xf32, #tpu.memory_space<hbm>>) target_semaphore(%dma_start3A_1309 : memref<!tpu.dma_semaphore, #tpu.memory_space<semaphore_mem>>)
      %sub3A_1316 = arith.constant 4 : i32
      %sub3A_1317 = arith.subi %add3A_1282, %sub3A_1316 : i32
      %mul3A_1318 = arith.constant 128 : i32
      %mul3A_1319 = arith.muli %sub3A_1317, %mul3A_1318 : i32
      %add3A_1320 = arith.addi %mul3A_2, %mul3A_1319 : i32
      %dma_wait3A_1321 = arith.constant 7 : i32
      %dma_wait3A_1322 = arith.constant 7 : i32
      %dma_wait3A_1323 = arith.constant 0 : i32
      %dma_wait3A_1324 = arith.constant 0 : i32
      %dma_wait3A_1325 = tpu.memref_slice %arg7[%dma_wait3A_1321, %dma_wait3A_1323, %dma_wait3A_1324] : memref<8x128x64xf32, #tpu.memory_space<vmem>> -> memref<1x128x64xf32, #tpu.memory_space<vmem>>
      %dma_wait3A_1326 = tpu.memref_squeeze %dma_wait3A_1325 : memref<1x128x64xf32, #tpu.memory_space<vmem>> -> memref<128x64xf32, #tpu.memory_space<vmem>>
      %dma_wait3A_1327 = arith.constant 0 : i32
      %dma_wait3A_1328 = tpu.memref_slice %arg4[%add3A_1320, %dma_wait3A_1327] : memref<131072x64xf32, #tpu.memory_space<hbm>> -> memref<128x64xf32, #tpu.memory_space<hbm>>
      %dma_wait3A_1329 = tpu.memref_slice %arg8[%dma_wait3A_1322] : memref<8x!tpu.dma_semaphore, #tpu.memory_space<semaphore_mem>> -> memref<1x!tpu.dma_semaphore, #tpu.memory_space<semaphore_mem>>
      %dma_wait3A_1330 = tpu.memref_squeeze %dma_wait3A_1329 : memref<1x!tpu.dma_semaphore, #tpu.memory_space<semaphore_mem>> -> memref<!tpu.dma_semaphore, #tpu.memory_space<semaphore_mem>>
      %dma_wait3A_1331 = arith.constant 0 : i32
      %dma_wait3A_1332 = tpu.memref_slice %arg4[%add3A_1320, %dma_wait3A_1331] : memref<131072x64xf32, #tpu.memory_space<hbm>> -> memref<128x64xf32, #tpu.memory_space<hbm>>
      %dma_wait3A_1333 = arith.constant 0 : i32
      %dma_wait3A_1334 = arith.constant 0 : i32
      %dma_wait3A_1335 = tpu.memref_slice %arg7[%dma_wait3A_1321, %dma_wait3A_1333, %dma_wait3A_1334] : memref<8x128x64xf32, #tpu.memory_space<vmem>> -> memref<1x128x64xf32, #tpu.memory_space<vmem>>
      %dma_wait3A_1336 = tpu.memref_squeeze %dma_wait3A_1335 : memref<1x128x64xf32, #tpu.memory_space<vmem>> -> memref<128x64xf32, #tpu.memory_space<vmem>>
      tpu.wait_dma2 semaphore(%dma_wait3A_1330 : memref<!tpu.dma_semaphore, #tpu.memory_space<semaphore_mem>>) src(%dma_wait3A_1336 : memref<128x64xf32, #tpu.memory_space<vmem>>) dst(%dma_wait3A_1332 : memref<128x64xf32, #tpu.memory_space<hbm>>)
      %add3A_1337 = arith.constant 4 : i32
      %add3A_1338 = arith.addi %add3A_1282, %add3A_1337 : i32
      %dma_start3A_1339 = arith.constant 7 : i32
      %dma_start3A_1340 = arith.constant 7 : i32
      %dma_start3A_1341 = arith.constant 0 : i32
      %dma_start3A_1342 = arith.constant 0 : i32
      %dma_start3A_1343 = tpu.memref_slice %arg7[%dma_start3A_1339, %dma_start3A_1341, %dma_start3A_1342] : memref<8x128x64xf32, #tpu.memory_space<vmem>> -> memref<1x128x64xf32, #tpu.memory_space<vmem>>
      %dma_start3A_1344 = tpu.memref_squeeze %dma_start3A_1343 : memref<1x128x64xf32, #tpu.memory_space<vmem>> -> memref<128x64xf32, #tpu.memory_space<vmem>>
      %dma_start3A_1345 = arith.constant 0 : i32
      %dma_start3A_1346 = tpu.memref_slice %arg6[%add3A_1338, %dma_start3A_1345] : memref<32x128xi32, #tpu.memory_space<vmem>> -> memref<1x128xi32, #tpu.memory_space<vmem>>
      %dma_start3A_1347 = tpu.memref_squeeze %dma_start3A_1346 : memref<1x128xi32, #tpu.memory_space<vmem>> -> memref<128xi32, #tpu.memory_space<vmem>>
      %dma_start3A_1348 = arith.constant 0 : i32
      %dma_start3A_1349 = arith.constant 0 : i32
      %dma_start3A_1350 = tpu.memref_slice %arg3[%dma_start3A_1348, %dma_start3A_1349] : memref<1000000x64xf32, #tpu.memory_space<hbm>> -> memref<1000000x64xf32, #tpu.memory_space<hbm>>
      %dma_start3A_1351 = tpu.memref_slice %arg5[%dma_start3A_1340] : memref<8x!tpu.dma_semaphore, #tpu.memory_space<semaphore_mem>> -> memref<1x!tpu.dma_semaphore, #tpu.memory_space<semaphore_mem>>
      %dma_start3A_1352 = tpu.memref_squeeze %dma_start3A_1351 : memref<1x!tpu.dma_semaphore, #tpu.memory_space<semaphore_mem>> -> memref<!tpu.dma_semaphore, #tpu.memory_space<semaphore_mem>>
      tpu.enqueue_indirect_dma source(%dma_start3A_1350 : memref<1000000x64xf32, #tpu.memory_space<hbm>>) target(%dma_start3A_1344 : memref<128x64xf32, #tpu.memory_space<vmem>>) offsets(%dma_start3A_1347 : memref<128xi32, #tpu.memory_space<vmem>>) semaphore(%dma_start3A_1352 : memref<!tpu.dma_semaphore, #tpu.memory_space<semaphore_mem>>)
      %add3A_1353 = arith.constant 4 : i32
      %add3A_1354 = arith.addi %add3A_1065, %add3A_1353 : i32
      %dma_wait3A_1355 = arith.constant 4 : i32
      %dma_wait3A_1356 = arith.constant 4 : i32
      %dma_wait3A_1357 = arith.constant 0 : i32
      %dma_wait3A_1358 = arith.constant 0 : i32
      %dma_wait3A_1359 = tpu.memref_slice %arg7[%dma_wait3A_1355, %dma_wait3A_1357, %dma_wait3A_1358] : memref<8x128x64xf32, #tpu.memory_space<vmem>> -> memref<1x128x64xf32, #tpu.memory_space<vmem>>
      %dma_wait3A_1360 = tpu.memref_squeeze %dma_wait3A_1359 : memref<1x128x64xf32, #tpu.memory_space<vmem>> -> memref<128x64xf32, #tpu.memory_space<vmem>>
      %dma_wait3A_1361 = arith.constant 0 : i32
      %dma_wait3A_1362 = tpu.memref_slice %arg6[%add3A_1354, %dma_wait3A_1361] : memref<32x128xi32, #tpu.memory_space<vmem>> -> memref<1x128xi32, #tpu.memory_space<vmem>>
      %dma_wait3A_1363 = tpu.memref_squeeze %dma_wait3A_1362 : memref<1x128xi32, #tpu.memory_space<vmem>> -> memref<128xi32, #tpu.memory_space<vmem>>
      %dma_wait3A_1364 = arith.constant 0 : i32
      %dma_wait3A_1365 = arith.constant 0 : i32
      %dma_wait3A_1366 = tpu.memref_slice %arg3[%dma_wait3A_1364, %dma_wait3A_1365] : memref<1000000x64xf32, #tpu.memory_space<hbm>> -> memref<1000000x64xf32, #tpu.memory_space<hbm>>
      %dma_wait3A_1367 = tpu.memref_slice %arg5[%dma_wait3A_1356] : memref<8x!tpu.dma_semaphore, #tpu.memory_space<semaphore_mem>> -> memref<1x!tpu.dma_semaphore, #tpu.memory_space<semaphore_mem>>
      %dma_wait3A_1368 = tpu.memref_squeeze %dma_wait3A_1367 : memref<1x!tpu.dma_semaphore, #tpu.memory_space<semaphore_mem>> -> memref<!tpu.dma_semaphore, #tpu.memory_space<semaphore_mem>>
      tpu.wait_indirect_dma semaphore(%dma_wait3A_1368 : memref<!tpu.dma_semaphore, #tpu.memory_space<semaphore_mem>>) src(%dma_wait3A_1366 : memref<1000000x64xf32, #tpu.memory_space<hbm>>) dst(%dma_wait3A_1360 : memref<128x64xf32, #tpu.memory_space<vmem>>)
      %mul3A_1369 = arith.constant 128 : i32
      %mul3A_1370 = arith.muli %add3A_1354, %mul3A_1369 : i32
      %add3A_1371 = arith.addi %mul3A_2, %mul3A_1370 : i32
      %dma_start3A_1372 = arith.constant 4 : i32
      %dma_start3A_1373 = arith.constant 4 : i32
      %dma_start3A_1374 = arith.constant 0 : i32
      %dma_start3A_1375 = arith.constant 0 : i32
      %dma_start3A_1376 = tpu.memref_slice %arg7[%dma_start3A_1372, %dma_start3A_1374, %dma_start3A_1375] : memref<8x128x64xf32, #tpu.memory_space<vmem>> -> memref<1x128x64xf32, #tpu.memory_space<vmem>>
      %dma_start3A_1377 = tpu.memref_squeeze %dma_start3A_1376 : memref<1x128x64xf32, #tpu.memory_space<vmem>> -> memref<128x64xf32, #tpu.memory_space<vmem>>
      %dma_start3A_1378 = arith.constant 0 : i32
      %dma_start3A_1379 = tpu.memref_slice %arg4[%add3A_1371, %dma_start3A_1378] : memref<131072x64xf32, #tpu.memory_space<hbm>> -> memref<128x64xf32, #tpu.memory_space<hbm>>
      %dma_start3A_1380 = tpu.memref_slice %arg8[%dma_start3A_1373] : memref<8x!tpu.dma_semaphore, #tpu.memory_space<semaphore_mem>> -> memref<1x!tpu.dma_semaphore, #tpu.memory_space<semaphore_mem>>
      %dma_start3A_1381 = tpu.memref_squeeze %dma_start3A_1380 : memref<1x!tpu.dma_semaphore, #tpu.memory_space<semaphore_mem>> -> memref<!tpu.dma_semaphore, #tpu.memory_space<semaphore_mem>>
      %dma_start3A_1382 = arith.constant 0 : i32
      %dma_start3A_1383 = tpu.memref_slice %arg4[%add3A_1371, %dma_start3A_1382] : memref<131072x64xf32, #tpu.memory_space<hbm>> -> memref<128x64xf32, #tpu.memory_space<hbm>>
      %dma_start3A_1384 = arith.constant 0 : i32
      %dma_start3A_1385 = arith.constant 0 : i32
      %dma_start3A_1386 = tpu.memref_slice %arg7[%dma_start3A_1372, %dma_start3A_1384, %dma_start3A_1385] : memref<8x128x64xf32, #tpu.memory_space<vmem>> -> memref<1x128x64xf32, #tpu.memory_space<vmem>>
      %dma_start3A_1387 = tpu.memref_squeeze %dma_start3A_1386 : memref<1x128x64xf32, #tpu.memory_space<vmem>> -> memref<128x64xf32, #tpu.memory_space<vmem>>
      tpu.enqueue_dma source(%dma_start3A_1387 : memref<128x64xf32, #tpu.memory_space<vmem>>) target(%dma_start3A_1383 : memref<128x64xf32, #tpu.memory_space<hbm>>) target_semaphore(%dma_start3A_1381 : memref<!tpu.dma_semaphore, #tpu.memory_space<semaphore_mem>>)
      %sub3A_1388 = arith.constant 4 : i32
      %sub3A_1389 = arith.subi %add3A_1354, %sub3A_1388 : i32
      %mul3A_1390 = arith.constant 128 : i32
      %mul3A_1391 = arith.muli %sub3A_1389, %mul3A_1390 : i32
      %add3A_1392 = arith.addi %mul3A_2, %mul3A_1391 : i32
      %dma_wait3A_1393 = arith.constant 0 : i32
      %dma_wait3A_1394 = arith.constant 0 : i32
      %dma_wait3A_1395 = arith.constant 0 : i32
      %dma_wait3A_1396 = arith.constant 0 : i32
      %dma_wait3A_1397 = tpu.memref_slice %arg7[%dma_wait3A_1393, %dma_wait3A_1395, %dma_wait3A_1396] : memref<8x128x64xf32, #tpu.memory_space<vmem>> -> memref<1x128x64xf32, #tpu.memory_space<vmem>>
      %dma_wait3A_1398 = tpu.memref_squeeze %dma_wait3A_1397 : memref<1x128x64xf32, #tpu.memory_space<vmem>> -> memref<128x64xf32, #tpu.memory_space<vmem>>
      %dma_wait3A_1399 = arith.constant 0 : i32
      %dma_wait3A_1400 = tpu.memref_slice %arg4[%add3A_1392, %dma_wait3A_1399] : memref<131072x64xf32, #tpu.memory_space<hbm>> -> memref<128x64xf32, #tpu.memory_space<hbm>>
      %dma_wait3A_1401 = tpu.memref_slice %arg8[%dma_wait3A_1394] : memref<8x!tpu.dma_semaphore, #tpu.memory_space<semaphore_mem>> -> memref<1x!tpu.dma_semaphore, #tpu.memory_space<semaphore_mem>>
      %dma_wait3A_1402 = tpu.memref_squeeze %dma_wait3A_1401 : memref<1x!tpu.dma_semaphore, #tpu.memory_space<semaphore_mem>> -> memref<!tpu.dma_semaphore, #tpu.memory_space<semaphore_mem>>
      %dma_wait3A_1403 = arith.constant 0 : i32
      %dma_wait3A_1404 = tpu.memref_slice %arg4[%add3A_1392, %dma_wait3A_1403] : memref<131072x64xf32, #tpu.memory_space<hbm>> -> memref<128x64xf32, #tpu.memory_space<hbm>>
      %dma_wait3A_1405 = arith.constant 0 : i32
      %dma_wait3A_1406 = arith.constant 0 : i32
      %dma_wait3A_1407 = tpu.memref_slice %arg7[%dma_wait3A_1393, %dma_wait3A_1405, %dma_wait3A_1406] : memref<8x128x64xf32, #tpu.memory_space<vmem>> -> memref<1x128x64xf32, #tpu.memory_space<vmem>>
      %dma_wait3A_1408 = tpu.memref_squeeze %dma_wait3A_1407 : memref<1x128x64xf32, #tpu.memory_space<vmem>> -> memref<128x64xf32, #tpu.memory_space<vmem>>
      tpu.wait_dma2 semaphore(%dma_wait3A_1402 : memref<!tpu.dma_semaphore, #tpu.memory_space<semaphore_mem>>) src(%dma_wait3A_1408 : memref<128x64xf32, #tpu.memory_space<vmem>>) dst(%dma_wait3A_1404 : memref<128x64xf32, #tpu.memory_space<hbm>>)
      %add3A_1409 = arith.constant 4 : i32
      %add3A_1410 = arith.addi %add3A_1354, %add3A_1409 : i32
      %dma_start3A_1411 = arith.constant 0 : i32
      %dma_start3A_1412 = arith.constant 0 : i32
      %dma_start3A_1413 = arith.constant 0 : i32
      %dma_start3A_1414 = arith.constant 0 : i32
      %dma_start3A_1415 = tpu.memref_slice %arg7[%dma_start3A_1411, %dma_start3A_1413, %dma_start3A_1414] : memref<8x128x64xf32, #tpu.memory_space<vmem>> -> memref<1x128x64xf32, #tpu.memory_space<vmem>>
      %dma_start3A_1416 = tpu.memref_squeeze %dma_start3A_1415 : memref<1x128x64xf32, #tpu.memory_space<vmem>> -> memref<128x64xf32, #tpu.memory_space<vmem>>
      %dma_start3A_1417 = arith.constant 0 : i32
      %dma_start3A_1418 = tpu.memref_slice %arg6[%add3A_1410, %dma_start3A_1417] : memref<32x128xi32, #tpu.memory_space<vmem>> -> memref<1x128xi32, #tpu.memory_space<vmem>>
      %dma_start3A_1419 = tpu.memref_squeeze %dma_start3A_1418 : memref<1x128xi32, #tpu.memory_space<vmem>> -> memref<128xi32, #tpu.memory_space<vmem>>
      %dma_start3A_1420 = arith.constant 0 : i32
      %dma_start3A_1421 = arith.constant 0 : i32
      %dma_start3A_1422 = tpu.memref_slice %arg3[%dma_start3A_1420, %dma_start3A_1421] : memref<1000000x64xf32, #tpu.memory_space<hbm>> -> memref<1000000x64xf32, #tpu.memory_space<hbm>>
      %dma_start3A_1423 = tpu.memref_slice %arg5[%dma_start3A_1412] : memref<8x!tpu.dma_semaphore, #tpu.memory_space<semaphore_mem>> -> memref<1x!tpu.dma_semaphore, #tpu.memory_space<semaphore_mem>>
      %dma_start3A_1424 = tpu.memref_squeeze %dma_start3A_1423 : memref<1x!tpu.dma_semaphore, #tpu.memory_space<semaphore_mem>> -> memref<!tpu.dma_semaphore, #tpu.memory_space<semaphore_mem>>
      tpu.enqueue_indirect_dma source(%dma_start3A_1422 : memref<1000000x64xf32, #tpu.memory_space<hbm>>) target(%dma_start3A_1416 : memref<128x64xf32, #tpu.memory_space<vmem>>) offsets(%dma_start3A_1419 : memref<128xi32, #tpu.memory_space<vmem>>) semaphore(%dma_start3A_1424 : memref<!tpu.dma_semaphore, #tpu.memory_space<semaphore_mem>>)
      %add3A_1425 = arith.constant 5 : i32
      %add3A_1426 = arith.addi %add3A_1065, %add3A_1425 : i32
      %dma_wait3A_1427 = arith.constant 5 : i32
      %dma_wait3A_1428 = arith.constant 5 : i32
      %dma_wait3A_1429 = arith.constant 0 : i32
      %dma_wait3A_1430 = arith.constant 0 : i32
      %dma_wait3A_1431 = tpu.memref_slice %arg7[%dma_wait3A_1427, %dma_wait3A_1429, %dma_wait3A_1430] : memref<8x128x64xf32, #tpu.memory_space<vmem>> -> memref<1x128x64xf32, #tpu.memory_space<vmem>>
      %dma_wait3A_1432 = tpu.memref_squeeze %dma_wait3A_1431 : memref<1x128x64xf32, #tpu.memory_space<vmem>> -> memref<128x64xf32, #tpu.memory_space<vmem>>
      %dma_wait3A_1433 = arith.constant 0 : i32
      %dma_wait3A_1434 = tpu.memref_slice %arg6[%add3A_1426, %dma_wait3A_1433] : memref<32x128xi32, #tpu.memory_space<vmem>> -> memref<1x128xi32, #tpu.memory_space<vmem>>
      %dma_wait3A_1435 = tpu.memref_squeeze %dma_wait3A_1434 : memref<1x128xi32, #tpu.memory_space<vmem>> -> memref<128xi32, #tpu.memory_space<vmem>>
      %dma_wait3A_1436 = arith.constant 0 : i32
      %dma_wait3A_1437 = arith.constant 0 : i32
      %dma_wait3A_1438 = tpu.memref_slice %arg3[%dma_wait3A_1436, %dma_wait3A_1437] : memref<1000000x64xf32, #tpu.memory_space<hbm>> -> memref<1000000x64xf32, #tpu.memory_space<hbm>>
      %dma_wait3A_1439 = tpu.memref_slice %arg5[%dma_wait3A_1428] : memref<8x!tpu.dma_semaphore, #tpu.memory_space<semaphore_mem>> -> memref<1x!tpu.dma_semaphore, #tpu.memory_space<semaphore_mem>>
      %dma_wait3A_1440 = tpu.memref_squeeze %dma_wait3A_1439 : memref<1x!tpu.dma_semaphore, #tpu.memory_space<semaphore_mem>> -> memref<!tpu.dma_semaphore, #tpu.memory_space<semaphore_mem>>
      tpu.wait_indirect_dma semaphore(%dma_wait3A_1440 : memref<!tpu.dma_semaphore, #tpu.memory_space<semaphore_mem>>) src(%dma_wait3A_1438 : memref<1000000x64xf32, #tpu.memory_space<hbm>>) dst(%dma_wait3A_1432 : memref<128x64xf32, #tpu.memory_space<vmem>>)
      %mul3A_1441 = arith.constant 128 : i32
      %mul3A_1442 = arith.muli %add3A_1426, %mul3A_1441 : i32
      %add3A_1443 = arith.addi %mul3A_2, %mul3A_1442 : i32
      %dma_start3A_1444 = arith.constant 5 : i32
      %dma_start3A_1445 = arith.constant 5 : i32
      %dma_start3A_1446 = arith.constant 0 : i32
      %dma_start3A_1447 = arith.constant 0 : i32
      %dma_start3A_1448 = tpu.memref_slice %arg7[%dma_start3A_1444, %dma_start3A_1446, %dma_start3A_1447] : memref<8x128x64xf32, #tpu.memory_space<vmem>> -> memref<1x128x64xf32, #tpu.memory_space<vmem>>
      %dma_start3A_1449 = tpu.memref_squeeze %dma_start3A_1448 : memref<1x128x64xf32, #tpu.memory_space<vmem>> -> memref<128x64xf32, #tpu.memory_space<vmem>>
      %dma_start3A_1450 = arith.constant 0 : i32
      %dma_start3A_1451 = tpu.memref_slice %arg4[%add3A_1443, %dma_start3A_1450] : memref<131072x64xf32, #tpu.memory_space<hbm>> -> memref<128x64xf32, #tpu.memory_space<hbm>>
      %dma_start3A_1452 = tpu.memref_slice %arg8[%dma_start3A_1445] : memref<8x!tpu.dma_semaphore, #tpu.memory_space<semaphore_mem>> -> memref<1x!tpu.dma_semaphore, #tpu.memory_space<semaphore_mem>>
      %dma_start3A_1453 = tpu.memref_squeeze %dma_start3A_1452 : memref<1x!tpu.dma_semaphore, #tpu.memory_space<semaphore_mem>> -> memref<!tpu.dma_semaphore, #tpu.memory_space<semaphore_mem>>
      %dma_start3A_1454 = arith.constant 0 : i32
      %dma_start3A_1455 = tpu.memref_slice %arg4[%add3A_1443, %dma_start3A_1454] : memref<131072x64xf32, #tpu.memory_space<hbm>> -> memref<128x64xf32, #tpu.memory_space<hbm>>
      %dma_start3A_1456 = arith.constant 0 : i32
      %dma_start3A_1457 = arith.constant 0 : i32
      %dma_start3A_1458 = tpu.memref_slice %arg7[%dma_start3A_1444, %dma_start3A_1456, %dma_start3A_1457] : memref<8x128x64xf32, #tpu.memory_space<vmem>> -> memref<1x128x64xf32, #tpu.memory_space<vmem>>
      %dma_start3A_1459 = tpu.memref_squeeze %dma_start3A_1458 : memref<1x128x64xf32, #tpu.memory_space<vmem>> -> memref<128x64xf32, #tpu.memory_space<vmem>>
      tpu.enqueue_dma source(%dma_start3A_1459 : memref<128x64xf32, #tpu.memory_space<vmem>>) target(%dma_start3A_1455 : memref<128x64xf32, #tpu.memory_space<hbm>>) target_semaphore(%dma_start3A_1453 : memref<!tpu.dma_semaphore, #tpu.memory_space<semaphore_mem>>)
      %sub3A_1460 = arith.constant 4 : i32
      %sub3A_1461 = arith.subi %add3A_1426, %sub3A_1460 : i32
      %mul3A_1462 = arith.constant 128 : i32
      %mul3A_1463 = arith.muli %sub3A_1461, %mul3A_1462 : i32
      %add3A_1464 = arith.addi %mul3A_2, %mul3A_1463 : i32
      %dma_wait3A_1465 = arith.constant 1 : i32
      %dma_wait3A_1466 = arith.constant 1 : i32
      %dma_wait3A_1467 = arith.constant 0 : i32
      %dma_wait3A_1468 = arith.constant 0 : i32
      %dma_wait3A_1469 = tpu.memref_slice %arg7[%dma_wait3A_1465, %dma_wait3A_1467, %dma_wait3A_1468] : memref<8x128x64xf32, #tpu.memory_space<vmem>> -> memref<1x128x64xf32, #tpu.memory_space<vmem>>
      %dma_wait3A_1470 = tpu.memref_squeeze %dma_wait3A_1469 : memref<1x128x64xf32, #tpu.memory_space<vmem>> -> memref<128x64xf32, #tpu.memory_space<vmem>>
      %dma_wait3A_1471 = arith.constant 0 : i32
      %dma_wait3A_1472 = tpu.memref_slice %arg4[%add3A_1464, %dma_wait3A_1471] : memref<131072x64xf32, #tpu.memory_space<hbm>> -> memref<128x64xf32, #tpu.memory_space<hbm>>
      %dma_wait3A_1473 = tpu.memref_slice %arg8[%dma_wait3A_1466] : memref<8x!tpu.dma_semaphore, #tpu.memory_space<semaphore_mem>> -> memref<1x!tpu.dma_semaphore, #tpu.memory_space<semaphore_mem>>
      %dma_wait3A_1474 = tpu.memref_squeeze %dma_wait3A_1473 : memref<1x!tpu.dma_semaphore, #tpu.memory_space<semaphore_mem>> -> memref<!tpu.dma_semaphore, #tpu.memory_space<semaphore_mem>>
      %dma_wait3A_1475 = arith.constant 0 : i32
      %dma_wait3A_1476 = tpu.memref_slice %arg4[%add3A_1464, %dma_wait3A_1475] : memref<131072x64xf32, #tpu.memory_space<hbm>> -> memref<128x64xf32, #tpu.memory_space<hbm>>
      %dma_wait3A_1477 = arith.constant 0 : i32
      %dma_wait3A_1478 = arith.constant 0 : i32
      %dma_wait3A_1479 = tpu.memref_slice %arg7[%dma_wait3A_1465, %dma_wait3A_1477, %dma_wait3A_1478] : memref<8x128x64xf32, #tpu.memory_space<vmem>> -> memref<1x128x64xf32, #tpu.memory_space<vmem>>
      %dma_wait3A_1480 = tpu.memref_squeeze %dma_wait3A_1479 : memref<1x128x64xf32, #tpu.memory_space<vmem>> -> memref<128x64xf32, #tpu.memory_space<vmem>>
      tpu.wait_dma2 semaphore(%dma_wait3A_1474 : memref<!tpu.dma_semaphore, #tpu.memory_space<semaphore_mem>>) src(%dma_wait3A_1480 : memref<128x64xf32, #tpu.memory_space<vmem>>) dst(%dma_wait3A_1476 : memref<128x64xf32, #tpu.memory_space<hbm>>)
      %add3A_1481 = arith.constant 4 : i32
      %add3A_1482 = arith.addi %add3A_1426, %add3A_1481 : i32
      %dma_start3A_1483 = arith.constant 1 : i32
      %dma_start3A_1484 = arith.constant 1 : i32
      %dma_start3A_1485 = arith.constant 0 : i32
      %dma_start3A_1486 = arith.constant 0 : i32
      %dma_start3A_1487 = tpu.memref_slice %arg7[%dma_start3A_1483, %dma_start3A_1485, %dma_start3A_1486] : memref<8x128x64xf32, #tpu.memory_space<vmem>> -> memref<1x128x64xf32, #tpu.memory_space<vmem>>
      %dma_start3A_1488 = tpu.memref_squeeze %dma_start3A_1487 : memref<1x128x64xf32, #tpu.memory_space<vmem>> -> memref<128x64xf32, #tpu.memory_space<vmem>>
      %dma_start3A_1489 = arith.constant 0 : i32
      %dma_start3A_1490 = tpu.memref_slice %arg6[%add3A_1482, %dma_start3A_1489] : memref<32x128xi32, #tpu.memory_space<vmem>> -> memref<1x128xi32, #tpu.memory_space<vmem>>
      %dma_start3A_1491 = tpu.memref_squeeze %dma_start3A_1490 : memref<1x128xi32, #tpu.memory_space<vmem>> -> memref<128xi32, #tpu.memory_space<vmem>>
      %dma_start3A_1492 = arith.constant 0 : i32
      %dma_start3A_1493 = arith.constant 0 : i32
      %dma_start3A_1494 = tpu.memref_slice %arg3[%dma_start3A_1492, %dma_start3A_1493] : memref<1000000x64xf32, #tpu.memory_space<hbm>> -> memref<1000000x64xf32, #tpu.memory_space<hbm>>
      %dma_start3A_1495 = tpu.memref_slice %arg5[%dma_start3A_1484] : memref<8x!tpu.dma_semaphore, #tpu.memory_space<semaphore_mem>> -> memref<1x!tpu.dma_semaphore, #tpu.memory_space<semaphore_mem>>
      %dma_start3A_1496 = tpu.memref_squeeze %dma_start3A_1495 : memref<1x!tpu.dma_semaphore, #tpu.memory_space<semaphore_mem>> -> memref<!tpu.dma_semaphore, #tpu.memory_space<semaphore_mem>>
      tpu.enqueue_indirect_dma source(%dma_start3A_1494 : memref<1000000x64xf32, #tpu.memory_space<hbm>>) target(%dma_start3A_1488 : memref<128x64xf32, #tpu.memory_space<vmem>>) offsets(%dma_start3A_1491 : memref<128xi32, #tpu.memory_space<vmem>>) semaphore(%dma_start3A_1496 : memref<!tpu.dma_semaphore, #tpu.memory_space<semaphore_mem>>)
      %add3A_1497 = arith.constant 6 : i32
      %add3A_1498 = arith.addi %add3A_1065, %add3A_1497 : i32
      %dma_wait3A_1499 = arith.constant 6 : i32
      %dma_wait3A_1500 = arith.constant 6 : i32
      %dma_wait3A_1501 = arith.constant 0 : i32
      %dma_wait3A_1502 = arith.constant 0 : i32
      %dma_wait3A_1503 = tpu.memref_slice %arg7[%dma_wait3A_1499, %dma_wait3A_1501, %dma_wait3A_1502] : memref<8x128x64xf32, #tpu.memory_space<vmem>> -> memref<1x128x64xf32, #tpu.memory_space<vmem>>
      %dma_wait3A_1504 = tpu.memref_squeeze %dma_wait3A_1503 : memref<1x128x64xf32, #tpu.memory_space<vmem>> -> memref<128x64xf32, #tpu.memory_space<vmem>>
      %dma_wait3A_1505 = arith.constant 0 : i32
      %dma_wait3A_1506 = tpu.memref_slice %arg6[%add3A_1498, %dma_wait3A_1505] : memref<32x128xi32, #tpu.memory_space<vmem>> -> memref<1x128xi32, #tpu.memory_space<vmem>>
      %dma_wait3A_1507 = tpu.memref_squeeze %dma_wait3A_1506 : memref<1x128xi32, #tpu.memory_space<vmem>> -> memref<128xi32, #tpu.memory_space<vmem>>
      %dma_wait3A_1508 = arith.constant 0 : i32
      %dma_wait3A_1509 = arith.constant 0 : i32
      %dma_wait3A_1510 = tpu.memref_slice %arg3[%dma_wait3A_1508, %dma_wait3A_1509] : memref<1000000x64xf32, #tpu.memory_space<hbm>> -> memref<1000000x64xf32, #tpu.memory_space<hbm>>
      %dma_wait3A_1511 = tpu.memref_slice %arg5[%dma_wait3A_1500] : memref<8x!tpu.dma_semaphore, #tpu.memory_space<semaphore_mem>> -> memref<1x!tpu.dma_semaphore, #tpu.memory_space<semaphore_mem>>
      %dma_wait3A_1512 = tpu.memref_squeeze %dma_wait3A_1511 : memref<1x!tpu.dma_semaphore, #tpu.memory_space<semaphore_mem>> -> memref<!tpu.dma_semaphore, #tpu.memory_space<semaphore_mem>>
      tpu.wait_indirect_dma semaphore(%dma_wait3A_1512 : memref<!tpu.dma_semaphore, #tpu.memory_space<semaphore_mem>>) src(%dma_wait3A_1510 : memref<1000000x64xf32, #tpu.memory_space<hbm>>) dst(%dma_wait3A_1504 : memref<128x64xf32, #tpu.memory_space<vmem>>)
      %mul3A_1513 = arith.constant 128 : i32
      %mul3A_1514 = arith.muli %add3A_1498, %mul3A_1513 : i32
      %add3A_1515 = arith.addi %mul3A_2, %mul3A_1514 : i32
      %dma_start3A_1516 = arith.constant 6 : i32
      %dma_start3A_1517 = arith.constant 6 : i32
      %dma_start3A_1518 = arith.constant 0 : i32
      %dma_start3A_1519 = arith.constant 0 : i32
      %dma_start3A_1520 = tpu.memref_slice %arg7[%dma_start3A_1516, %dma_start3A_1518, %dma_start3A_1519] : memref<8x128x64xf32, #tpu.memory_space<vmem>> -> memref<1x128x64xf32, #tpu.memory_space<vmem>>
      %dma_start3A_1521 = tpu.memref_squeeze %dma_start3A_1520 : memref<1x128x64xf32, #tpu.memory_space<vmem>> -> memref<128x64xf32, #tpu.memory_space<vmem>>
      %dma_start3A_1522 = arith.constant 0 : i32
      %dma_start3A_1523 = tpu.memref_slice %arg4[%add3A_1515, %dma_start3A_1522] : memref<131072x64xf32, #tpu.memory_space<hbm>> -> memref<128x64xf32, #tpu.memory_space<hbm>>
      %dma_start3A_1524 = tpu.memref_slice %arg8[%dma_start3A_1517] : memref<8x!tpu.dma_semaphore, #tpu.memory_space<semaphore_mem>> -> memref<1x!tpu.dma_semaphore, #tpu.memory_space<semaphore_mem>>
      %dma_start3A_1525 = tpu.memref_squeeze %dma_start3A_1524 : memref<1x!tpu.dma_semaphore, #tpu.memory_space<semaphore_mem>> -> memref<!tpu.dma_semaphore, #tpu.memory_space<semaphore_mem>>
      %dma_start3A_1526 = arith.constant 0 : i32
      %dma_start3A_1527 = tpu.memref_slice %arg4[%add3A_1515, %dma_start3A_1526] : memref<131072x64xf32, #tpu.memory_space<hbm>> -> memref<128x64xf32, #tpu.memory_space<hbm>>
      %dma_start3A_1528 = arith.constant 0 : i32
      %dma_start3A_1529 = arith.constant 0 : i32
      %dma_start3A_1530 = tpu.memref_slice %arg7[%dma_start3A_1516, %dma_start3A_1528, %dma_start3A_1529] : memref<8x128x64xf32, #tpu.memory_space<vmem>> -> memref<1x128x64xf32, #tpu.memory_space<vmem>>
      %dma_start3A_1531 = tpu.memref_squeeze %dma_start3A_1530 : memref<1x128x64xf32, #tpu.memory_space<vmem>> -> memref<128x64xf32, #tpu.memory_space<vmem>>
      tpu.enqueue_dma source(%dma_start3A_1531 : memref<128x64xf32, #tpu.memory_space<vmem>>) target(%dma_start3A_1527 : memref<128x64xf32, #tpu.memory_space<hbm>>) target_semaphore(%dma_start3A_1525 : memref<!tpu.dma_semaphore, #tpu.memory_space<semaphore_mem>>)
      %sub3A_1532 = arith.constant 4 : i32
      %sub3A_1533 = arith.subi %add3A_1498, %sub3A_1532 : i32
      %mul3A_1534 = arith.constant 128 : i32
      %mul3A_1535 = arith.muli %sub3A_1533, %mul3A_1534 : i32
      %add3A_1536 = arith.addi %mul3A_2, %mul3A_1535 : i32
      %dma_wait3A_1537 = arith.constant 2 : i32
      %dma_wait3A_1538 = arith.constant 2 : i32
      %dma_wait3A_1539 = arith.constant 0 : i32
      %dma_wait3A_1540 = arith.constant 0 : i32
      %dma_wait3A_1541 = tpu.memref_slice %arg7[%dma_wait3A_1537, %dma_wait3A_1539, %dma_wait3A_1540] : memref<8x128x64xf32, #tpu.memory_space<vmem>> -> memref<1x128x64xf32, #tpu.memory_space<vmem>>
      %dma_wait3A_1542 = tpu.memref_squeeze %dma_wait3A_1541 : memref<1x128x64xf32, #tpu.memory_space<vmem>> -> memref<128x64xf32, #tpu.memory_space<vmem>>
      %dma_wait3A_1543 = arith.constant 0 : i32
      %dma_wait3A_1544 = tpu.memref_slice %arg4[%add3A_1536, %dma_wait3A_1543] : memref<131072x64xf32, #tpu.memory_space<hbm>> -> memref<128x64xf32, #tpu.memory_space<hbm>>
      %dma_wait3A_1545 = tpu.memref_slice %arg8[%dma_wait3A_1538] : memref<8x!tpu.dma_semaphore, #tpu.memory_space<semaphore_mem>> -> memref<1x!tpu.dma_semaphore, #tpu.memory_space<semaphore_mem>>
      %dma_wait3A_1546 = tpu.memref_squeeze %dma_wait3A_1545 : memref<1x!tpu.dma_semaphore, #tpu.memory_space<semaphore_mem>> -> memref<!tpu.dma_semaphore, #tpu.memory_space<semaphore_mem>>
      %dma_wait3A_1547 = arith.constant 0 : i32
      %dma_wait3A_1548 = tpu.memref_slice %arg4[%add3A_1536, %dma_wait3A_1547] : memref<131072x64xf32, #tpu.memory_space<hbm>> -> memref<128x64xf32, #tpu.memory_space<hbm>>
      %dma_wait3A_1549 = arith.constant 0 : i32
      %dma_wait3A_1550 = arith.constant 0 : i32
      %dma_wait3A_1551 = tpu.memref_slice %arg7[%dma_wait3A_1537, %dma_wait3A_1549, %dma_wait3A_1550] : memref<8x128x64xf32, #tpu.memory_space<vmem>> -> memref<1x128x64xf32, #tpu.memory_space<vmem>>
      %dma_wait3A_1552 = tpu.memref_squeeze %dma_wait3A_1551 : memref<1x128x64xf32, #tpu.memory_space<vmem>> -> memref<128x64xf32, #tpu.memory_space<vmem>>
      tpu.wait_dma2 semaphore(%dma_wait3A_1546 : memref<!tpu.dma_semaphore, #tpu.memory_space<semaphore_mem>>) src(%dma_wait3A_1552 : memref<128x64xf32, #tpu.memory_space<vmem>>) dst(%dma_wait3A_1548 : memref<128x64xf32, #tpu.memory_space<hbm>>)
      %add3A_1553 = arith.constant 4 : i32
      %add3A_1554 = arith.addi %add3A_1498, %add3A_1553 : i32
      %dma_start3A_1555 = arith.constant 2 : i32
      %dma_start3A_1556 = arith.constant 2 : i32
      %dma_start3A_1557 = arith.constant 0 : i32
      %dma_start3A_1558 = arith.constant 0 : i32
      %dma_start3A_1559 = tpu.memref_slice %arg7[%dma_start3A_1555, %dma_start3A_1557, %dma_start3A_1558] : memref<8x128x64xf32, #tpu.memory_space<vmem>> -> memref<1x128x64xf32, #tpu.memory_space<vmem>>
      %dma_start3A_1560 = tpu.memref_squeeze %dma_start3A_1559 : memref<1x128x64xf32, #tpu.memory_space<vmem>> -> memref<128x64xf32, #tpu.memory_space<vmem>>
      %dma_start3A_1561 = arith.constant 0 : i32
      %dma_start3A_1562 = tpu.memref_slice %arg6[%add3A_1554, %dma_start3A_1561] : memref<32x128xi32, #tpu.memory_space<vmem>> -> memref<1x128xi32, #tpu.memory_space<vmem>>
      %dma_start3A_1563 = tpu.memref_squeeze %dma_start3A_1562 : memref<1x128xi32, #tpu.memory_space<vmem>> -> memref<128xi32, #tpu.memory_space<vmem>>
      %dma_start3A_1564 = arith.constant 0 : i32
      %dma_start3A_1565 = arith.constant 0 : i32
      %dma_start3A_1566 = tpu.memref_slice %arg3[%dma_start3A_1564, %dma_start3A_1565] : memref<1000000x64xf32, #tpu.memory_space<hbm>> -> memref<1000000x64xf32, #tpu.memory_space<hbm>>
      %dma_start3A_1567 = tpu.memref_slice %arg5[%dma_start3A_1556] : memref<8x!tpu.dma_semaphore, #tpu.memory_space<semaphore_mem>> -> memref<1x!tpu.dma_semaphore, #tpu.memory_space<semaphore_mem>>
      %dma_start3A_1568 = tpu.memref_squeeze %dma_start3A_1567 : memref<1x!tpu.dma_semaphore, #tpu.memory_space<semaphore_mem>> -> memref<!tpu.dma_semaphore, #tpu.memory_space<semaphore_mem>>
      tpu.enqueue_indirect_dma source(%dma_start3A_1566 : memref<1000000x64xf32, #tpu.memory_space<hbm>>) target(%dma_start3A_1560 : memref<128x64xf32, #tpu.memory_space<vmem>>) offsets(%dma_start3A_1563 : memref<128xi32, #tpu.memory_space<vmem>>) semaphore(%dma_start3A_1568 : memref<!tpu.dma_semaphore, #tpu.memory_space<semaphore_mem>>)
      %add3A_1569 = arith.constant 7 : i32
      %add3A_1570 = arith.addi %add3A_1065, %add3A_1569 : i32
      %dma_wait3A_1571 = arith.constant 7 : i32
      %dma_wait3A_1572 = arith.constant 7 : i32
      %dma_wait3A_1573 = arith.constant 0 : i32
      %dma_wait3A_1574 = arith.constant 0 : i32
      %dma_wait3A_1575 = tpu.memref_slice %arg7[%dma_wait3A_1571, %dma_wait3A_1573, %dma_wait3A_1574] : memref<8x128x64xf32, #tpu.memory_space<vmem>> -> memref<1x128x64xf32, #tpu.memory_space<vmem>>
      %dma_wait3A_1576 = tpu.memref_squeeze %dma_wait3A_1575 : memref<1x128x64xf32, #tpu.memory_space<vmem>> -> memref<128x64xf32, #tpu.memory_space<vmem>>
      %dma_wait3A_1577 = arith.constant 0 : i32
      %dma_wait3A_1578 = tpu.memref_slice %arg6[%add3A_1570, %dma_wait3A_1577] : memref<32x128xi32, #tpu.memory_space<vmem>> -> memref<1x128xi32, #tpu.memory_space<vmem>>
      %dma_wait3A_1579 = tpu.memref_squeeze %dma_wait3A_1578 : memref<1x128xi32, #tpu.memory_space<vmem>> -> memref<128xi32, #tpu.memory_space<vmem>>
      %dma_wait3A_1580 = arith.constant 0 : i32
      %dma_wait3A_1581 = arith.constant 0 : i32
      %dma_wait3A_1582 = tpu.memref_slice %arg3[%dma_wait3A_1580, %dma_wait3A_1581] : memref<1000000x64xf32, #tpu.memory_space<hbm>> -> memref<1000000x64xf32, #tpu.memory_space<hbm>>
      %dma_wait3A_1583 = tpu.memref_slice %arg5[%dma_wait3A_1572] : memref<8x!tpu.dma_semaphore, #tpu.memory_space<semaphore_mem>> -> memref<1x!tpu.dma_semaphore, #tpu.memory_space<semaphore_mem>>
      %dma_wait3A_1584 = tpu.memref_squeeze %dma_wait3A_1583 : memref<1x!tpu.dma_semaphore, #tpu.memory_space<semaphore_mem>> -> memref<!tpu.dma_semaphore, #tpu.memory_space<semaphore_mem>>
      tpu.wait_indirect_dma semaphore(%dma_wait3A_1584 : memref<!tpu.dma_semaphore, #tpu.memory_space<semaphore_mem>>) src(%dma_wait3A_1582 : memref<1000000x64xf32, #tpu.memory_space<hbm>>) dst(%dma_wait3A_1576 : memref<128x64xf32, #tpu.memory_space<vmem>>)
      %mul3A_1585 = arith.constant 128 : i32
      %mul3A_1586 = arith.muli %add3A_1570, %mul3A_1585 : i32
      %add3A_1587 = arith.addi %mul3A_2, %mul3A_1586 : i32
      %dma_start3A_1588 = arith.constant 7 : i32
      %dma_start3A_1589 = arith.constant 7 : i32
      %dma_start3A_1590 = arith.constant 0 : i32
      %dma_start3A_1591 = arith.constant 0 : i32
      %dma_start3A_1592 = tpu.memref_slice %arg7[%dma_start3A_1588, %dma_start3A_1590, %dma_start3A_1591] : memref<8x128x64xf32, #tpu.memory_space<vmem>> -> memref<1x128x64xf32, #tpu.memory_space<vmem>>
      %dma_start3A_1593 = tpu.memref_squeeze %dma_start3A_1592 : memref<1x128x64xf32, #tpu.memory_space<vmem>> -> memref<128x64xf32, #tpu.memory_space<vmem>>
      %dma_start3A_1594 = arith.constant 0 : i32
      %dma_start3A_1595 = tpu.memref_slice %arg4[%add3A_1587, %dma_start3A_1594] : memref<131072x64xf32, #tpu.memory_space<hbm>> -> memref<128x64xf32, #tpu.memory_space<hbm>>
      %dma_start3A_1596 = tpu.memref_slice %arg8[%dma_start3A_1589] : memref<8x!tpu.dma_semaphore, #tpu.memory_space<semaphore_mem>> -> memref<1x!tpu.dma_semaphore, #tpu.memory_space<semaphore_mem>>
      %dma_start3A_1597 = tpu.memref_squeeze %dma_start3A_1596 : memref<1x!tpu.dma_semaphore, #tpu.memory_space<semaphore_mem>> -> memref<!tpu.dma_semaphore, #tpu.memory_space<semaphore_mem>>
      %dma_start3A_1598 = arith.constant 0 : i32
      %dma_start3A_1599 = tpu.memref_slice %arg4[%add3A_1587, %dma_start3A_1598] : memref<131072x64xf32, #tpu.memory_space<hbm>> -> memref<128x64xf32, #tpu.memory_space<hbm>>
      %dma_start3A_1600 = arith.constant 0 : i32
      %dma_start3A_1601 = arith.constant 0 : i32
      %dma_start3A_1602 = tpu.memref_slice %arg7[%dma_start3A_1588, %dma_start3A_1600, %dma_start3A_1601] : memref<8x128x64xf32, #tpu.memory_space<vmem>> -> memref<1x128x64xf32, #tpu.memory_space<vmem>>
      %dma_start3A_1603 = tpu.memref_squeeze %dma_start3A_1602 : memref<1x128x64xf32, #tpu.memory_space<vmem>> -> memref<128x64xf32, #tpu.memory_space<vmem>>
      tpu.enqueue_dma source(%dma_start3A_1603 : memref<128x64xf32, #tpu.memory_space<vmem>>) target(%dma_start3A_1599 : memref<128x64xf32, #tpu.memory_space<hbm>>) target_semaphore(%dma_start3A_1597 : memref<!tpu.dma_semaphore, #tpu.memory_space<semaphore_mem>>)
      %sub3A_1604 = arith.constant 4 : i32
      %sub3A_1605 = arith.subi %add3A_1570, %sub3A_1604 : i32
      %mul3A_1606 = arith.constant 128 : i32
      %mul3A_1607 = arith.muli %sub3A_1605, %mul3A_1606 : i32
      %add3A_1608 = arith.addi %mul3A_2, %mul3A_1607 : i32
      %dma_wait3A_1609 = arith.constant 3 : i32
      %dma_wait3A_1610 = arith.constant 3 : i32
      %dma_wait3A_1611 = arith.constant 0 : i32
      %dma_wait3A_1612 = arith.constant 0 : i32
      %dma_wait3A_1613 = tpu.memref_slice %arg7[%dma_wait3A_1609, %dma_wait3A_1611, %dma_wait3A_1612] : memref<8x128x64xf32, #tpu.memory_space<vmem>> -> memref<1x128x64xf32, #tpu.memory_space<vmem>>
      %dma_wait3A_1614 = tpu.memref_squeeze %dma_wait3A_1613 : memref<1x128x64xf32, #tpu.memory_space<vmem>> -> memref<128x64xf32, #tpu.memory_space<vmem>>
      %dma_wait3A_1615 = arith.constant 0 : i32
      %dma_wait3A_1616 = tpu.memref_slice %arg4[%add3A_1608, %dma_wait3A_1615] : memref<131072x64xf32, #tpu.memory_space<hbm>> -> memref<128x64xf32, #tpu.memory_space<hbm>>
      %dma_wait3A_1617 = tpu.memref_slice %arg8[%dma_wait3A_1610] : memref<8x!tpu.dma_semaphore, #tpu.memory_space<semaphore_mem>> -> memref<1x!tpu.dma_semaphore, #tpu.memory_space<semaphore_mem>>
      %dma_wait3A_1618 = tpu.memref_squeeze %dma_wait3A_1617 : memref<1x!tpu.dma_semaphore, #tpu.memory_space<semaphore_mem>> -> memref<!tpu.dma_semaphore, #tpu.memory_space<semaphore_mem>>
      %dma_wait3A_1619 = arith.constant 0 : i32
      %dma_wait3A_1620 = tpu.memref_slice %arg4[%add3A_1608, %dma_wait3A_1619] : memref<131072x64xf32, #tpu.memory_space<hbm>> -> memref<128x64xf32, #tpu.memory_space<hbm>>
      %dma_wait3A_1621 = arith.constant 0 : i32
      %dma_wait3A_1622 = arith.constant 0 : i32
      %dma_wait3A_1623 = tpu.memref_slice %arg7[%dma_wait3A_1609, %dma_wait3A_1621, %dma_wait3A_1622] : memref<8x128x64xf32, #tpu.memory_space<vmem>> -> memref<1x128x64xf32, #tpu.memory_space<vmem>>
      %dma_wait3A_1624 = tpu.memref_squeeze %dma_wait3A_1623 : memref<1x128x64xf32, #tpu.memory_space<vmem>> -> memref<128x64xf32, #tpu.memory_space<vmem>>
      tpu.wait_dma2 semaphore(%dma_wait3A_1618 : memref<!tpu.dma_semaphore, #tpu.memory_space<semaphore_mem>>) src(%dma_wait3A_1624 : memref<128x64xf32, #tpu.memory_space<vmem>>) dst(%dma_wait3A_1620 : memref<128x64xf32, #tpu.memory_space<hbm>>)
      %add3A_1625 = arith.constant 4 : i32
      %add3A_1626 = arith.addi %add3A_1570, %add3A_1625 : i32
      %dma_start3A_1627 = arith.constant 3 : i32
      %dma_start3A_1628 = arith.constant 3 : i32
      %dma_start3A_1629 = arith.constant 0 : i32
      %dma_start3A_1630 = arith.constant 0 : i32
      %dma_start3A_1631 = tpu.memref_slice %arg7[%dma_start3A_1627, %dma_start3A_1629, %dma_start3A_1630] : memref<8x128x64xf32, #tpu.memory_space<vmem>> -> memref<1x128x64xf32, #tpu.memory_space<vmem>>
      %dma_start3A_1632 = tpu.memref_squeeze %dma_start3A_1631 : memref<1x128x64xf32, #tpu.memory_space<vmem>> -> memref<128x64xf32, #tpu.memory_space<vmem>>
      %dma_start3A_1633 = arith.constant 0 : i32
      %dma_start3A_1634 = tpu.memref_slice %arg6[%add3A_1626, %dma_start3A_1633] : memref<32x128xi32, #tpu.memory_space<vmem>> -> memref<1x128xi32, #tpu.memory_space<vmem>>
      %dma_start3A_1635 = tpu.memref_squeeze %dma_start3A_1634 : memref<1x128xi32, #tpu.memory_space<vmem>> -> memref<128xi32, #tpu.memory_space<vmem>>
      %dma_start3A_1636 = arith.constant 0 : i32
      %dma_start3A_1637 = arith.constant 0 : i32
      %dma_start3A_1638 = tpu.memref_slice %arg3[%dma_start3A_1636, %dma_start3A_1637] : memref<1000000x64xf32, #tpu.memory_space<hbm>> -> memref<1000000x64xf32, #tpu.memory_space<hbm>>
      %dma_start3A_1639 = tpu.memref_slice %arg5[%dma_start3A_1628] : memref<8x!tpu.dma_semaphore, #tpu.memory_space<semaphore_mem>> -> memref<1x!tpu.dma_semaphore, #tpu.memory_space<semaphore_mem>>
      %dma_start3A_1640 = tpu.memref_squeeze %dma_start3A_1639 : memref<1x!tpu.dma_semaphore, #tpu.memory_space<semaphore_mem>> -> memref<!tpu.dma_semaphore, #tpu.memory_space<semaphore_mem>>
      tpu.enqueue_indirect_dma source(%dma_start3A_1638 : memref<1000000x64xf32, #tpu.memory_space<hbm>>) target(%dma_start3A_1632 : memref<128x64xf32, #tpu.memory_space<vmem>>) offsets(%dma_start3A_1635 : memref<128xi32, #tpu.memory_space<vmem>>) semaphore(%dma_start3A_1640 : memref<!tpu.dma_semaphore, #tpu.memory_space<semaphore_mem>>)
    }
    %scan3A_520 = arith.constant 2 : i32
    %dma_wait3A_521 = arith.constant 24 : i32
    %dma_wait3A_522 = arith.constant 0 : i32
    %dma_wait3A_523 = arith.constant 0 : i32
    %dma_wait3A_524 = arith.constant 0 : i32
    %dma_wait3A_525 = arith.constant 0 : i32
    %dma_wait3A_526 = tpu.memref_slice %arg7[%dma_wait3A_522, %dma_wait3A_524, %dma_wait3A_525] : memref<8x128x64xf32, #tpu.memory_space<vmem>> -> memref<1x128x64xf32, #tpu.memory_space<vmem>>
    %dma_wait3A_527 = tpu.memref_squeeze %dma_wait3A_526 : memref<1x128x64xf32, #tpu.memory_space<vmem>> -> memref<128x64xf32, #tpu.memory_space<vmem>>
    %dma_wait3A_528 = arith.constant 0 : i32
    %dma_wait3A_529 = tpu.memref_slice %arg6[%dma_wait3A_521, %dma_wait3A_528] : memref<32x128xi32, #tpu.memory_space<vmem>> -> memref<1x128xi32, #tpu.memory_space<vmem>>
    %dma_wait3A_530 = tpu.memref_squeeze %dma_wait3A_529 : memref<1x128xi32, #tpu.memory_space<vmem>> -> memref<128xi32, #tpu.memory_space<vmem>>
    %dma_wait3A_531 = arith.constant 0 : i32
    %dma_wait3A_532 = arith.constant 0 : i32
    %dma_wait3A_533 = tpu.memref_slice %arg3[%dma_wait3A_531, %dma_wait3A_532] : memref<1000000x64xf32, #tpu.memory_space<hbm>> -> memref<1000000x64xf32, #tpu.memory_space<hbm>>
    %dma_wait3A_534 = tpu.memref_slice %arg5[%dma_wait3A_523] : memref<8x!tpu.dma_semaphore, #tpu.memory_space<semaphore_mem>> -> memref<1x!tpu.dma_semaphore, #tpu.memory_space<semaphore_mem>>
    %dma_wait3A_535 = tpu.memref_squeeze %dma_wait3A_534 : memref<1x!tpu.dma_semaphore, #tpu.memory_space<semaphore_mem>> -> memref<!tpu.dma_semaphore, #tpu.memory_space<semaphore_mem>>
    tpu.wait_indirect_dma semaphore(%dma_wait3A_535 : memref<!tpu.dma_semaphore, #tpu.memory_space<semaphore_mem>>) src(%dma_wait3A_533 : memref<1000000x64xf32, #tpu.memory_space<hbm>>) dst(%dma_wait3A_527 : memref<128x64xf32, #tpu.memory_space<vmem>>)
    %add3A_536 = arith.constant 3072 : i32
    %add3A_537 = arith.addi %mul3A_2, %add3A_536 : i32
    %dma_start3A_538 = arith.constant 0 : i32
    %dma_start3A_539 = arith.constant 0 : i32
    %dma_start3A_540 = arith.constant 0 : i32
    %dma_start3A_541 = arith.constant 0 : i32
    %dma_start3A_542 = tpu.memref_slice %arg7[%dma_start3A_538, %dma_start3A_540, %dma_start3A_541] : memref<8x128x64xf32, #tpu.memory_space<vmem>> -> memref<1x128x64xf32, #tpu.memory_space<vmem>>
    %dma_start3A_543 = tpu.memref_squeeze %dma_start3A_542 : memref<1x128x64xf32, #tpu.memory_space<vmem>> -> memref<128x64xf32, #tpu.memory_space<vmem>>
    %dma_start3A_544 = arith.constant 0 : i32
    %dma_start3A_545 = tpu.memref_slice %arg4[%add3A_537, %dma_start3A_544] : memref<131072x64xf32, #tpu.memory_space<hbm>> -> memref<128x64xf32, #tpu.memory_space<hbm>>
    %dma_start3A_546 = tpu.memref_slice %arg8[%dma_start3A_539] : memref<8x!tpu.dma_semaphore, #tpu.memory_space<semaphore_mem>> -> memref<1x!tpu.dma_semaphore, #tpu.memory_space<semaphore_mem>>
    %dma_start3A_547 = tpu.memref_squeeze %dma_start3A_546 : memref<1x!tpu.dma_semaphore, #tpu.memory_space<semaphore_mem>> -> memref<!tpu.dma_semaphore, #tpu.memory_space<semaphore_mem>>
    %dma_start3A_548 = arith.constant 0 : i32
    %dma_start3A_549 = tpu.memref_slice %arg4[%add3A_537, %dma_start3A_548] : memref<131072x64xf32, #tpu.memory_space<hbm>> -> memref<128x64xf32, #tpu.memory_space<hbm>>
    %dma_start3A_550 = arith.constant 0 : i32
    %dma_start3A_551 = arith.constant 0 : i32
    %dma_start3A_552 = tpu.memref_slice %arg7[%dma_start3A_538, %dma_start3A_550, %dma_start3A_551] : memref<8x128x64xf32, #tpu.memory_space<vmem>> -> memref<1x128x64xf32, #tpu.memory_space<vmem>>
    %dma_start3A_553 = tpu.memref_squeeze %dma_start3A_552 : memref<1x128x64xf32, #tpu.memory_space<vmem>> -> memref<128x64xf32, #tpu.memory_space<vmem>>
    tpu.enqueue_dma source(%dma_start3A_553 : memref<128x64xf32, #tpu.memory_space<vmem>>) target(%dma_start3A_549 : memref<128x64xf32, #tpu.memory_space<hbm>>) target_semaphore(%dma_start3A_547 : memref<!tpu.dma_semaphore, #tpu.memory_space<semaphore_mem>>)
    %add3A_554 = arith.constant 2560 : i32
    %add3A_555 = arith.addi %mul3A_2, %add3A_554 : i32
    %dma_wait3A_556 = arith.constant 4 : i32
    %dma_wait3A_557 = arith.constant 4 : i32
    %dma_wait3A_558 = arith.constant 0 : i32
    %dma_wait3A_559 = arith.constant 0 : i32
    %dma_wait3A_560 = tpu.memref_slice %arg7[%dma_wait3A_556, %dma_wait3A_558, %dma_wait3A_559] : memref<8x128x64xf32, #tpu.memory_space<vmem>> -> memref<1x128x64xf32, #tpu.memory_space<vmem>>
    %dma_wait3A_561 = tpu.memref_squeeze %dma_wait3A_560 : memref<1x128x64xf32, #tpu.memory_space<vmem>> -> memref<128x64xf32, #tpu.memory_space<vmem>>
    %dma_wait3A_562 = arith.constant 0 : i32
    %dma_wait3A_563 = tpu.memref_slice %arg4[%add3A_555, %dma_wait3A_562] : memref<131072x64xf32, #tpu.memory_space<hbm>> -> memref<128x64xf32, #tpu.memory_space<hbm>>
    %dma_wait3A_564 = tpu.memref_slice %arg8[%dma_wait3A_557] : memref<8x!tpu.dma_semaphore, #tpu.memory_space<semaphore_mem>> -> memref<1x!tpu.dma_semaphore, #tpu.memory_space<semaphore_mem>>
    %dma_wait3A_565 = tpu.memref_squeeze %dma_wait3A_564 : memref<1x!tpu.dma_semaphore, #tpu.memory_space<semaphore_mem>> -> memref<!tpu.dma_semaphore, #tpu.memory_space<semaphore_mem>>
    %dma_wait3A_566 = arith.constant 0 : i32
    %dma_wait3A_567 = tpu.memref_slice %arg4[%add3A_555, %dma_wait3A_566] : memref<131072x64xf32, #tpu.memory_space<hbm>> -> memref<128x64xf32, #tpu.memory_space<hbm>>
    %dma_wait3A_568 = arith.constant 0 : i32
    %dma_wait3A_569 = arith.constant 0 : i32
    %dma_wait3A_570 = tpu.memref_slice %arg7[%dma_wait3A_556, %dma_wait3A_568, %dma_wait3A_569] : memref<8x128x64xf32, #tpu.memory_space<vmem>> -> memref<1x128x64xf32, #tpu.memory_space<vmem>>
    %dma_wait3A_571 = tpu.memref_squeeze %dma_wait3A_570 : memref<1x128x64xf32, #tpu.memory_space<vmem>> -> memref<128x64xf32, #tpu.memory_space<vmem>>
    tpu.wait_dma2 semaphore(%dma_wait3A_565 : memref<!tpu.dma_semaphore, #tpu.memory_space<semaphore_mem>>) src(%dma_wait3A_571 : memref<128x64xf32, #tpu.memory_space<vmem>>) dst(%dma_wait3A_567 : memref<128x64xf32, #tpu.memory_space<hbm>>)
    %dma_start3A_572 = arith.constant 28 : i32
    %dma_start3A_573 = arith.constant 4 : i32
    %dma_start3A_574 = arith.constant 4 : i32
    %dma_start3A_575 = arith.constant 0 : i32
    %dma_start3A_576 = arith.constant 0 : i32
    %dma_start3A_577 = tpu.memref_slice %arg7[%dma_start3A_573, %dma_start3A_575, %dma_start3A_576] : memref<8x128x64xf32, #tpu.memory_space<vmem>> -> memref<1x128x64xf32, #tpu.memory_space<vmem>>
    %dma_start3A_578 = tpu.memref_squeeze %dma_start3A_577 : memref<1x128x64xf32, #tpu.memory_space<vmem>> -> memref<128x64xf32, #tpu.memory_space<vmem>>
    %dma_start3A_579 = arith.constant 0 : i32
    %dma_start3A_580 = tpu.memref_slice %arg6[%dma_start3A_572, %dma_start3A_579] : memref<32x128xi32, #tpu.memory_space<vmem>> -> memref<1x128xi32, #tpu.memory_space<vmem>>
    %dma_start3A_581 = tpu.memref_squeeze %dma_start3A_580 : memref<1x128xi32, #tpu.memory_space<vmem>> -> memref<128xi32, #tpu.memory_space<vmem>>
    %dma_start3A_582 = arith.constant 0 : i32
    %dma_start3A_583 = arith.constant 0 : i32
    %dma_start3A_584 = tpu.memref_slice %arg3[%dma_start3A_582, %dma_start3A_583] : memref<1000000x64xf32, #tpu.memory_space<hbm>> -> memref<1000000x64xf32, #tpu.memory_space<hbm>>
    %dma_start3A_585 = tpu.memref_slice %arg5[%dma_start3A_574] : memref<8x!tpu.dma_semaphore, #tpu.memory_space<semaphore_mem>> -> memref<1x!tpu.dma_semaphore, #tpu.memory_space<semaphore_mem>>
    %dma_start3A_586 = tpu.memref_squeeze %dma_start3A_585 : memref<1x!tpu.dma_semaphore, #tpu.memory_space<semaphore_mem>> -> memref<!tpu.dma_semaphore, #tpu.memory_space<semaphore_mem>>
    tpu.enqueue_indirect_dma source(%dma_start3A_584 : memref<1000000x64xf32, #tpu.memory_space<hbm>>) target(%dma_start3A_578 : memref<128x64xf32, #tpu.memory_space<vmem>>) offsets(%dma_start3A_581 : memref<128xi32, #tpu.memory_space<vmem>>) semaphore(%dma_start3A_586 : memref<!tpu.dma_semaphore, #tpu.memory_space<semaphore_mem>>)
    %dma_wait3A_587 = arith.constant 25 : i32
    %dma_wait3A_588 = arith.constant 1 : i32
    %dma_wait3A_589 = arith.constant 1 : i32
    %dma_wait3A_590 = arith.constant 0 : i32
    %dma_wait3A_591 = arith.constant 0 : i32
    %dma_wait3A_592 = tpu.memref_slice %arg7[%dma_wait3A_588, %dma_wait3A_590, %dma_wait3A_591] : memref<8x128x64xf32, #tpu.memory_space<vmem>> -> memref<1x128x64xf32, #tpu.memory_space<vmem>>
    %dma_wait3A_593 = tpu.memref_squeeze %dma_wait3A_592 : memref<1x128x64xf32, #tpu.memory_space<vmem>> -> memref<128x64xf32, #tpu.memory_space<vmem>>
    %dma_wait3A_594 = arith.constant 0 : i32
    %dma_wait3A_595 = tpu.memref_slice %arg6[%dma_wait3A_587, %dma_wait3A_594] : memref<32x128xi32, #tpu.memory_space<vmem>> -> memref<1x128xi32, #tpu.memory_space<vmem>>
    %dma_wait3A_596 = tpu.memref_squeeze %dma_wait3A_595 : memref<1x128xi32, #tpu.memory_space<vmem>> -> memref<128xi32, #tpu.memory_space<vmem>>
    %dma_wait3A_597 = arith.constant 0 : i32
    %dma_wait3A_598 = arith.constant 0 : i32
    %dma_wait3A_599 = tpu.memref_slice %arg3[%dma_wait3A_597, %dma_wait3A_598] : memref<1000000x64xf32, #tpu.memory_space<hbm>> -> memref<1000000x64xf32, #tpu.memory_space<hbm>>
    %dma_wait3A_600 = tpu.memref_slice %arg5[%dma_wait3A_589] : memref<8x!tpu.dma_semaphore, #tpu.memory_space<semaphore_mem>> -> memref<1x!tpu.dma_semaphore, #tpu.memory_space<semaphore_mem>>
    %dma_wait3A_601 = tpu.memref_squeeze %dma_wait3A_600 : memref<1x!tpu.dma_semaphore, #tpu.memory_space<semaphore_mem>> -> memref<!tpu.dma_semaphore, #tpu.memory_space<semaphore_mem>>
    tpu.wait_indirect_dma semaphore(%dma_wait3A_601 : memref<!tpu.dma_semaphore, #tpu.memory_space<semaphore_mem>>) src(%dma_wait3A_599 : memref<1000000x64xf32, #tpu.memory_space<hbm>>) dst(%dma_wait3A_593 : memref<128x64xf32, #tpu.memory_space<vmem>>)
    %add3A_602 = arith.constant 3200 : i32
    %add3A_603 = arith.addi %mul3A_2, %add3A_602 : i32
    %dma_start3A_604 = arith.constant 1 : i32
    %dma_start3A_605 = arith.constant 1 : i32
    %dma_start3A_606 = arith.constant 0 : i32
    %dma_start3A_607 = arith.constant 0 : i32
    %dma_start3A_608 = tpu.memref_slice %arg7[%dma_start3A_604, %dma_start3A_606, %dma_start3A_607] : memref<8x128x64xf32, #tpu.memory_space<vmem>> -> memref<1x128x64xf32, #tpu.memory_space<vmem>>
    %dma_start3A_609 = tpu.memref_squeeze %dma_start3A_608 : memref<1x128x64xf32, #tpu.memory_space<vmem>> -> memref<128x64xf32, #tpu.memory_space<vmem>>
    %dma_start3A_610 = arith.constant 0 : i32
    %dma_start3A_611 = tpu.memref_slice %arg4[%add3A_603, %dma_start3A_610] : memref<131072x64xf32, #tpu.memory_space<hbm>> -> memref<128x64xf32, #tpu.memory_space<hbm>>
    %dma_start3A_612 = tpu.memref_slice %arg8[%dma_start3A_605] : memref<8x!tpu.dma_semaphore, #tpu.memory_space<semaphore_mem>> -> memref<1x!tpu.dma_semaphore, #tpu.memory_space<semaphore_mem>>
    %dma_start3A_613 = tpu.memref_squeeze %dma_start3A_612 : memref<1x!tpu.dma_semaphore, #tpu.memory_space<semaphore_mem>> -> memref<!tpu.dma_semaphore, #tpu.memory_space<semaphore_mem>>
    %dma_start3A_614 = arith.constant 0 : i32
    %dma_start3A_615 = tpu.memref_slice %arg4[%add3A_603, %dma_start3A_614] : memref<131072x64xf32, #tpu.memory_space<hbm>> -> memref<128x64xf32, #tpu.memory_space<hbm>>
    %dma_start3A_616 = arith.constant 0 : i32
    %dma_start3A_617 = arith.constant 0 : i32
    %dma_start3A_618 = tpu.memref_slice %arg7[%dma_start3A_604, %dma_start3A_616, %dma_start3A_617] : memref<8x128x64xf32, #tpu.memory_space<vmem>> -> memref<1x128x64xf32, #tpu.memory_space<vmem>>
    %dma_start3A_619 = tpu.memref_squeeze %dma_start3A_618 : memref<1x128x64xf32, #tpu.memory_space<vmem>> -> memref<128x64xf32, #tpu.memory_space<vmem>>
    tpu.enqueue_dma source(%dma_start3A_619 : memref<128x64xf32, #tpu.memory_space<vmem>>) target(%dma_start3A_615 : memref<128x64xf32, #tpu.memory_space<hbm>>) target_semaphore(%dma_start3A_613 : memref<!tpu.dma_semaphore, #tpu.memory_space<semaphore_mem>>)
    %add3A_620 = arith.constant 2688 : i32
    %add3A_621 = arith.addi %mul3A_2, %add3A_620 : i32
    %dma_wait3A_622 = arith.constant 5 : i32
    %dma_wait3A_623 = arith.constant 5 : i32
    %dma_wait3A_624 = arith.constant 0 : i32
    %dma_wait3A_625 = arith.constant 0 : i32
    %dma_wait3A_626 = tpu.memref_slice %arg7[%dma_wait3A_622, %dma_wait3A_624, %dma_wait3A_625] : memref<8x128x64xf32, #tpu.memory_space<vmem>> -> memref<1x128x64xf32, #tpu.memory_space<vmem>>
    %dma_wait3A_627 = tpu.memref_squeeze %dma_wait3A_626 : memref<1x128x64xf32, #tpu.memory_space<vmem>> -> memref<128x64xf32, #tpu.memory_space<vmem>>
    %dma_wait3A_628 = arith.constant 0 : i32
    %dma_wait3A_629 = tpu.memref_slice %arg4[%add3A_621, %dma_wait3A_628] : memref<131072x64xf32, #tpu.memory_space<hbm>> -> memref<128x64xf32, #tpu.memory_space<hbm>>
    %dma_wait3A_630 = tpu.memref_slice %arg8[%dma_wait3A_623] : memref<8x!tpu.dma_semaphore, #tpu.memory_space<semaphore_mem>> -> memref<1x!tpu.dma_semaphore, #tpu.memory_space<semaphore_mem>>
    %dma_wait3A_631 = tpu.memref_squeeze %dma_wait3A_630 : memref<1x!tpu.dma_semaphore, #tpu.memory_space<semaphore_mem>> -> memref<!tpu.dma_semaphore, #tpu.memory_space<semaphore_mem>>
    %dma_wait3A_632 = arith.constant 0 : i32
    %dma_wait3A_633 = tpu.memref_slice %arg4[%add3A_621, %dma_wait3A_632] : memref<131072x64xf32, #tpu.memory_space<hbm>> -> memref<128x64xf32, #tpu.memory_space<hbm>>
    %dma_wait3A_634 = arith.constant 0 : i32
    %dma_wait3A_635 = arith.constant 0 : i32
    %dma_wait3A_636 = tpu.memref_slice %arg7[%dma_wait3A_622, %dma_wait3A_634, %dma_wait3A_635] : memref<8x128x64xf32, #tpu.memory_space<vmem>> -> memref<1x128x64xf32, #tpu.memory_space<vmem>>
    %dma_wait3A_637 = tpu.memref_squeeze %dma_wait3A_636 : memref<1x128x64xf32, #tpu.memory_space<vmem>> -> memref<128x64xf32, #tpu.memory_space<vmem>>
    tpu.wait_dma2 semaphore(%dma_wait3A_631 : memref<!tpu.dma_semaphore, #tpu.memory_space<semaphore_mem>>) src(%dma_wait3A_637 : memref<128x64xf32, #tpu.memory_space<vmem>>) dst(%dma_wait3A_633 : memref<128x64xf32, #tpu.memory_space<hbm>>)
    %dma_start3A_638 = arith.constant 29 : i32
    %dma_start3A_639 = arith.constant 5 : i32
    %dma_start3A_640 = arith.constant 5 : i32
    %dma_start3A_641 = arith.constant 0 : i32
    %dma_start3A_642 = arith.constant 0 : i32
    %dma_start3A_643 = tpu.memref_slice %arg7[%dma_start3A_639, %dma_start3A_641, %dma_start3A_642] : memref<8x128x64xf32, #tpu.memory_space<vmem>> -> memref<1x128x64xf32, #tpu.memory_space<vmem>>
    %dma_start3A_644 = tpu.memref_squeeze %dma_start3A_643 : memref<1x128x64xf32, #tpu.memory_space<vmem>> -> memref<128x64xf32, #tpu.memory_space<vmem>>
    %dma_start3A_645 = arith.constant 0 : i32
    %dma_start3A_646 = tpu.memref_slice %arg6[%dma_start3A_638, %dma_start3A_645] : memref<32x128xi32, #tpu.memory_space<vmem>> -> memref<1x128xi32, #tpu.memory_space<vmem>>
    %dma_start3A_647 = tpu.memref_squeeze %dma_start3A_646 : memref<1x128xi32, #tpu.memory_space<vmem>> -> memref<128xi32, #tpu.memory_space<vmem>>
    %dma_start3A_648 = arith.constant 0 : i32
    %dma_start3A_649 = arith.constant 0 : i32
    %dma_start3A_650 = tpu.memref_slice %arg3[%dma_start3A_648, %dma_start3A_649] : memref<1000000x64xf32, #tpu.memory_space<hbm>> -> memref<1000000x64xf32, #tpu.memory_space<hbm>>
    %dma_start3A_651 = tpu.memref_slice %arg5[%dma_start3A_640] : memref<8x!tpu.dma_semaphore, #tpu.memory_space<semaphore_mem>> -> memref<1x!tpu.dma_semaphore, #tpu.memory_space<semaphore_mem>>
    %dma_start3A_652 = tpu.memref_squeeze %dma_start3A_651 : memref<1x!tpu.dma_semaphore, #tpu.memory_space<semaphore_mem>> -> memref<!tpu.dma_semaphore, #tpu.memory_space<semaphore_mem>>
    tpu.enqueue_indirect_dma source(%dma_start3A_650 : memref<1000000x64xf32, #tpu.memory_space<hbm>>) target(%dma_start3A_644 : memref<128x64xf32, #tpu.memory_space<vmem>>) offsets(%dma_start3A_647 : memref<128xi32, #tpu.memory_space<vmem>>) semaphore(%dma_start3A_652 : memref<!tpu.dma_semaphore, #tpu.memory_space<semaphore_mem>>)
    %dma_wait3A_653 = arith.constant 26 : i32
    %dma_wait3A_654 = arith.constant 2 : i32
    %dma_wait3A_655 = arith.constant 2 : i32
    %dma_wait3A_656 = arith.constant 0 : i32
    %dma_wait3A_657 = arith.constant 0 : i32
    %dma_wait3A_658 = tpu.memref_slice %arg7[%dma_wait3A_654, %dma_wait3A_656, %dma_wait3A_657] : memref<8x128x64xf32, #tpu.memory_space<vmem>> -> memref<1x128x64xf32, #tpu.memory_space<vmem>>
    %dma_wait3A_659 = tpu.memref_squeeze %dma_wait3A_658 : memref<1x128x64xf32, #tpu.memory_space<vmem>> -> memref<128x64xf32, #tpu.memory_space<vmem>>
    %dma_wait3A_660 = arith.constant 0 : i32
    %dma_wait3A_661 = tpu.memref_slice %arg6[%dma_wait3A_653, %dma_wait3A_660] : memref<32x128xi32, #tpu.memory_space<vmem>> -> memref<1x128xi32, #tpu.memory_space<vmem>>
    %dma_wait3A_662 = tpu.memref_squeeze %dma_wait3A_661 : memref<1x128xi32, #tpu.memory_space<vmem>> -> memref<128xi32, #tpu.memory_space<vmem>>
    %dma_wait3A_663 = arith.constant 0 : i32
    %dma_wait3A_664 = arith.constant 0 : i32
    %dma_wait3A_665 = tpu.memref_slice %arg3[%dma_wait3A_663, %dma_wait3A_664] : memref<1000000x64xf32, #tpu.memory_space<hbm>> -> memref<1000000x64xf32, #tpu.memory_space<hbm>>
    %dma_wait3A_666 = tpu.memref_slice %arg5[%dma_wait3A_655] : memref<8x!tpu.dma_semaphore, #tpu.memory_space<semaphore_mem>> -> memref<1x!tpu.dma_semaphore, #tpu.memory_space<semaphore_mem>>
    %dma_wait3A_667 = tpu.memref_squeeze %dma_wait3A_666 : memref<1x!tpu.dma_semaphore, #tpu.memory_space<semaphore_mem>> -> memref<!tpu.dma_semaphore, #tpu.memory_space<semaphore_mem>>
    tpu.wait_indirect_dma semaphore(%dma_wait3A_667 : memref<!tpu.dma_semaphore, #tpu.memory_space<semaphore_mem>>) src(%dma_wait3A_665 : memref<1000000x64xf32, #tpu.memory_space<hbm>>) dst(%dma_wait3A_659 : memref<128x64xf32, #tpu.memory_space<vmem>>)
    %add3A_668 = arith.constant 3328 : i32
    %add3A_669 = arith.addi %mul3A_2, %add3A_668 : i32
    %dma_start3A_670 = arith.constant 2 : i32
    %dma_start3A_671 = arith.constant 2 : i32
    %dma_start3A_672 = arith.constant 0 : i32
    %dma_start3A_673 = arith.constant 0 : i32
    %dma_start3A_674 = tpu.memref_slice %arg7[%dma_start3A_670, %dma_start3A_672, %dma_start3A_673] : memref<8x128x64xf32, #tpu.memory_space<vmem>> -> memref<1x128x64xf32, #tpu.memory_space<vmem>>
    %dma_start3A_675 = tpu.memref_squeeze %dma_start3A_674 : memref<1x128x64xf32, #tpu.memory_space<vmem>> -> memref<128x64xf32, #tpu.memory_space<vmem>>
    %dma_start3A_676 = arith.constant 0 : i32
    %dma_start3A_677 = tpu.memref_slice %arg4[%add3A_669, %dma_start3A_676] : memref<131072x64xf32, #tpu.memory_space<hbm>> -> memref<128x64xf32, #tpu.memory_space<hbm>>
    %dma_start3A_678 = tpu.memref_slice %arg8[%dma_start3A_671] : memref<8x!tpu.dma_semaphore, #tpu.memory_space<semaphore_mem>> -> memref<1x!tpu.dma_semaphore, #tpu.memory_space<semaphore_mem>>
    %dma_start3A_679 = tpu.memref_squeeze %dma_start3A_678 : memref<1x!tpu.dma_semaphore, #tpu.memory_space<semaphore_mem>> -> memref<!tpu.dma_semaphore, #tpu.memory_space<semaphore_mem>>
    %dma_start3A_680 = arith.constant 0 : i32
    %dma_start3A_681 = tpu.memref_slice %arg4[%add3A_669, %dma_start3A_680] : memref<131072x64xf32, #tpu.memory_space<hbm>> -> memref<128x64xf32, #tpu.memory_space<hbm>>
    %dma_start3A_682 = arith.constant 0 : i32
    %dma_start3A_683 = arith.constant 0 : i32
    %dma_start3A_684 = tpu.memref_slice %arg7[%dma_start3A_670, %dma_start3A_682, %dma_start3A_683] : memref<8x128x64xf32, #tpu.memory_space<vmem>> -> memref<1x128x64xf32, #tpu.memory_space<vmem>>
    %dma_start3A_685 = tpu.memref_squeeze %dma_start3A_684 : memref<1x128x64xf32, #tpu.memory_space<vmem>> -> memref<128x64xf32, #tpu.memory_space<vmem>>
    tpu.enqueue_dma source(%dma_start3A_685 : memref<128x64xf32, #tpu.memory_space<vmem>>) target(%dma_start3A_681 : memref<128x64xf32, #tpu.memory_space<hbm>>) target_semaphore(%dma_start3A_679 : memref<!tpu.dma_semaphore, #tpu.memory_space<semaphore_mem>>)
    %add3A_686 = arith.constant 2816 : i32
    %add3A_687 = arith.addi %mul3A_2, %add3A_686 : i32
    %dma_wait3A_688 = arith.constant 6 : i32
    %dma_wait3A_689 = arith.constant 6 : i32
    %dma_wait3A_690 = arith.constant 0 : i32
    %dma_wait3A_691 = arith.constant 0 : i32
    %dma_wait3A_692 = tpu.memref_slice %arg7[%dma_wait3A_688, %dma_wait3A_690, %dma_wait3A_691] : memref<8x128x64xf32, #tpu.memory_space<vmem>> -> memref<1x128x64xf32, #tpu.memory_space<vmem>>
    %dma_wait3A_693 = tpu.memref_squeeze %dma_wait3A_692 : memref<1x128x64xf32, #tpu.memory_space<vmem>> -> memref<128x64xf32, #tpu.memory_space<vmem>>
    %dma_wait3A_694 = arith.constant 0 : i32
    %dma_wait3A_695 = tpu.memref_slice %arg4[%add3A_687, %dma_wait3A_694] : memref<131072x64xf32, #tpu.memory_space<hbm>> -> memref<128x64xf32, #tpu.memory_space<hbm>>
    %dma_wait3A_696 = tpu.memref_slice %arg8[%dma_wait3A_689] : memref<8x!tpu.dma_semaphore, #tpu.memory_space<semaphore_mem>> -> memref<1x!tpu.dma_semaphore, #tpu.memory_space<semaphore_mem>>
    %dma_wait3A_697 = tpu.memref_squeeze %dma_wait3A_696 : memref<1x!tpu.dma_semaphore, #tpu.memory_space<semaphore_mem>> -> memref<!tpu.dma_semaphore, #tpu.memory_space<semaphore_mem>>
    %dma_wait3A_698 = arith.constant 0 : i32
    %dma_wait3A_699 = tpu.memref_slice %arg4[%add3A_687, %dma_wait3A_698] : memref<131072x64xf32, #tpu.memory_space<hbm>> -> memref<128x64xf32, #tpu.memory_space<hbm>>
    %dma_wait3A_700 = arith.constant 0 : i32
    %dma_wait3A_701 = arith.constant 0 : i32
    %dma_wait3A_702 = tpu.memref_slice %arg7[%dma_wait3A_688, %dma_wait3A_700, %dma_wait3A_701] : memref<8x128x64xf32, #tpu.memory_space<vmem>> -> memref<1x128x64xf32, #tpu.memory_space<vmem>>
    %dma_wait3A_703 = tpu.memref_squeeze %dma_wait3A_702 : memref<1x128x64xf32, #tpu.memory_space<vmem>> -> memref<128x64xf32, #tpu.memory_space<vmem>>
    tpu.wait_dma2 semaphore(%dma_wait3A_697 : memref<!tpu.dma_semaphore, #tpu.memory_space<semaphore_mem>>) src(%dma_wait3A_703 : memref<128x64xf32, #tpu.memory_space<vmem>>) dst(%dma_wait3A_699 : memref<128x64xf32, #tpu.memory_space<hbm>>)
    %dma_start3A_704 = arith.constant 30 : i32
    %dma_start3A_705 = arith.constant 6 : i32
    %dma_start3A_706 = arith.constant 6 : i32
    %dma_start3A_707 = arith.constant 0 : i32
    %dma_start3A_708 = arith.constant 0 : i32
    %dma_start3A_709 = tpu.memref_slice %arg7[%dma_start3A_705, %dma_start3A_707, %dma_start3A_708] : memref<8x128x64xf32, #tpu.memory_space<vmem>> -> memref<1x128x64xf32, #tpu.memory_space<vmem>>
    %dma_start3A_710 = tpu.memref_squeeze %dma_start3A_709 : memref<1x128x64xf32, #tpu.memory_space<vmem>> -> memref<128x64xf32, #tpu.memory_space<vmem>>
    %dma_start3A_711 = arith.constant 0 : i32
    %dma_start3A_712 = tpu.memref_slice %arg6[%dma_start3A_704, %dma_start3A_711] : memref<32x128xi32, #tpu.memory_space<vmem>> -> memref<1x128xi32, #tpu.memory_space<vmem>>
    %dma_start3A_713 = tpu.memref_squeeze %dma_start3A_712 : memref<1x128xi32, #tpu.memory_space<vmem>> -> memref<128xi32, #tpu.memory_space<vmem>>
    %dma_start3A_714 = arith.constant 0 : i32
    %dma_start3A_715 = arith.constant 0 : i32
    %dma_start3A_716 = tpu.memref_slice %arg3[%dma_start3A_714, %dma_start3A_715] : memref<1000000x64xf32, #tpu.memory_space<hbm>> -> memref<1000000x64xf32, #tpu.memory_space<hbm>>
    %dma_start3A_717 = tpu.memref_slice %arg5[%dma_start3A_706] : memref<8x!tpu.dma_semaphore, #tpu.memory_space<semaphore_mem>> -> memref<1x!tpu.dma_semaphore, #tpu.memory_space<semaphore_mem>>
    %dma_start3A_718 = tpu.memref_squeeze %dma_start3A_717 : memref<1x!tpu.dma_semaphore, #tpu.memory_space<semaphore_mem>> -> memref<!tpu.dma_semaphore, #tpu.memory_space<semaphore_mem>>
    tpu.enqueue_indirect_dma source(%dma_start3A_716 : memref<1000000x64xf32, #tpu.memory_space<hbm>>) target(%dma_start3A_710 : memref<128x64xf32, #tpu.memory_space<vmem>>) offsets(%dma_start3A_713 : memref<128xi32, #tpu.memory_space<vmem>>) semaphore(%dma_start3A_718 : memref<!tpu.dma_semaphore, #tpu.memory_space<semaphore_mem>>)
    %dma_wait3A_719 = arith.constant 27 : i32
    %dma_wait3A_720 = arith.constant 3 : i32
    %dma_wait3A_721 = arith.constant 3 : i32
    %dma_wait3A_722 = arith.constant 0 : i32
    %dma_wait3A_723 = arith.constant 0 : i32
    %dma_wait3A_724 = tpu.memref_slice %arg7[%dma_wait3A_720, %dma_wait3A_722, %dma_wait3A_723] : memref<8x128x64xf32, #tpu.memory_space<vmem>> -> memref<1x128x64xf32, #tpu.memory_space<vmem>>
    %dma_wait3A_725 = tpu.memref_squeeze %dma_wait3A_724 : memref<1x128x64xf32, #tpu.memory_space<vmem>> -> memref<128x64xf32, #tpu.memory_space<vmem>>
    %dma_wait3A_726 = arith.constant 0 : i32
    %dma_wait3A_727 = tpu.memref_slice %arg6[%dma_wait3A_719, %dma_wait3A_726] : memref<32x128xi32, #tpu.memory_space<vmem>> -> memref<1x128xi32, #tpu.memory_space<vmem>>
    %dma_wait3A_728 = tpu.memref_squeeze %dma_wait3A_727 : memref<1x128xi32, #tpu.memory_space<vmem>> -> memref<128xi32, #tpu.memory_space<vmem>>
    %dma_wait3A_729 = arith.constant 0 : i32
    %dma_wait3A_730 = arith.constant 0 : i32
    %dma_wait3A_731 = tpu.memref_slice %arg3[%dma_wait3A_729, %dma_wait3A_730] : memref<1000000x64xf32, #tpu.memory_space<hbm>> -> memref<1000000x64xf32, #tpu.memory_space<hbm>>
    %dma_wait3A_732 = tpu.memref_slice %arg5[%dma_wait3A_721] : memref<8x!tpu.dma_semaphore, #tpu.memory_space<semaphore_mem>> -> memref<1x!tpu.dma_semaphore, #tpu.memory_space<semaphore_mem>>
    %dma_wait3A_733 = tpu.memref_squeeze %dma_wait3A_732 : memref<1x!tpu.dma_semaphore, #tpu.memory_space<semaphore_mem>> -> memref<!tpu.dma_semaphore, #tpu.memory_space<semaphore_mem>>
    tpu.wait_indirect_dma semaphore(%dma_wait3A_733 : memref<!tpu.dma_semaphore, #tpu.memory_space<semaphore_mem>>) src(%dma_wait3A_731 : memref<1000000x64xf32, #tpu.memory_space<hbm>>) dst(%dma_wait3A_725 : memref<128x64xf32, #tpu.memory_space<vmem>>)
    %add3A_734 = arith.constant 3456 : i32
    %add3A_735 = arith.addi %mul3A_2, %add3A_734 : i32
    %dma_start3A_736 = arith.constant 3 : i32
    %dma_start3A_737 = arith.constant 3 : i32
    %dma_start3A_738 = arith.constant 0 : i32
    %dma_start3A_739 = arith.constant 0 : i32
    %dma_start3A_740 = tpu.memref_slice %arg7[%dma_start3A_736, %dma_start3A_738, %dma_start3A_739] : memref<8x128x64xf32, #tpu.memory_space<vmem>> -> memref<1x128x64xf32, #tpu.memory_space<vmem>>
    %dma_start3A_741 = tpu.memref_squeeze %dma_start3A_740 : memref<1x128x64xf32, #tpu.memory_space<vmem>> -> memref<128x64xf32, #tpu.memory_space<vmem>>
    %dma_start3A_742 = arith.constant 0 : i32
    %dma_start3A_743 = tpu.memref_slice %arg4[%add3A_735, %dma_start3A_742] : memref<131072x64xf32, #tpu.memory_space<hbm>> -> memref<128x64xf32, #tpu.memory_space<hbm>>
    %dma_start3A_744 = tpu.memref_slice %arg8[%dma_start3A_737] : memref<8x!tpu.dma_semaphore, #tpu.memory_space<semaphore_mem>> -> memref<1x!tpu.dma_semaphore, #tpu.memory_space<semaphore_mem>>
    %dma_start3A_745 = tpu.memref_squeeze %dma_start3A_744 : memref<1x!tpu.dma_semaphore, #tpu.memory_space<semaphore_mem>> -> memref<!tpu.dma_semaphore, #tpu.memory_space<semaphore_mem>>
    %dma_start3A_746 = arith.constant 0 : i32
    %dma_start3A_747 = tpu.memref_slice %arg4[%add3A_735, %dma_start3A_746] : memref<131072x64xf32, #tpu.memory_space<hbm>> -> memref<128x64xf32, #tpu.memory_space<hbm>>
    %dma_start3A_748 = arith.constant 0 : i32
    %dma_start3A_749 = arith.constant 0 : i32
    %dma_start3A_750 = tpu.memref_slice %arg7[%dma_start3A_736, %dma_start3A_748, %dma_start3A_749] : memref<8x128x64xf32, #tpu.memory_space<vmem>> -> memref<1x128x64xf32, #tpu.memory_space<vmem>>
    %dma_start3A_751 = tpu.memref_squeeze %dma_start3A_750 : memref<1x128x64xf32, #tpu.memory_space<vmem>> -> memref<128x64xf32, #tpu.memory_space<vmem>>
    tpu.enqueue_dma source(%dma_start3A_751 : memref<128x64xf32, #tpu.memory_space<vmem>>) target(%dma_start3A_747 : memref<128x64xf32, #tpu.memory_space<hbm>>) target_semaphore(%dma_start3A_745 : memref<!tpu.dma_semaphore, #tpu.memory_space<semaphore_mem>>)
    %add3A_752 = arith.constant 2944 : i32
    %add3A_753 = arith.addi %mul3A_2, %add3A_752 : i32
    %dma_wait3A_754 = arith.constant 7 : i32
    %dma_wait3A_755 = arith.constant 7 : i32
    %dma_wait3A_756 = arith.constant 0 : i32
    %dma_wait3A_757 = arith.constant 0 : i32
    %dma_wait3A_758 = tpu.memref_slice %arg7[%dma_wait3A_754, %dma_wait3A_756, %dma_wait3A_757] : memref<8x128x64xf32, #tpu.memory_space<vmem>> -> memref<1x128x64xf32, #tpu.memory_space<vmem>>
    %dma_wait3A_759 = tpu.memref_squeeze %dma_wait3A_758 : memref<1x128x64xf32, #tpu.memory_space<vmem>> -> memref<128x64xf32, #tpu.memory_space<vmem>>
    %dma_wait3A_760 = arith.constant 0 : i32
    %dma_wait3A_761 = tpu.memref_slice %arg4[%add3A_753, %dma_wait3A_760] : memref<131072x64xf32, #tpu.memory_space<hbm>> -> memref<128x64xf32, #tpu.memory_space<hbm>>
    %dma_wait3A_762 = tpu.memref_slice %arg8[%dma_wait3A_755] : memref<8x!tpu.dma_semaphore, #tpu.memory_space<semaphore_mem>> -> memref<1x!tpu.dma_semaphore, #tpu.memory_space<semaphore_mem>>
    %dma_wait3A_763 = tpu.memref_squeeze %dma_wait3A_762 : memref<1x!tpu.dma_semaphore, #tpu.memory_space<semaphore_mem>> -> memref<!tpu.dma_semaphore, #tpu.memory_space<semaphore_mem>>
    %dma_wait3A_764 = arith.constant 0 : i32
    %dma_wait3A_765 = tpu.memref_slice %arg4[%add3A_753, %dma_wait3A_764] : memref<131072x64xf32, #tpu.memory_space<hbm>> -> memref<128x64xf32, #tpu.memory_space<hbm>>
    %dma_wait3A_766 = arith.constant 0 : i32
    %dma_wait3A_767 = arith.constant 0 : i32
    %dma_wait3A_768 = tpu.memref_slice %arg7[%dma_wait3A_754, %dma_wait3A_766, %dma_wait3A_767] : memref<8x128x64xf32, #tpu.memory_space<vmem>> -> memref<1x128x64xf32, #tpu.memory_space<vmem>>
    %dma_wait3A_769 = tpu.memref_squeeze %dma_wait3A_768 : memref<1x128x64xf32, #tpu.memory_space<vmem>> -> memref<128x64xf32, #tpu.memory_space<vmem>>
    tpu.wait_dma2 semaphore(%dma_wait3A_763 : memref<!tpu.dma_semaphore, #tpu.memory_space<semaphore_mem>>) src(%dma_wait3A_769 : memref<128x64xf32, #tpu.memory_space<vmem>>) dst(%dma_wait3A_765 : memref<128x64xf32, #tpu.memory_space<hbm>>)
    %dma_start3A_770 = arith.constant 31 : i32
    %dma_start3A_771 = arith.constant 7 : i32
    %dma_start3A_772 = arith.constant 7 : i32
    %dma_start3A_773 = arith.constant 0 : i32
    %dma_start3A_774 = arith.constant 0 : i32
    %dma_start3A_775 = tpu.memref_slice %arg7[%dma_start3A_771, %dma_start3A_773, %dma_start3A_774] : memref<8x128x64xf32, #tpu.memory_space<vmem>> -> memref<1x128x64xf32, #tpu.memory_space<vmem>>
    %dma_start3A_776 = tpu.memref_squeeze %dma_start3A_775 : memref<1x128x64xf32, #tpu.memory_space<vmem>> -> memref<128x64xf32, #tpu.memory_space<vmem>>
    %dma_start3A_777 = arith.constant 0 : i32
    %dma_start3A_778 = tpu.memref_slice %arg6[%dma_start3A_770, %dma_start3A_777] : memref<32x128xi32, #tpu.memory_space<vmem>> -> memref<1x128xi32, #tpu.memory_space<vmem>>
    %dma_start3A_779 = tpu.memref_squeeze %dma_start3A_778 : memref<1x128xi32, #tpu.memory_space<vmem>> -> memref<128xi32, #tpu.memory_space<vmem>>
    %dma_start3A_780 = arith.constant 0 : i32
    %dma_start3A_781 = arith.constant 0 : i32
    %dma_start3A_782 = tpu.memref_slice %arg3[%dma_start3A_780, %dma_start3A_781] : memref<1000000x64xf32, #tpu.memory_space<hbm>> -> memref<1000000x64xf32, #tpu.memory_space<hbm>>
    %dma_start3A_783 = tpu.memref_slice %arg5[%dma_start3A_772] : memref<8x!tpu.dma_semaphore, #tpu.memory_space<semaphore_mem>> -> memref<1x!tpu.dma_semaphore, #tpu.memory_space<semaphore_mem>>
    %dma_start3A_784 = tpu.memref_squeeze %dma_start3A_783 : memref<1x!tpu.dma_semaphore, #tpu.memory_space<semaphore_mem>> -> memref<!tpu.dma_semaphore, #tpu.memory_space<semaphore_mem>>
    tpu.enqueue_indirect_dma source(%dma_start3A_782 : memref<1000000x64xf32, #tpu.memory_space<hbm>>) target(%dma_start3A_776 : memref<128x64xf32, #tpu.memory_space<vmem>>) offsets(%dma_start3A_779 : memref<128xi32, #tpu.memory_space<vmem>>) semaphore(%dma_start3A_784 : memref<!tpu.dma_semaphore, #tpu.memory_space<semaphore_mem>>)
    %dma_wait3A_785 = arith.constant 28 : i32
    %dma_wait3A_786 = arith.constant 4 : i32
    %dma_wait3A_787 = arith.constant 4 : i32
    %dma_wait3A_788 = arith.constant 0 : i32
    %dma_wait3A_789 = arith.constant 0 : i32
    %dma_wait3A_790 = tpu.memref_slice %arg7[%dma_wait3A_786, %dma_wait3A_788, %dma_wait3A_789] : memref<8x128x64xf32, #tpu.memory_space<vmem>> -> memref<1x128x64xf32, #tpu.memory_space<vmem>>
    %dma_wait3A_791 = tpu.memref_squeeze %dma_wait3A_790 : memref<1x128x64xf32, #tpu.memory_space<vmem>> -> memref<128x64xf32, #tpu.memory_space<vmem>>
    %dma_wait3A_792 = arith.constant 0 : i32
    %dma_wait3A_793 = tpu.memref_slice %arg6[%dma_wait3A_785, %dma_wait3A_792] : memref<32x128xi32, #tpu.memory_space<vmem>> -> memref<1x128xi32, #tpu.memory_space<vmem>>
    %dma_wait3A_794 = tpu.memref_squeeze %dma_wait3A_793 : memref<1x128xi32, #tpu.memory_space<vmem>> -> memref<128xi32, #tpu.memory_space<vmem>>
    %dma_wait3A_795 = arith.constant 0 : i32
    %dma_wait3A_796 = arith.constant 0 : i32
    %dma_wait3A_797 = tpu.memref_slice %arg3[%dma_wait3A_795, %dma_wait3A_796] : memref<1000000x64xf32, #tpu.memory_space<hbm>> -> memref<1000000x64xf32, #tpu.memory_space<hbm>>
    %dma_wait3A_798 = tpu.memref_slice %arg5[%dma_wait3A_787] : memref<8x!tpu.dma_semaphore, #tpu.memory_space<semaphore_mem>> -> memref<1x!tpu.dma_semaphore, #tpu.memory_space<semaphore_mem>>
    %dma_wait3A_799 = tpu.memref_squeeze %dma_wait3A_798 : memref<1x!tpu.dma_semaphore, #tpu.memory_space<semaphore_mem>> -> memref<!tpu.dma_semaphore, #tpu.memory_space<semaphore_mem>>
    tpu.wait_indirect_dma semaphore(%dma_wait3A_799 : memref<!tpu.dma_semaphore, #tpu.memory_space<semaphore_mem>>) src(%dma_wait3A_797 : memref<1000000x64xf32, #tpu.memory_space<hbm>>) dst(%dma_wait3A_791 : memref<128x64xf32, #tpu.memory_space<vmem>>)
    %add3A_800 = arith.constant 3584 : i32
    %add3A_801 = arith.addi %mul3A_2, %add3A_800 : i32
    %dma_start3A_802 = arith.constant 4 : i32
    %dma_start3A_803 = arith.constant 4 : i32
    %dma_start3A_804 = arith.constant 0 : i32
    %dma_start3A_805 = arith.constant 0 : i32
    %dma_start3A_806 = tpu.memref_slice %arg7[%dma_start3A_802, %dma_start3A_804, %dma_start3A_805] : memref<8x128x64xf32, #tpu.memory_space<vmem>> -> memref<1x128x64xf32, #tpu.memory_space<vmem>>
    %dma_start3A_807 = tpu.memref_squeeze %dma_start3A_806 : memref<1x128x64xf32, #tpu.memory_space<vmem>> -> memref<128x64xf32, #tpu.memory_space<vmem>>
    %dma_start3A_808 = arith.constant 0 : i32
    %dma_start3A_809 = tpu.memref_slice %arg4[%add3A_801, %dma_start3A_808] : memref<131072x64xf32, #tpu.memory_space<hbm>> -> memref<128x64xf32, #tpu.memory_space<hbm>>
    %dma_start3A_810 = tpu.memref_slice %arg8[%dma_start3A_803] : memref<8x!tpu.dma_semaphore, #tpu.memory_space<semaphore_mem>> -> memref<1x!tpu.dma_semaphore, #tpu.memory_space<semaphore_mem>>
    %dma_start3A_811 = tpu.memref_squeeze %dma_start3A_810 : memref<1x!tpu.dma_semaphore, #tpu.memory_space<semaphore_mem>> -> memref<!tpu.dma_semaphore, #tpu.memory_space<semaphore_mem>>
    %dma_start3A_812 = arith.constant 0 : i32
    %dma_start3A_813 = tpu.memref_slice %arg4[%add3A_801, %dma_start3A_812] : memref<131072x64xf32, #tpu.memory_space<hbm>> -> memref<128x64xf32, #tpu.memory_space<hbm>>
    %dma_start3A_814 = arith.constant 0 : i32
    %dma_start3A_815 = arith.constant 0 : i32
    %dma_start3A_816 = tpu.memref_slice %arg7[%dma_start3A_802, %dma_start3A_814, %dma_start3A_815] : memref<8x128x64xf32, #tpu.memory_space<vmem>> -> memref<1x128x64xf32, #tpu.memory_space<vmem>>
    %dma_start3A_817 = tpu.memref_squeeze %dma_start3A_816 : memref<1x128x64xf32, #tpu.memory_space<vmem>> -> memref<128x64xf32, #tpu.memory_space<vmem>>
    tpu.enqueue_dma source(%dma_start3A_817 : memref<128x64xf32, #tpu.memory_space<vmem>>) target(%dma_start3A_813 : memref<128x64xf32, #tpu.memory_space<hbm>>) target_semaphore(%dma_start3A_811 : memref<!tpu.dma_semaphore, #tpu.memory_space<semaphore_mem>>)
    %dma_wait3A_818 = arith.constant 29 : i32
    %dma_wait3A_819 = arith.constant 5 : i32
    %dma_wait3A_820 = arith.constant 5 : i32
    %dma_wait3A_821 = arith.constant 0 : i32
    %dma_wait3A_822 = arith.constant 0 : i32
    %dma_wait3A_823 = tpu.memref_slice %arg7[%dma_wait3A_819, %dma_wait3A_821, %dma_wait3A_822] : memref<8x128x64xf32, #tpu.memory_space<vmem>> -> memref<1x128x64xf32, #tpu.memory_space<vmem>>
    %dma_wait3A_824 = tpu.memref_squeeze %dma_wait3A_823 : memref<1x128x64xf32, #tpu.memory_space<vmem>> -> memref<128x64xf32, #tpu.memory_space<vmem>>
    %dma_wait3A_825 = arith.constant 0 : i32
    %dma_wait3A_826 = tpu.memref_slice %arg6[%dma_wait3A_818, %dma_wait3A_825] : memref<32x128xi32, #tpu.memory_space<vmem>> -> memref<1x128xi32, #tpu.memory_space<vmem>>
    %dma_wait3A_827 = tpu.memref_squeeze %dma_wait3A_826 : memref<1x128xi32, #tpu.memory_space<vmem>> -> memref<128xi32, #tpu.memory_space<vmem>>
    %dma_wait3A_828 = arith.constant 0 : i32
    %dma_wait3A_829 = arith.constant 0 : i32
    %dma_wait3A_830 = tpu.memref_slice %arg3[%dma_wait3A_828, %dma_wait3A_829] : memref<1000000x64xf32, #tpu.memory_space<hbm>> -> memref<1000000x64xf32, #tpu.memory_space<hbm>>
    %dma_wait3A_831 = tpu.memref_slice %arg5[%dma_wait3A_820] : memref<8x!tpu.dma_semaphore, #tpu.memory_space<semaphore_mem>> -> memref<1x!tpu.dma_semaphore, #tpu.memory_space<semaphore_mem>>
    %dma_wait3A_832 = tpu.memref_squeeze %dma_wait3A_831 : memref<1x!tpu.dma_semaphore, #tpu.memory_space<semaphore_mem>> -> memref<!tpu.dma_semaphore, #tpu.memory_space<semaphore_mem>>
    tpu.wait_indirect_dma semaphore(%dma_wait3A_832 : memref<!tpu.dma_semaphore, #tpu.memory_space<semaphore_mem>>) src(%dma_wait3A_830 : memref<1000000x64xf32, #tpu.memory_space<hbm>>) dst(%dma_wait3A_824 : memref<128x64xf32, #tpu.memory_space<vmem>>)
    %add3A_833 = arith.constant 3712 : i32
    %add3A_834 = arith.addi %mul3A_2, %add3A_833 : i32
    %dma_start3A_835 = arith.constant 5 : i32
    %dma_start3A_836 = arith.constant 5 : i32
    %dma_start3A_837 = arith.constant 0 : i32
    %dma_start3A_838 = arith.constant 0 : i32
    %dma_start3A_839 = tpu.memref_slice %arg7[%dma_start3A_835, %dma_start3A_837, %dma_start3A_838] : memref<8x128x64xf32, #tpu.memory_space<vmem>> -> memref<1x128x64xf32, #tpu.memory_space<vmem>>
    %dma_start3A_840 = tpu.memref_squeeze %dma_start3A_839 : memref<1x128x64xf32, #tpu.memory_space<vmem>> -> memref<128x64xf32, #tpu.memory_space<vmem>>
    %dma_start3A_841 = arith.constant 0 : i32
    %dma_start3A_842 = tpu.memref_slice %arg4[%add3A_834, %dma_start3A_841] : memref<131072x64xf32, #tpu.memory_space<hbm>> -> memref<128x64xf32, #tpu.memory_space<hbm>>
    %dma_start3A_843 = tpu.memref_slice %arg8[%dma_start3A_836] : memref<8x!tpu.dma_semaphore, #tpu.memory_space<semaphore_mem>> -> memref<1x!tpu.dma_semaphore, #tpu.memory_space<semaphore_mem>>
    %dma_start3A_844 = tpu.memref_squeeze %dma_start3A_843 : memref<1x!tpu.dma_semaphore, #tpu.memory_space<semaphore_mem>> -> memref<!tpu.dma_semaphore, #tpu.memory_space<semaphore_mem>>
    %dma_start3A_845 = arith.constant 0 : i32
    %dma_start3A_846 = tpu.memref_slice %arg4[%add3A_834, %dma_start3A_845] : memref<131072x64xf32, #tpu.memory_space<hbm>> -> memref<128x64xf32, #tpu.memory_space<hbm>>
    %dma_start3A_847 = arith.constant 0 : i32
    %dma_start3A_848 = arith.constant 0 : i32
    %dma_start3A_849 = tpu.memref_slice %arg7[%dma_start3A_835, %dma_start3A_847, %dma_start3A_848] : memref<8x128x64xf32, #tpu.memory_space<vmem>> -> memref<1x128x64xf32, #tpu.memory_space<vmem>>
    %dma_start3A_850 = tpu.memref_squeeze %dma_start3A_849 : memref<1x128x64xf32, #tpu.memory_space<vmem>> -> memref<128x64xf32, #tpu.memory_space<vmem>>
    tpu.enqueue_dma source(%dma_start3A_850 : memref<128x64xf32, #tpu.memory_space<vmem>>) target(%dma_start3A_846 : memref<128x64xf32, #tpu.memory_space<hbm>>) target_semaphore(%dma_start3A_844 : memref<!tpu.dma_semaphore, #tpu.memory_space<semaphore_mem>>)
    %dma_wait3A_851 = arith.constant 30 : i32
    %dma_wait3A_852 = arith.constant 6 : i32
    %dma_wait3A_853 = arith.constant 6 : i32
    %dma_wait3A_854 = arith.constant 0 : i32
    %dma_wait3A_855 = arith.constant 0 : i32
    %dma_wait3A_856 = tpu.memref_slice %arg7[%dma_wait3A_852, %dma_wait3A_854, %dma_wait3A_855] : memref<8x128x64xf32, #tpu.memory_space<vmem>> -> memref<1x128x64xf32, #tpu.memory_space<vmem>>
    %dma_wait3A_857 = tpu.memref_squeeze %dma_wait3A_856 : memref<1x128x64xf32, #tpu.memory_space<vmem>> -> memref<128x64xf32, #tpu.memory_space<vmem>>
    %dma_wait3A_858 = arith.constant 0 : i32
    %dma_wait3A_859 = tpu.memref_slice %arg6[%dma_wait3A_851, %dma_wait3A_858] : memref<32x128xi32, #tpu.memory_space<vmem>> -> memref<1x128xi32, #tpu.memory_space<vmem>>
    %dma_wait3A_860 = tpu.memref_squeeze %dma_wait3A_859 : memref<1x128xi32, #tpu.memory_space<vmem>> -> memref<128xi32, #tpu.memory_space<vmem>>
    %dma_wait3A_861 = arith.constant 0 : i32
    %dma_wait3A_862 = arith.constant 0 : i32
    %dma_wait3A_863 = tpu.memref_slice %arg3[%dma_wait3A_861, %dma_wait3A_862] : memref<1000000x64xf32, #tpu.memory_space<hbm>> -> memref<1000000x64xf32, #tpu.memory_space<hbm>>
    %dma_wait3A_864 = tpu.memref_slice %arg5[%dma_wait3A_853] : memref<8x!tpu.dma_semaphore, #tpu.memory_space<semaphore_mem>> -> memref<1x!tpu.dma_semaphore, #tpu.memory_space<semaphore_mem>>
    %dma_wait3A_865 = tpu.memref_squeeze %dma_wait3A_864 : memref<1x!tpu.dma_semaphore, #tpu.memory_space<semaphore_mem>> -> memref<!tpu.dma_semaphore, #tpu.memory_space<semaphore_mem>>
    tpu.wait_indirect_dma semaphore(%dma_wait3A_865 : memref<!tpu.dma_semaphore, #tpu.memory_space<semaphore_mem>>) src(%dma_wait3A_863 : memref<1000000x64xf32, #tpu.memory_space<hbm>>) dst(%dma_wait3A_857 : memref<128x64xf32, #tpu.memory_space<vmem>>)
    %add3A_866 = arith.constant 3840 : i32
    %add3A_867 = arith.addi %mul3A_2, %add3A_866 : i32
    %dma_start3A_868 = arith.constant 6 : i32
    %dma_start3A_869 = arith.constant 6 : i32
    %dma_start3A_870 = arith.constant 0 : i32
    %dma_start3A_871 = arith.constant 0 : i32
    %dma_start3A_872 = tpu.memref_slice %arg7[%dma_start3A_868, %dma_start3A_870, %dma_start3A_871] : memref<8x128x64xf32, #tpu.memory_space<vmem>> -> memref<1x128x64xf32, #tpu.memory_space<vmem>>
    %dma_start3A_873 = tpu.memref_squeeze %dma_start3A_872 : memref<1x128x64xf32, #tpu.memory_space<vmem>> -> memref<128x64xf32, #tpu.memory_space<vmem>>
    %dma_start3A_874 = arith.constant 0 : i32
    %dma_start3A_875 = tpu.memref_slice %arg4[%add3A_867, %dma_start3A_874] : memref<131072x64xf32, #tpu.memory_space<hbm>> -> memref<128x64xf32, #tpu.memory_space<hbm>>
    %dma_start3A_876 = tpu.memref_slice %arg8[%dma_start3A_869] : memref<8x!tpu.dma_semaphore, #tpu.memory_space<semaphore_mem>> -> memref<1x!tpu.dma_semaphore, #tpu.memory_space<semaphore_mem>>
    %dma_start3A_877 = tpu.memref_squeeze %dma_start3A_876 : memref<1x!tpu.dma_semaphore, #tpu.memory_space<semaphore_mem>> -> memref<!tpu.dma_semaphore, #tpu.memory_space<semaphore_mem>>
    %dma_start3A_878 = arith.constant 0 : i32
    %dma_start3A_879 = tpu.memref_slice %arg4[%add3A_867, %dma_start3A_878] : memref<131072x64xf32, #tpu.memory_space<hbm>> -> memref<128x64xf32, #tpu.memory_space<hbm>>
    %dma_start3A_880 = arith.constant 0 : i32
    %dma_start3A_881 = arith.constant 0 : i32
    %dma_start3A_882 = tpu.memref_slice %arg7[%dma_start3A_868, %dma_start3A_880, %dma_start3A_881] : memref<8x128x64xf32, #tpu.memory_space<vmem>> -> memref<1x128x64xf32, #tpu.memory_space<vmem>>
    %dma_start3A_883 = tpu.memref_squeeze %dma_start3A_882 : memref<1x128x64xf32, #tpu.memory_space<vmem>> -> memref<128x64xf32, #tpu.memory_space<vmem>>
    tpu.enqueue_dma source(%dma_start3A_883 : memref<128x64xf32, #tpu.memory_space<vmem>>) target(%dma_start3A_879 : memref<128x64xf32, #tpu.memory_space<hbm>>) target_semaphore(%dma_start3A_877 : memref<!tpu.dma_semaphore, #tpu.memory_space<semaphore_mem>>)
    %dma_wait3A_884 = arith.constant 31 : i32
    %dma_wait3A_885 = arith.constant 7 : i32
    %dma_wait3A_886 = arith.constant 7 : i32
    %dma_wait3A_887 = arith.constant 0 : i32
    %dma_wait3A_888 = arith.constant 0 : i32
    %dma_wait3A_889 = tpu.memref_slice %arg7[%dma_wait3A_885, %dma_wait3A_887, %dma_wait3A_888] : memref<8x128x64xf32, #tpu.memory_space<vmem>> -> memref<1x128x64xf32, #tpu.memory_space<vmem>>
    %dma_wait3A_890 = tpu.memref_squeeze %dma_wait3A_889 : memref<1x128x64xf32, #tpu.memory_space<vmem>> -> memref<128x64xf32, #tpu.memory_space<vmem>>
    %dma_wait3A_891 = arith.constant 0 : i32
    %dma_wait3A_892 = tpu.memref_slice %arg6[%dma_wait3A_884, %dma_wait3A_891] : memref<32x128xi32, #tpu.memory_space<vmem>> -> memref<1x128xi32, #tpu.memory_space<vmem>>
    %dma_wait3A_893 = tpu.memref_squeeze %dma_wait3A_892 : memref<1x128xi32, #tpu.memory_space<vmem>> -> memref<128xi32, #tpu.memory_space<vmem>>
    %dma_wait3A_894 = arith.constant 0 : i32
    %dma_wait3A_895 = arith.constant 0 : i32
    %dma_wait3A_896 = tpu.memref_slice %arg3[%dma_wait3A_894, %dma_wait3A_895] : memref<1000000x64xf32, #tpu.memory_space<hbm>> -> memref<1000000x64xf32, #tpu.memory_space<hbm>>
    %dma_wait3A_897 = tpu.memref_slice %arg5[%dma_wait3A_886] : memref<8x!tpu.dma_semaphore, #tpu.memory_space<semaphore_mem>> -> memref<1x!tpu.dma_semaphore, #tpu.memory_space<semaphore_mem>>
    %dma_wait3A_898 = tpu.memref_squeeze %dma_wait3A_897 : memref<1x!tpu.dma_semaphore, #tpu.memory_space<semaphore_mem>> -> memref<!tpu.dma_semaphore, #tpu.memory_space<semaphore_mem>>
    tpu.wait_indirect_dma semaphore(%dma_wait3A_898 : memref<!tpu.dma_semaphore, #tpu.memory_space<semaphore_mem>>) src(%dma_wait3A_896 : memref<1000000x64xf32, #tpu.memory_space<hbm>>) dst(%dma_wait3A_890 : memref<128x64xf32, #tpu.memory_space<vmem>>)
    %add3A_899 = arith.constant 3968 : i32
    %add3A_900 = arith.addi %mul3A_2, %add3A_899 : i32
    %dma_start3A_901 = arith.constant 7 : i32
    %dma_start3A_902 = arith.constant 7 : i32
    %dma_start3A_903 = arith.constant 0 : i32
    %dma_start3A_904 = arith.constant 0 : i32
    %dma_start3A_905 = tpu.memref_slice %arg7[%dma_start3A_901, %dma_start3A_903, %dma_start3A_904] : memref<8x128x64xf32, #tpu.memory_space<vmem>> -> memref<1x128x64xf32, #tpu.memory_space<vmem>>
    %dma_start3A_906 = tpu.memref_squeeze %dma_start3A_905 : memref<1x128x64xf32, #tpu.memory_space<vmem>> -> memref<128x64xf32, #tpu.memory_space<vmem>>
    %dma_start3A_907 = arith.constant 0 : i32
    %dma_start3A_908 = tpu.memref_slice %arg4[%add3A_900, %dma_start3A_907] : memref<131072x64xf32, #tpu.memory_space<hbm>> -> memref<128x64xf32, #tpu.memory_space<hbm>>
    %dma_start3A_909 = tpu.memref_slice %arg8[%dma_start3A_902] : memref<8x!tpu.dma_semaphore, #tpu.memory_space<semaphore_mem>> -> memref<1x!tpu.dma_semaphore, #tpu.memory_space<semaphore_mem>>
    %dma_start3A_910 = tpu.memref_squeeze %dma_start3A_909 : memref<1x!tpu.dma_semaphore, #tpu.memory_space<semaphore_mem>> -> memref<!tpu.dma_semaphore, #tpu.memory_space<semaphore_mem>>
    %dma_start3A_911 = arith.constant 0 : i32
    %dma_start3A_912 = tpu.memref_slice %arg4[%add3A_900, %dma_start3A_911] : memref<131072x64xf32, #tpu.memory_space<hbm>> -> memref<128x64xf32, #tpu.memory_space<hbm>>
    %dma_start3A_913 = arith.constant 0 : i32
    %dma_start3A_914 = arith.constant 0 : i32
    %dma_start3A_915 = tpu.memref_slice %arg7[%dma_start3A_901, %dma_start3A_913, %dma_start3A_914] : memref<8x128x64xf32, #tpu.memory_space<vmem>> -> memref<1x128x64xf32, #tpu.memory_space<vmem>>
    %dma_start3A_916 = tpu.memref_squeeze %dma_start3A_915 : memref<1x128x64xf32, #tpu.memory_space<vmem>> -> memref<128x64xf32, #tpu.memory_space<vmem>>
    tpu.enqueue_dma source(%dma_start3A_916 : memref<128x64xf32, #tpu.memory_space<vmem>>) target(%dma_start3A_912 : memref<128x64xf32, #tpu.memory_space<hbm>>) target_semaphore(%dma_start3A_910 : memref<!tpu.dma_semaphore, #tpu.memory_space<semaphore_mem>>)
    %add3A_917 = arith.constant 3072 : i32
    %add3A_918 = arith.addi %mul3A_2, %add3A_917 : i32
    %dma_wait3A_919 = arith.constant 0 : i32
    %dma_wait3A_920 = arith.constant 0 : i32
    %dma_wait3A_921 = arith.constant 0 : i32
    %dma_wait3A_922 = arith.constant 0 : i32
    %dma_wait3A_923 = tpu.memref_slice %arg7[%dma_wait3A_919, %dma_wait3A_921, %dma_wait3A_922] : memref<8x128x64xf32, #tpu.memory_space<vmem>> -> memref<1x128x64xf32, #tpu.memory_space<vmem>>
    %dma_wait3A_924 = tpu.memref_squeeze %dma_wait3A_923 : memref<1x128x64xf32, #tpu.memory_space<vmem>> -> memref<128x64xf32, #tpu.memory_space<vmem>>
    %dma_wait3A_925 = arith.constant 0 : i32
    %dma_wait3A_926 = tpu.memref_slice %arg4[%add3A_918, %dma_wait3A_925] : memref<131072x64xf32, #tpu.memory_space<hbm>> -> memref<128x64xf32, #tpu.memory_space<hbm>>
    %dma_wait3A_927 = tpu.memref_slice %arg8[%dma_wait3A_920] : memref<8x!tpu.dma_semaphore, #tpu.memory_space<semaphore_mem>> -> memref<1x!tpu.dma_semaphore, #tpu.memory_space<semaphore_mem>>
    %dma_wait3A_928 = tpu.memref_squeeze %dma_wait3A_927 : memref<1x!tpu.dma_semaphore, #tpu.memory_space<semaphore_mem>> -> memref<!tpu.dma_semaphore, #tpu.memory_space<semaphore_mem>>
    %dma_wait3A_929 = arith.constant 0 : i32
    %dma_wait3A_930 = tpu.memref_slice %arg4[%add3A_918, %dma_wait3A_929] : memref<131072x64xf32, #tpu.memory_space<hbm>> -> memref<128x64xf32, #tpu.memory_space<hbm>>
    %dma_wait3A_931 = arith.constant 0 : i32
    %dma_wait3A_932 = arith.constant 0 : i32
    %dma_wait3A_933 = tpu.memref_slice %arg7[%dma_wait3A_919, %dma_wait3A_931, %dma_wait3A_932] : memref<8x128x64xf32, #tpu.memory_space<vmem>> -> memref<1x128x64xf32, #tpu.memory_space<vmem>>
    %dma_wait3A_934 = tpu.memref_squeeze %dma_wait3A_933 : memref<1x128x64xf32, #tpu.memory_space<vmem>> -> memref<128x64xf32, #tpu.memory_space<vmem>>
    tpu.wait_dma2 semaphore(%dma_wait3A_928 : memref<!tpu.dma_semaphore, #tpu.memory_space<semaphore_mem>>) src(%dma_wait3A_934 : memref<128x64xf32, #tpu.memory_space<vmem>>) dst(%dma_wait3A_930 : memref<128x64xf32, #tpu.memory_space<hbm>>)
    %add3A_935 = arith.constant 3200 : i32
    %add3A_936 = arith.addi %mul3A_2, %add3A_935 : i32
    %dma_wait3A_937 = arith.constant 1 : i32
    %dma_wait3A_938 = arith.constant 1 : i32
    %dma_wait3A_939 = arith.constant 0 : i32
    %dma_wait3A_940 = arith.constant 0 : i32
    %dma_wait3A_941 = tpu.memref_slice %arg7[%dma_wait3A_937, %dma_wait3A_939, %dma_wait3A_940] : memref<8x128x64xf32, #tpu.memory_space<vmem>> -> memref<1x128x64xf32, #tpu.memory_space<vmem>>
    %dma_wait3A_942 = tpu.memref_squeeze %dma_wait3A_941 : memref<1x128x64xf32, #tpu.memory_space<vmem>> -> memref<128x64xf32, #tpu.memory_space<vmem>>
    %dma_wait3A_943 = arith.constant 0 : i32
    %dma_wait3A_944 = tpu.memref_slice %arg4[%add3A_936, %dma_wait3A_943] : memref<131072x64xf32, #tpu.memory_space<hbm>> -> memref<128x64xf32, #tpu.memory_space<hbm>>
    %dma_wait3A_945 = tpu.memref_slice %arg8[%dma_wait3A_938] : memref<8x!tpu.dma_semaphore, #tpu.memory_space<semaphore_mem>> -> memref<1x!tpu.dma_semaphore, #tpu.memory_space<semaphore_mem>>
    %dma_wait3A_946 = tpu.memref_squeeze %dma_wait3A_945 : memref<1x!tpu.dma_semaphore, #tpu.memory_space<semaphore_mem>> -> memref<!tpu.dma_semaphore, #tpu.memory_space<semaphore_mem>>
    %dma_wait3A_947 = arith.constant 0 : i32
    %dma_wait3A_948 = tpu.memref_slice %arg4[%add3A_936, %dma_wait3A_947] : memref<131072x64xf32, #tpu.memory_space<hbm>> -> memref<128x64xf32, #tpu.memory_space<hbm>>
    %dma_wait3A_949 = arith.constant 0 : i32
    %dma_wait3A_950 = arith.constant 0 : i32
    %dma_wait3A_951 = tpu.memref_slice %arg7[%dma_wait3A_937, %dma_wait3A_949, %dma_wait3A_950] : memref<8x128x64xf32, #tpu.memory_space<vmem>> -> memref<1x128x64xf32, #tpu.memory_space<vmem>>
    %dma_wait3A_952 = tpu.memref_squeeze %dma_wait3A_951 : memref<1x128x64xf32, #tpu.memory_space<vmem>> -> memref<128x64xf32, #tpu.memory_space<vmem>>
    tpu.wait_dma2 semaphore(%dma_wait3A_946 : memref<!tpu.dma_semaphore, #tpu.memory_space<semaphore_mem>>) src(%dma_wait3A_952 : memref<128x64xf32, #tpu.memory_space<vmem>>) dst(%dma_wait3A_948 : memref<128x64xf32, #tpu.memory_space<hbm>>)
    %add3A_953 = arith.constant 3328 : i32
    %add3A_954 = arith.addi %mul3A_2, %add3A_953 : i32
    %dma_wait3A_955 = arith.constant 2 : i32
    %dma_wait3A_956 = arith.constant 2 : i32
    %dma_wait3A_957 = arith.constant 0 : i32
    %dma_wait3A_958 = arith.constant 0 : i32
    %dma_wait3A_959 = tpu.memref_slice %arg7[%dma_wait3A_955, %dma_wait3A_957, %dma_wait3A_958] : memref<8x128x64xf32, #tpu.memory_space<vmem>> -> memref<1x128x64xf32, #tpu.memory_space<vmem>>
    %dma_wait3A_960 = tpu.memref_squeeze %dma_wait3A_959 : memref<1x128x64xf32, #tpu.memory_space<vmem>> -> memref<128x64xf32, #tpu.memory_space<vmem>>
    %dma_wait3A_961 = arith.constant 0 : i32
    %dma_wait3A_962 = tpu.memref_slice %arg4[%add3A_954, %dma_wait3A_961] : memref<131072x64xf32, #tpu.memory_space<hbm>> -> memref<128x64xf32, #tpu.memory_space<hbm>>
    %dma_wait3A_963 = tpu.memref_slice %arg8[%dma_wait3A_956] : memref<8x!tpu.dma_semaphore, #tpu.memory_space<semaphore_mem>> -> memref<1x!tpu.dma_semaphore, #tpu.memory_space<semaphore_mem>>
    %dma_wait3A_964 = tpu.memref_squeeze %dma_wait3A_963 : memref<1x!tpu.dma_semaphore, #tpu.memory_space<semaphore_mem>> -> memref<!tpu.dma_semaphore, #tpu.memory_space<semaphore_mem>>
    %dma_wait3A_965 = arith.constant 0 : i32
    %dma_wait3A_966 = tpu.memref_slice %arg4[%add3A_954, %dma_wait3A_965] : memref<131072x64xf32, #tpu.memory_space<hbm>> -> memref<128x64xf32, #tpu.memory_space<hbm>>
    %dma_wait3A_967 = arith.constant 0 : i32
    %dma_wait3A_968 = arith.constant 0 : i32
    %dma_wait3A_969 = tpu.memref_slice %arg7[%dma_wait3A_955, %dma_wait3A_967, %dma_wait3A_968] : memref<8x128x64xf32, #tpu.memory_space<vmem>> -> memref<1x128x64xf32, #tpu.memory_space<vmem>>
    %dma_wait3A_970 = tpu.memref_squeeze %dma_wait3A_969 : memref<1x128x64xf32, #tpu.memory_space<vmem>> -> memref<128x64xf32, #tpu.memory_space<vmem>>
    tpu.wait_dma2 semaphore(%dma_wait3A_964 : memref<!tpu.dma_semaphore, #tpu.memory_space<semaphore_mem>>) src(%dma_wait3A_970 : memref<128x64xf32, #tpu.memory_space<vmem>>) dst(%dma_wait3A_966 : memref<128x64xf32, #tpu.memory_space<hbm>>)
    %add3A_971 = arith.constant 3456 : i32
    %add3A_972 = arith.addi %mul3A_2, %add3A_971 : i32
    %dma_wait3A_973 = arith.constant 3 : i32
    %dma_wait3A_974 = arith.constant 3 : i32
    %dma_wait3A_975 = arith.constant 0 : i32
    %dma_wait3A_976 = arith.constant 0 : i32
    %dma_wait3A_977 = tpu.memref_slice %arg7[%dma_wait3A_973, %dma_wait3A_975, %dma_wait3A_976] : memref<8x128x64xf32, #tpu.memory_space<vmem>> -> memref<1x128x64xf32, #tpu.memory_space<vmem>>
    %dma_wait3A_978 = tpu.memref_squeeze %dma_wait3A_977 : memref<1x128x64xf32, #tpu.memory_space<vmem>> -> memref<128x64xf32, #tpu.memory_space<vmem>>
    %dma_wait3A_979 = arith.constant 0 : i32
    %dma_wait3A_980 = tpu.memref_slice %arg4[%add3A_972, %dma_wait3A_979] : memref<131072x64xf32, #tpu.memory_space<hbm>> -> memref<128x64xf32, #tpu.memory_space<hbm>>
    %dma_wait3A_981 = tpu.memref_slice %arg8[%dma_wait3A_974] : memref<8x!tpu.dma_semaphore, #tpu.memory_space<semaphore_mem>> -> memref<1x!tpu.dma_semaphore, #tpu.memory_space<semaphore_mem>>
    %dma_wait3A_982 = tpu.memref_squeeze %dma_wait3A_981 : memref<1x!tpu.dma_semaphore, #tpu.memory_space<semaphore_mem>> -> memref<!tpu.dma_semaphore, #tpu.memory_space<semaphore_mem>>
    %dma_wait3A_983 = arith.constant 0 : i32
    %dma_wait3A_984 = tpu.memref_slice %arg4[%add3A_972, %dma_wait3A_983] : memref<131072x64xf32, #tpu.memory_space<hbm>> -> memref<128x64xf32, #tpu.memory_space<hbm>>
    %dma_wait3A_985 = arith.constant 0 : i32
    %dma_wait3A_986 = arith.constant 0 : i32
    %dma_wait3A_987 = tpu.memref_slice %arg7[%dma_wait3A_973, %dma_wait3A_985, %dma_wait3A_986] : memref<8x128x64xf32, #tpu.memory_space<vmem>> -> memref<1x128x64xf32, #tpu.memory_space<vmem>>
    %dma_wait3A_988 = tpu.memref_squeeze %dma_wait3A_987 : memref<1x128x64xf32, #tpu.memory_space<vmem>> -> memref<128x64xf32, #tpu.memory_space<vmem>>
    tpu.wait_dma2 semaphore(%dma_wait3A_982 : memref<!tpu.dma_semaphore, #tpu.memory_space<semaphore_mem>>) src(%dma_wait3A_988 : memref<128x64xf32, #tpu.memory_space<vmem>>) dst(%dma_wait3A_984 : memref<128x64xf32, #tpu.memory_space<hbm>>)
    %add3A_989 = arith.constant 3584 : i32
    %add3A_990 = arith.addi %mul3A_2, %add3A_989 : i32
    %dma_wait3A_991 = arith.constant 4 : i32
    %dma_wait3A_992 = arith.constant 4 : i32
    %dma_wait3A_993 = arith.constant 0 : i32
    %dma_wait3A_994 = arith.constant 0 : i32
    %dma_wait3A_995 = tpu.memref_slice %arg7[%dma_wait3A_991, %dma_wait3A_993, %dma_wait3A_994] : memref<8x128x64xf32, #tpu.memory_space<vmem>> -> memref<1x128x64xf32, #tpu.memory_space<vmem>>
    %dma_wait3A_996 = tpu.memref_squeeze %dma_wait3A_995 : memref<1x128x64xf32, #tpu.memory_space<vmem>> -> memref<128x64xf32, #tpu.memory_space<vmem>>
    %dma_wait3A_997 = arith.constant 0 : i32
    %dma_wait3A_998 = tpu.memref_slice %arg4[%add3A_990, %dma_wait3A_997] : memref<131072x64xf32, #tpu.memory_space<hbm>> -> memref<128x64xf32, #tpu.memory_space<hbm>>
    %dma_wait3A_999 = tpu.memref_slice %arg8[%dma_wait3A_992] : memref<8x!tpu.dma_semaphore, #tpu.memory_space<semaphore_mem>> -> memref<1x!tpu.dma_semaphore, #tpu.memory_space<semaphore_mem>>
    %dma_wait3A_1000 = tpu.memref_squeeze %dma_wait3A_999 : memref<1x!tpu.dma_semaphore, #tpu.memory_space<semaphore_mem>> -> memref<!tpu.dma_semaphore, #tpu.memory_space<semaphore_mem>>
    %dma_wait3A_1001 = arith.constant 0 : i32
    %dma_wait3A_1002 = tpu.memref_slice %arg4[%add3A_990, %dma_wait3A_1001] : memref<131072x64xf32, #tpu.memory_space<hbm>> -> memref<128x64xf32, #tpu.memory_space<hbm>>
    %dma_wait3A_1003 = arith.constant 0 : i32
    %dma_wait3A_1004 = arith.constant 0 : i32
    %dma_wait3A_1005 = tpu.memref_slice %arg7[%dma_wait3A_991, %dma_wait3A_1003, %dma_wait3A_1004] : memref<8x128x64xf32, #tpu.memory_space<vmem>> -> memref<1x128x64xf32, #tpu.memory_space<vmem>>
    %dma_wait3A_1006 = tpu.memref_squeeze %dma_wait3A_1005 : memref<1x128x64xf32, #tpu.memory_space<vmem>> -> memref<128x64xf32, #tpu.memory_space<vmem>>
    tpu.wait_dma2 semaphore(%dma_wait3A_1000 : memref<!tpu.dma_semaphore, #tpu.memory_space<semaphore_mem>>) src(%dma_wait3A_1006 : memref<128x64xf32, #tpu.memory_space<vmem>>) dst(%dma_wait3A_1002 : memref<128x64xf32, #tpu.memory_space<hbm>>)
    %add3A_1007 = arith.constant 3712 : i32
    %add3A_1008 = arith.addi %mul3A_2, %add3A_1007 : i32
    %dma_wait3A_1009 = arith.constant 5 : i32
    %dma_wait3A_1010 = arith.constant 5 : i32
    %dma_wait3A_1011 = arith.constant 0 : i32
    %dma_wait3A_1012 = arith.constant 0 : i32
    %dma_wait3A_1013 = tpu.memref_slice %arg7[%dma_wait3A_1009, %dma_wait3A_1011, %dma_wait3A_1012] : memref<8x128x64xf32, #tpu.memory_space<vmem>> -> memref<1x128x64xf32, #tpu.memory_space<vmem>>
    %dma_wait3A_1014 = tpu.memref_squeeze %dma_wait3A_1013 : memref<1x128x64xf32, #tpu.memory_space<vmem>> -> memref<128x64xf32, #tpu.memory_space<vmem>>
    %dma_wait3A_1015 = arith.constant 0 : i32
    %dma_wait3A_1016 = tpu.memref_slice %arg4[%add3A_1008, %dma_wait3A_1015] : memref<131072x64xf32, #tpu.memory_space<hbm>> -> memref<128x64xf32, #tpu.memory_space<hbm>>
    %dma_wait3A_1017 = tpu.memref_slice %arg8[%dma_wait3A_1010] : memref<8x!tpu.dma_semaphore, #tpu.memory_space<semaphore_mem>> -> memref<1x!tpu.dma_semaphore, #tpu.memory_space<semaphore_mem>>
    %dma_wait3A_1018 = tpu.memref_squeeze %dma_wait3A_1017 : memref<1x!tpu.dma_semaphore, #tpu.memory_space<semaphore_mem>> -> memref<!tpu.dma_semaphore, #tpu.memory_space<semaphore_mem>>
    %dma_wait3A_1019 = arith.constant 0 : i32
    %dma_wait3A_1020 = tpu.memref_slice %arg4[%add3A_1008, %dma_wait3A_1019] : memref<131072x64xf32, #tpu.memory_space<hbm>> -> memref<128x64xf32, #tpu.memory_space<hbm>>
    %dma_wait3A_1021 = arith.constant 0 : i32
    %dma_wait3A_1022 = arith.constant 0 : i32
    %dma_wait3A_1023 = tpu.memref_slice %arg7[%dma_wait3A_1009, %dma_wait3A_1021, %dma_wait3A_1022] : memref<8x128x64xf32, #tpu.memory_space<vmem>> -> memref<1x128x64xf32, #tpu.memory_space<vmem>>
    %dma_wait3A_1024 = tpu.memref_squeeze %dma_wait3A_1023 : memref<1x128x64xf32, #tpu.memory_space<vmem>> -> memref<128x64xf32, #tpu.memory_space<vmem>>
    tpu.wait_dma2 semaphore(%dma_wait3A_1018 : memref<!tpu.dma_semaphore, #tpu.memory_space<semaphore_mem>>) src(%dma_wait3A_1024 : memref<128x64xf32, #tpu.memory_space<vmem>>) dst(%dma_wait3A_1020 : memref<128x64xf32, #tpu.memory_space<hbm>>)
    %add3A_1025 = arith.constant 3840 : i32
    %add3A_1026 = arith.addi %mul3A_2, %add3A_1025 : i32
    %dma_wait3A_1027 = arith.constant 6 : i32
    %dma_wait3A_1028 = arith.constant 6 : i32
    %dma_wait3A_1029 = arith.constant 0 : i32
    %dma_wait3A_1030 = arith.constant 0 : i32
    %dma_wait3A_1031 = tpu.memref_slice %arg7[%dma_wait3A_1027, %dma_wait3A_1029, %dma_wait3A_1030] : memref<8x128x64xf32, #tpu.memory_space<vmem>> -> memref<1x128x64xf32, #tpu.memory_space<vmem>>
    %dma_wait3A_1032 = tpu.memref_squeeze %dma_wait3A_1031 : memref<1x128x64xf32, #tpu.memory_space<vmem>> -> memref<128x64xf32, #tpu.memory_space<vmem>>
    %dma_wait3A_1033 = arith.constant 0 : i32
    %dma_wait3A_1034 = tpu.memref_slice %arg4[%add3A_1026, %dma_wait3A_1033] : memref<131072x64xf32, #tpu.memory_space<hbm>> -> memref<128x64xf32, #tpu.memory_space<hbm>>
    %dma_wait3A_1035 = tpu.memref_slice %arg8[%dma_wait3A_1028] : memref<8x!tpu.dma_semaphore, #tpu.memory_space<semaphore_mem>> -> memref<1x!tpu.dma_semaphore, #tpu.memory_space<semaphore_mem>>
    %dma_wait3A_1036 = tpu.memref_squeeze %dma_wait3A_1035 : memref<1x!tpu.dma_semaphore, #tpu.memory_space<semaphore_mem>> -> memref<!tpu.dma_semaphore, #tpu.memory_space<semaphore_mem>>
    %dma_wait3A_1037 = arith.constant 0 : i32
    %dma_wait3A_1038 = tpu.memref_slice %arg4[%add3A_1026, %dma_wait3A_1037] : memref<131072x64xf32, #tpu.memory_space<hbm>> -> memref<128x64xf32, #tpu.memory_space<hbm>>
    %dma_wait3A_1039 = arith.constant 0 : i32
    %dma_wait3A_1040 = arith.constant 0 : i32
    %dma_wait3A_1041 = tpu.memref_slice %arg7[%dma_wait3A_1027, %dma_wait3A_1039, %dma_wait3A_1040] : memref<8x128x64xf32, #tpu.memory_space<vmem>> -> memref<1x128x64xf32, #tpu.memory_space<vmem>>
    %dma_wait3A_1042 = tpu.memref_squeeze %dma_wait3A_1041 : memref<1x128x64xf32, #tpu.memory_space<vmem>> -> memref<128x64xf32, #tpu.memory_space<vmem>>
    tpu.wait_dma2 semaphore(%dma_wait3A_1036 : memref<!tpu.dma_semaphore, #tpu.memory_space<semaphore_mem>>) src(%dma_wait3A_1042 : memref<128x64xf32, #tpu.memory_space<vmem>>) dst(%dma_wait3A_1038 : memref<128x64xf32, #tpu.memory_space<hbm>>)
    %add3A_1043 = arith.constant 3968 : i32
    %add3A_1044 = arith.addi %mul3A_2, %add3A_1043 : i32
    %dma_wait3A_1045 = arith.constant 7 : i32
    %dma_wait3A_1046 = arith.constant 7 : i32
    %dma_wait3A_1047 = arith.constant 0 : i32
    %dma_wait3A_1048 = arith.constant 0 : i32
    %dma_wait3A_1049 = tpu.memref_slice %arg7[%dma_wait3A_1045, %dma_wait3A_1047, %dma_wait3A_1048] : memref<8x128x64xf32, #tpu.memory_space<vmem>> -> memref<1x128x64xf32, #tpu.memory_space<vmem>>
    %dma_wait3A_1050 = tpu.memref_squeeze %dma_wait3A_1049 : memref<1x128x64xf32, #tpu.memory_space<vmem>> -> memref<128x64xf32, #tpu.memory_space<vmem>>
    %dma_wait3A_1051 = arith.constant 0 : i32
    %dma_wait3A_1052 = tpu.memref_slice %arg4[%add3A_1044, %dma_wait3A_1051] : memref<131072x64xf32, #tpu.memory_space<hbm>> -> memref<128x64xf32, #tpu.memory_space<hbm>>
    %dma_wait3A_1053 = tpu.memref_slice %arg8[%dma_wait3A_1046] : memref<8x!tpu.dma_semaphore, #tpu.memory_space<semaphore_mem>> -> memref<1x!tpu.dma_semaphore, #tpu.memory_space<semaphore_mem>>
    %dma_wait3A_1054 = tpu.memref_squeeze %dma_wait3A_1053 : memref<1x!tpu.dma_semaphore, #tpu.memory_space<semaphore_mem>> -> memref<!tpu.dma_semaphore, #tpu.memory_space<semaphore_mem>>
    %dma_wait3A_1055 = arith.constant 0 : i32
    %dma_wait3A_1056 = tpu.memref_slice %arg4[%add3A_1044, %dma_wait3A_1055] : memref<131072x64xf32, #tpu.memory_space<hbm>> -> memref<128x64xf32, #tpu.memory_space<hbm>>
    %dma_wait3A_1057 = arith.constant 0 : i32
    %dma_wait3A_1058 = arith.constant 0 : i32
    %dma_wait3A_1059 = tpu.memref_slice %arg7[%dma_wait3A_1045, %dma_wait3A_1057, %dma_wait3A_1058] : memref<8x128x64xf32, #tpu.memory_space<vmem>> -> memref<1x128x64xf32, #tpu.memory_space<vmem>>
    %dma_wait3A_1060 = tpu.memref_squeeze %dma_wait3A_1059 : memref<1x128x64xf32, #tpu.memory_space<vmem>> -> memref<128x64xf32, #tpu.memory_space<vmem>>
    tpu.wait_dma2 semaphore(%dma_wait3A_1054 : memref<!tpu.dma_semaphore, #tpu.memory_space<semaphore_mem>>) src(%dma_wait3A_1060 : memref<128x64xf32, #tpu.memory_space<vmem>>) dst(%dma_wait3A_1056 : memref<128x64xf32, #tpu.memory_space<hbm>>)
    return
  }
}

</mosaic_0001>

<sc_bundles>
// kernel: kernel.3.cloned.1.call-start
scs
__scs_entry_jumppad:
0x0: {  	(pc) =	sbr.rel $0x88, $3  }
0x1: {  	(tag) =	ssettag $0x0;
	lr =	simm.s32 $0x1  }
0x2: {  	[smem:$0x3F9F] =	sst lr;
	_ =	strace $0xD0000000  }
0x3: {  	_ = 	snop  }
0x4: {  	_ = 	snop  }
0x5: {  	_ = 	snop  }
0x6: {  	_ = 	snop  }
0x7: {  	_ = 	snop  }
__scs_overlays_trampoline_lowered:
0x8: {  	[smem:$0x3FAE] =	sst s0  }
0x9: {  	[smem:$0x3FAF] =	sst s1  }
0xa: {  	[smem:$0x3FB0] =	sst s2  }
0xb: {  	[smem:$0x3FB1] =	sst s3  }
0xc: {  	[smem:$0x3FB2] =	sst s4  }
0xd: {  	[smem:$0x3FB3] =	sst s5  }
0xe: {  	[smem:$0x3FB4] =	sst s6  }
0xf: {  	[smem:$0x3FB5] =	sst s7  }
0x10: {  	[smem:$0x3FB6] =	sst s8  }
0x11: {  	[smem:$0x3FB7] =	sst s9;
	s0 =	simm.s32 @!p0 $0x0  }
0x12: {  	s1 =	sld [smem:$0x3F9D];
	s0 =	simm.s32 @p0 $0x1  }
0x13: {  	[smem:$0x3FB8] =	sst s0;
	s0 =	simm.s32 @!p1 $0x0  }
0x14: {  	s2 =	sld [smem:$0x3F9C];
	s0 =	simm.s32 @p1 $0x1  }
0x15: {  	[smem:$0x3FB9] =	sst s0;
	s0 =	simm.s32 @!p2 $0x0  }
0x16: {  	s3 =	sld [smem:$0x3FDB];
	s0 =	simm.s32 @p2 $0x1  }
0x17: {  	s4 =	simm.s32 $0x1BF5;
	[smem:$0x3FBB] =	sst s0  }
0x18: {  	s0 =	sld [smem:$0x3F9E];
	_ =	swait.ge [sflag:s4], $0x0  }
0x19: {  	s7 =	sld [smem:$0x3F9F]  }
0x1a: {  	s8 =	sadd.s32 $0xFFFFE003, lr  }
0x1b: {  	s9 =	sadd.s32 $0xFFFFFEF7, lr;
	s5 =	simm.s32 $0xFFFFFFFF;
	p2 =	slt.u32 s8, $0xFFFFF086  }
0x1c: {  	p1 =	slt.u32 s9, $0xF7A;
	s5 =	simm.s32 @!p2 $0x0  }
0x1d: {  	s5 =	simm.s32 @p1 $0x1;
	p0 =	seq.s32 s7, s2  }
0x1e: {  	s7 =	smul.u32 @!p0 $0xF7A, s2;
	p2 =	seq.s32 @!p0 s5, $0x0  }
0x1f: {  	s9 =	smul.u32 $0xF7A, s1;
	s8 =	simm.s32 @!p0 $0x1BF5;
	p2 =	por !p2, p0  }
0x20: {  	[sflag:s8] =	ssyncset.s32 @!p0 $0xFFFFF086;
	s6 =	sadd.s32 @!p0 s3, s7;
	s7 =	simm.s32 @!p0 $0x108  }
0x21: {  	s3 =	sadd.s32 s3, s9;
	s6 =	sadd.s32 @!p0 $0x88, s6;
	s7 =	simm.s32 @p2 $0x1082  }
0x22: {  	[simem:s7], [sflag:s8] =	dma.local @!p0 [hbm:s6], $0xF7A  }
0x23: {  	s9 =	sor.u32 $0xD0000000, s2;
	s6 =	simm.s32 $0x108;
	_ =	swait.ge @!p0 [sflag:s8], $0x0  }
0x24: {  	s3 =	sadd.s32 $0x88, s3;
	s6 =	simm.s32 @!p1 $0x1082;
	[sflag:s4] =	ssyncset.s32 $0xFFFFF086  }
0x25: {  	[simem:s6], [sflag:s4] =	dma.local [hbm:s3], $0xF7A  }
0x26: {  	[smem:$0x3F9F] =	sst s1;
	(tag) =	ssettag s2;
	_ =	strace s9  }
0x27: {  	s1 =	sld [smem:$0x3FAF]  }
0x28: {  	s2 =	sld [smem:$0x3FB0]  }
0x29: {  	s4 =	sld [smem:$0x3FB2]  }
0x2a: {  	p0 =	seq.s32 s5, $0x0;
	s5 =	sld [smem:$0x3FB3]  }
0x2b: {  	s6 =	sld [smem:$0x3FB4]  }
0x2c: {  	s7 =	sld [smem:$0x3FB5]  }
0x2d: {  	s3 =	simm.s32 $0x108;
	s8 =	sld [smem:$0x3FB6]  }
0x2e: {  	s3 =	simm.s32 @!p0 $0x1082;
	s9 =	sld [smem:$0x3FB7]  }
0x2f: {  	lr =	sadd.s32 s0, s3;
	s0 =	sld [smem:$0x3FAE]  }
0x30: {  	s3 =	sld [smem:$0x3FB1]  }
0x31: {  	[smem:$0x3FBA] =	sst s10  }
0x32: {  	s10 =	sld [smem:$0x3FB8];
	_ =	sdelay $0x3  }
0x33: {  	p0 =	seq.s32 s10, $0x1;
	s10 =	sld [smem:$0x3FBA];
	_ =	sdelay $0x3  }
0x34: {  	[smem:$0x3FBA] =	sst s10  }
0x35: {  	s10 =	sld [smem:$0x3FB9];
	_ =	sdelay $0x3  }
0x36: {  	p1 =	seq.s32 s10, $0x1;
	s10 =	sld [smem:$0x3FBA];
	_ =	sdelay $0x3  }
0x37: {  	[smem:$0x3FBA] =	sst s10  }
0x38: {  	s10 =	sld [smem:$0x3FBB]  }
0x39: {  	_ = 	snop;
	(pc) =	sbr.ind lr, $3  }
0x3a: {  	_ = 	snop  }
0x3b: {  	_ = 	snop  }
0x3c: {  	p2 =	seq.s32 s10, $0x1;
	s10 =	sld [smem:$0x3FBA]  }
0x3d: {  	_ =	shalt  }
0x3e: {  	_ =	shalt  }
0x3f: {  	_ =	shalt  }
0x40: {  	_ =	shalt  }
0x41: {  	_ =	shalt  }
0x42: {  	_ =	shalt  }
0x43: {  	_ =	shalt  }
0x44: {  	_ =	shalt  }
0x45: {  	_ =	shalt  }
0x46: {  	_ =	shalt  }
0x47: {  	_ =	shalt  }
0x48: {  	_ =	shalt  }
0x49: {  	_ =	shalt  }
0x4a: {  	_ =	shalt  }
0x4b: {  	_ =	shalt  }
0x4c: {  	_ =	shalt  }
0x4d: {  	_ =	shalt  }
0x4e: {  	_ =	shalt  }
0x4f: {  	_ =	shalt  }
0x50: {  	_ =	shalt  }
0x51: {  	_ =	shalt  }
0x52: {  	_ =	shalt  }
0x53: {  	_ =	shalt  }
0x54: {  	_ =	shalt  }
0x55: {  	_ =	shalt  }
0x56: {  	_ =	shalt  }
0x57: {  	_ =	shalt  }
0x58: {  	_ =	shalt  }
0x59: {  	_ =	shalt  }
0x5a: {  	_ =	shalt  }
0x5b: {  	_ =	shalt  }
0x5c: {  	_ =	shalt  }
0x5d: {  	_ =	shalt  }
0x5e: {  	_ =	shalt  }
0x5f: {  	_ =	shalt  }
0x60: {  	_ =	shalt  }
0x61: {  	_ =	shalt  }
0x62: {  	_ =	shalt  }
0x63: {  	_ =	shalt  }
0x64: {  	_ =	shalt  }
0x65: {  	_ =	shalt  }
0x66: {  	_ =	shalt  }
0x67: {  	_ =	shalt  }
0x68: {  	_ =	shalt  }
0x69: {  	_ =	shalt  }
0x6a: {  	_ =	shalt  }
0x6b: {  	_ =	shalt  }
0x6c: {  	_ =	shalt  }
0x6d: {  	_ =	shalt  }
0x6e: {  	_ =	shalt  }
0x6f: {  	_ =	shalt  }
0x70: {  	_ =	shalt  }
0x71: {  	_ =	shalt  }
0x72: {  	_ =	shalt  }
0x73: {  	_ =	shalt  }
0x74: {  	_ =	shalt  }
0x75: {  	_ =	shalt  }
0x76: {  	_ =	shalt  }
0x77: {  	_ =	shalt  }
0x78: {  	_ =	shalt  }
0x79: {  	_ =	shalt  }
0x7a: {  	_ =	shalt  }
0x7b: {  	_ =	shalt  }
0x7c: {  	_ =	shalt  }
0x7d: {  	_ =	shalt  }
0x7e: {  	_ =	shalt  }
0x7f: {  	_ =	shalt  }
0x80: {  	_ =	shalt  }
0x81: {  	_ =	shalt  }
0x82: {  	_ =	shalt  }
0x83: {  	_ =	shalt  }
0x84: {  	_ =	shalt  }
0x85: {  	_ =	shalt  }
0x86: {  	_ =	shalt  }
0x87: {  	_ =	shalt  }
.Lfunc_end0:
.L_simem_size_0:
called_computation.1_lowered:
.L_overlay_start_0:
0x88: {  	s2 =	sld [smem:$0x3FD9]  }
0x89: {  	s3 =	sld [smem:$0x3FFE];
	_ =	sdelay $0x1  }
0x8a: {  	s1 =	srdreg.scid  }
0x8b: {  	s0 =	sand.u32 $0x1, s1  }
0x8c: {  	s17 =	sshll.u32 s0, $0xA;
	s2 =	sadd.s32 s3, s2  }
0x8d: {  	s2 =	sadd.s32 s2, s17  }
0x8e: {  	[smem:$0x3FC6] =	sst s2  }
0x8f: {  	_ = 	snop  }
0x90: {  	s2 =	sld [smem:$0x3FC9]  }
0x91: {  	s18 =	sld [smem:$0x3FD0];
	(tm) =	ssettm $0x1  }
0x92: {  	s4 =	sld [smem:$0x3FFB];
	_ =	sdelay $0x3  }
0x93: {  	_ =	strace s4  }
0x94: {  	s4 =	sld [smem:$0x3FFC];
	_ =	sdelay $0x3  }
0x95: {  	_ =	strace s4  }
0x96: {  	s4 =	sld [smem:$0x3FFD];
	_ =	sdelay $0x3  }
0x97: {  	_ =	strace s4  }
0x98: {  	_ =	strace $0x8FFFFFFF  }
0x99: {  	s19 =	sld [smem:$0x3FDB];
	_ =	sdelay $0x1  }
0x9a: {  	s5 =	simm.s32 $_scs_section_size  }
0x9b: {  	s6 =	simm.s32 $_size__tile_overlayer_lowered;
	s7 =	simm.s32 $_tile_overlayer_lowered  }
0x9c: {  	s22 =	simm.s32 $0x1BFF;
	s21 =	sshll.u32 s7, $0x1;
	s4 =	sadd.s32 s5, s19  }
0x9d: {  	s8 =	simm.s32 $0x0;
	s20 =	sshll.u32 s6, $0x1;
	s6 =	sadd.s32 s21, s4  }
0x9e: {  	[timem:s8], [sflag:s22] =	dma.local [hbm:s6], s20  }
0x9f: {  	_ =	swait.ge [sflag:s22], s20  }
0xa0: {  	s5 =	ssub.s32 $0x0, s20;
	[sflag:s22] =	ssyncset.done $0x0  }
0xa1: {  	[sflag:s22] =	ssyncadd.s32 s5;
	_ =	sdelay $0x1  }
0xa2: {  	s23 =	simm.s32 $0x1B8B  }
0xa3: {  	_ =	swait.ge [sflag:s23], $0x1  }
0xa4: {  	[sflag:s23] =	ssyncset.done $0x0  }
0xa5: {  	s25 =	simm.s32 $0x1B8E;
	s24 =	sld [smem:$0x3FFE];
	[sflag:s23] =	ssyncadd.s32 $0xFFFFFFFF  }
0xa6: {  	s26 =	simm.s32 $execute0_lowered;
	[smem:$0x3FD2] =	sst s25  }
0xa7: {  	s6 =	sshll.u32 s26, $0x1;
	_ =	strace $0x80000046;
	[dreg:$0x1] =	wrdreg $0xFFFFFFFF  }
0xa8: {  	s28 =	simm.s32 $_size_execute0_lowered;
	s4 =	sadd.s32 s4, s6;
	[dreg:$0x0] =	wrdreg $0x0  }
0xa9: {  	s6 =	sshll.u32 s28, $0x1;
	[dreg:$0x2] =	wrdreg s4  }
0xaa: {  	[dreg:$0x3] =	wrdreg s6  }
0xab: {  	[dreg:$0x4] =	wrdreg $0xC0  }
0xac: {  	_ =	task [dreg:s8], $0x5FFFF  }
0xad: {  	[dreg:$0x1] =	wrdreg $0xFFFFFFFF  }
0xae: {  	[dreg:$0x0] =	wrdreg $0x60  }
0xaf: {  	[dreg:$0x2] =	wrdreg s2  }
0xb0: {  	[dreg:$0x3] =	wrdreg s24  }
0xb1: {  	[dreg:$0x4] =	wrdreg s18  }
0xb2: {  	[dreg:$0x5] =	wrdreg $0x9  }
0xb3: {  	_ =	task.clear_ibuf [dreg:s8], $0x6FFFF;
	_ =	strace $0x90000046  }
0xb4: {  	s29 =	simm.s32 $0x9;
	_ =	strace $0x80000048  }
0xb5: {  	_ =	swait.ge [sflag:s29], $0x1  }
0xb6: {  	[sflag:s29] =	ssyncadd.s32 $0xFFFFFFFF  }
0xb7: {  	_ =	strace $0x90000048  }
0xb8: {  	_ =	sfence  }
0xb9: {  	s30 =	sld [smem:$0x0];
	_ =	sdelay $0x2  }
0xba: {  	s31 =	sshll.u32 s1, $0xD;
	s1 =	sshrl.u32 s1, $0x2  }
0xbb: {  	s3 =	sand.u32 $0x4000, s31;
	s1 =	sadd.s32 s1, s30  }
0xbc: {  	s0 =	sor.u32 s3, s0;
	s1 =	sshll.u32 s1, $0x11  }
0xbd: {  	s0 =	sor.u32 s1, s0  }
0xbe: {  	s0 =	sadd.s32 $0x8F2B, s0  }
0xbf: {  	[sflag:s0] =	ssyncadd.remote.s32 $0x1  }
0xc0: {  	_ =	sfence.sel $0xFFFF  }
0xc1: {  	[dreg:$0x0] =	wrdreg $0xFFFFFFFF;
	(pc) =	sbr.abs _section_cstart, $3  }
0xc2: {  	[dreg:$0x1] =	wrdreg $0xFFFFFFFF  }
0xc3: {  	_ =	task.clear_ibuf [dreg:s8], $0x2FFFF;
	_ =	strace $0x9FFFFFFF  }
0xc4: {  	(tm) =	ssettm $0x7FFFFFFF  }
0xc5: {  	_ =	shalt  }
tec
execute0_lowered:
.L_overlay_start_1:
0x0: {  	(tag) =	ssettag $0x1  }
0x1: {  	s0 =	rddreg [dreg:$0x0]  }
0x2: {  	s1 =	rddreg [dreg:$0x1]  }
0x3: {  	s2 =	rddreg [dreg:$0x2];
	s4 =	srdreg.scid  }
0x4: {  	s3 =	simm.s32 $0x0;
	s5 =	stileid.u32;
	s6 =	sand.u32 $0x1, s4  }
0x5: {  	[smem:$0x7FF] =	sst s3;
	s23 =	sshll.u32 s5, $0xD;
	s24 =	sshll.u32 s6, $0xC  }
0x6: {  	s5 =	sadd.s32 $0xF42C00, s1;
	s25 =	ssub.s32 $0x2, s6;
	s4 =	sor.u32 s24, s23  }
0x7: {  	_ =	strace $0x80000047;
	s7 =	sshrl.u32 s25, $0x1;
	s15 =	sor.u32 $0x500, s4  }
0x8: {  	s8 =	sshrl.u32 s4, $0x3;
	s16 =	sor.u32 $0x580, s4;
	[dreg:$0xd] =	wrdreg s15  }
0x9: {  	s1 =	ssub.s32 s25, s7;
	s0 =	sadd.s32 s0, s8;
	[dreg:$0xe] =	wrdreg s16  }
0xa: {  	s26 =	sshll.u32 s4, $0x3;
	s24 =	smax.u32 s1, $0x1;
	[dreg:$0x5] =	wrdreg s0  }
0xb: {  	s6 =	sadd.s32 s2, s26;
	[dreg:$0x15] =	wrdreg s24  }
0xc: {  	s8 =	sadd.s32 $0x400, s6;
	[dreg:$0x4] =	wrdreg s6  }
0xd: {  	s9 =	sadd.s32 $0x800, s6;
	[dreg:$0x6] =	wrdreg s8  }
0xe: {  	s10 =	sadd.s32 $0xC00, s6;
	[dreg:$0x7] =	wrdreg s9  }
0xf: {  	s11 =	sadd.s32 $0x1000, s6;
	[dreg:$0x8] =	wrdreg s10  }
0x10: {  	s12 =	sadd.s32 $0x1400, s6;
	[dreg:$0x9] =	wrdreg s11  }
0x11: {  	s13 =	sadd.s32 $0x1800, s6;
	[dreg:$0xa] =	wrdreg s12  }
0x12: {  	s30 =	simm.s32 $0x80;
	s14 =	sadd.s32 $0x1C00, s6;
	[dreg:$0xb] =	wrdreg s13  }
0x13: {  	s28 =	simm.s32 $0xC;
	s17 =	sadd.s32 $0x6000, s6;
	[dreg:$0xc] =	wrdreg s14  }
0x14: {  	s29 =	simm.s32 $0xE;
	s19 =	sadd.s32 $0x6400, s6;
	[dreg:$0xf] =	wrdreg s17  }
0x15: {  	s18 =	sor.u32 $0x400, s4;
	s20 =	sadd.s32 $0x6800, s6;
	[dreg:$0x10] =	wrdreg s19  }
0x16: {  	s31 =	sor.u32 $0x480, s4;
	s21 =	sadd.s32 $0x6C00, s6;
	[dreg:$0x11] =	wrdreg s20  }
0x17: {  	s15 =	simm.s32 $0x10;
	s22 =	sadd.s32 $0x7000, s6;
	[dreg:$0x12] =	wrdreg s21  }
0x18: {  	s1 =	simm.s32 $0x0;
	s23 =	sadd.s32 $0x7400, s6;
	[dreg:$0x13] =	wrdreg s22  }
0x19: {  	s25 =	sadd.s32 $0x7800, s6;
	s26 =	sadd.s32 $0x7C00, s6;
	[dreg:$0x14] =	wrdreg s23  }
0x1a: {  	s24 =	simm.s32 $0x7;
	s6 =	simm.s32 $0xD;
	[dreg:$0x16] =	wrdreg s25  }
0x1b: {  	[dreg:$0x17] =	wrdreg s26;
	s11 =	simm.s32 $0x1;
	s25 =	simm.s32 $0xB  }
0x1c: {  	s26 =	simm.s32 $0x8;
	s8 =	simm.s32 $0xF;
	s20 =	simm.s32 $0xB000  }
0x1d: {  	s21 =	simm.s32 $0xD000;
	s22 =	simm.s32 $0xF000;
	s23 =	simm.s32 $0x5  }
.LBB2_1:
0x1e: {  	[dreg:$0x18] =	wrdreg s1  }
0x1f: {  	s0 =	rddreg [dreg:$0x5];
	s12 =	simm.s32 $0x11  }
0x20: {  	[tilespmem:s3], [sflag:$0x11] =	stream.linear.gather [hbm4b:s0+s3], $0x1000, $0x38;
	[tilespmem:$0x11000] =	vst v63  }
0x21: {  	_ =	swait.ge [sflag:s12], $0x1000  }
0x22: {  	[sflag:s12] =	ssyncset.done $0x0  }
0x23: {  	s1 =	simm.s32 $0x1000;
	[sflag:s12] =	ssyncadd.s32 $0xFFFFF000  }
0x24: {  	[tilespmem:s1], [sflag:$0x1] =	stream.indirect.gather [hbm4b:s5+s30], $0x40, s3, s30, $0xb8;
	[tilespmem:$0x11000] =	vst v63  }
0x25: {  	s7 =	simm.s32 $0x3000  }
0x26: {  	[tilespmem:s7], [sflag:$0x2] =	stream.indirect.gather [hbm4b:s5+s30], $0x40, s30, s30, $0xb8;
	[tilespmem:$0x11000] =	vst v63  }
0x27: {  	s13 =	simm.s32 $0x100;
	s9 =	simm.s32 $0x5000  }
0x28: {  	[tilespmem:s9], [sflag:$0x3] =	stream.indirect.gather [hbm4b:s5+s30], $0x40, s13, s30, $0xb8;
	[tilespmem:$0x11000] =	vst v63  }
0x29: {  	s14 =	simm.s32 $0x180;
	s10 =	simm.s32 $0x7000  }
0x2a: {  	[tilespmem:s10], [sflag:$0x4] =	stream.indirect.gather [hbm4b:s5+s30], $0x40, s14, s30, $0xb8;
	[tilespmem:$0x11000] =	vst v63  }
0x2b: {  	_ =	swait.ge [sflag:s11], $0x2000  }
0x2c: {  	[sflag:s11] =	ssyncset.done $0x0  }
0x2d: {  	s16 =	rddreg [dreg:$0x4];
	[sflag:s11] =	ssyncadd.s32 $0xFFFFE000  }
0x2e: {  	[hbm4b:s16+s3] =	stream.linear.scatter [tilespmem:s1], [sflag:$0x9], $0x2000, $0x38;
	[tilespmem:$0x11000] =	vst v63  }
0x2f: {  	s17 =	simm.s32 $0x200;
	s19 =	simm.s32 $0x2;
	s11 =	simm.s32 $0x9000  }
0x30: {  	[tilespmem:s11], [sflag:$0x5] =	stream.indirect.gather [hbm4b:s5+s30], $0x40, s17, s30, $0xb8;
	[tilespmem:$0x11000] =	vst v63  }
0x31: {  	_ =	swait.ge [sflag:s19], $0x2000  }
0x32: {  	[sflag:s19] =	ssyncset.done $0x0  }
0x33: {  	s12 =	rddreg [dreg:$0x6];
	[sflag:s19] =	ssyncadd.s32 $0xFFFFE000  }
0x34: {  	[hbm4b:s12+s3] =	stream.linear.scatter [tilespmem:s7], [sflag:$0xA], $0x2000, $0x38;
	[tilespmem:$0x11000] =	vst v63  }
0x35: {  	s13 =	simm.s32 $0x280;
	s14 =	simm.s32 $0x3;
	s12 =	simm.s32 $0xB000  }
0x36: {  	[tilespmem:s12], [sflag:$0x6] =	stream.indirect.gather [hbm4b:s5+s30], $0x40, s13, s30, $0xb8;
	[tilespmem:$0x11000] =	vst v63  }
0x37: {  	_ =	swait.ge [sflag:s14], $0x2000  }
0x38: {  	[sflag:s14] =	ssyncset.done $0x0  }
0x39: {  	s16 =	rddreg [dreg:$0x7];
	[sflag:s14] =	ssyncadd.s32 $0xFFFFE000  }
0x3a: {  	[hbm4b:s16+s3] =	stream.linear.scatter [tilespmem:s9], [sflag:$0xB], $0x2000, $0x38;
	[tilespmem:$0x11000] =	vst v63  }
0x3b: {  	s17 =	simm.s32 $0x300;
	s19 =	simm.s32 $0x4;
	s13 =	simm.s32 $0xD000  }
0x3c: {  	[tilespmem:s13], [sflag:$0x7] =	stream.indirect.gather [hbm4b:s5+s30], $0x40, s17, s30, $0xb8;
	[tilespmem:$0x11000] =	vst v63  }
0x3d: {  	_ =	swait.ge [sflag:s19], $0x2000  }
0x3e: {  	[sflag:s19] =	ssyncset.done $0x0  }
0x3f: {  	s14 =	rddreg [dreg:$0x8];
	[sflag:s19] =	ssyncadd.s32 $0xFFFFE000  }
0x40: {  	[hbm4b:s14+s3] =	stream.linear.scatter [tilespmem:s10], [sflag:$0xC], $0x2000, $0x38;
	[tilespmem:$0x11000] =	vst v63  }
0x41: {  	s16 =	simm.s32 $0x380;
	s17 =	simm.s32 $0x5;
	s14 =	simm.s32 $0xF000  }
0x42: {  	[tilespmem:s14], [sflag:$0x8] =	stream.indirect.gather [hbm4b:s5+s30], $0x40, s16, s30, $0xb8;
	[tilespmem:$0x11000] =	vst v63  }
0x43: {  	_ =	swait.ge [sflag:s17], $0x2000  }
0x44: {  	[sflag:s17] =	ssyncset.done $0x0  }
0x45: {  	s19 =	rddreg [dreg:$0x9];
	[sflag:s17] =	ssyncadd.s32 $0xFFFFE000  }
0x46: {  	[hbm4b:s19+s3] =	stream.linear.scatter [tilespmem:s11], [sflag:$0xD], $0x2000, $0x38;
	[tilespmem:$0x11000] =	vst v63  }
0x47: {  	s11 =	simm.s32 $0x9  }
0x48: {  	_ =	swait.ge [sflag:s11], $0x2000  }
0x49: {  	[sflag:s11] =	ssyncset.done $0x0  }
0x4a: {  	s16 =	simm.s32 $0x400;
	s17 =	simm.s32 $0x6;
	[sflag:s11] =	ssyncadd.s32 $0xFFFFE000  }
0x4b: {  	[tilespmem:s1], [sflag:$0x1] =	stream.indirect.gather [hbm4b:s5+s30], $0x40, s16, s30, $0xb8;
	[tilespmem:$0x11000] =	vst v63  }
0x4c: {  	_ =	swait.ge [sflag:s17], $0x2000  }
0x4d: {  	[sflag:s17] =	ssyncset.done $0x0  }
0x4e: {  	s1 =	simm.s32 $0xA;
	s19 =	rddreg [dreg:$0xa];
	[sflag:s17] =	ssyncadd.s32 $0xFFFFE000  }
0x4f: {  	[hbm4b:s19+s3] =	stream.linear.scatter [tilespmem:s12], [sflag:$0xE], $0x2000, $0x38;
	[tilespmem:$0x11000] =	vst v63  }
0x50: {  	_ =	swait.ge [sflag:s1], $0x2000  }
0x51: {  	[sflag:s1] =	ssyncset.done $0x0  }
0x52: {  	s11 =	simm.s32 $0x480;
	[sflag:s1] =	ssyncadd.s32 $0xFFFFE000  }
0x53: {  	[tilespmem:s7], [sflag:$0x2] =	stream.indirect.gather [hbm4b:s5+s30], $0x40, s11, s30, $0xb8;
	[tilespmem:$0x11000] =	vst v63  }
0x54: {  	_ =	swait.ge [sflag:s24], $0x2000  }
0x55: {  	[sflag:s24] =	ssyncset.done $0x0  }
0x56: {  	s12 =	rddreg [dreg:$0xb];
	[sflag:s24] =	ssyncadd.s32 $0xFFFFE000  }
0x57: {  	[hbm4b:s12+s3] =	stream.linear.scatter [tilespmem:s13], [sflag:$0xF], $0x2000, $0x38;
	[tilespmem:$0x11000] =	vst v63  }
0x58: {  	_ =	swait.ge [sflag:s25], $0x2000  }
0x59: {  	[sflag:s25] =	ssyncset.done $0x0  }
0x5a: {  	s16 =	simm.s32 $0x500;
	[sflag:s25] =	ssyncadd.s32 $0xFFFFE000  }
0x5b: {  	[tilespmem:s9], [sflag:$0x3] =	stream.indirect.gather [hbm4b:s5+s30], $0x40, s16, s30, $0xb8;
	[tilespmem:$0x11000] =	vst v63  }
0x5c: {  	_ =	swait.ge [sflag:s26], $0x2000  }
0x5d: {  	[sflag:s26] =	ssyncset.done $0x0  }
0x5e: {  	s17 =	rddreg [dreg:$0xc];
	[sflag:s26] =	ssyncadd.s32 $0xFFFFE000  }
0x5f: {  	[hbm4b:s17+s3] =	stream.linear.scatter [tilespmem:s14], [sflag:$0x10], $0x2000, $0x38;
	[tilespmem:$0x11000] =	vst v63  }
0x60: {  	p0 =	por $0x1, $0x1;
	_ =	swait.ge [sflag:s28], $0x2000  }
0x61: {  	s19 =	simm.s32 $0x580;
	[sflag:s28] =	ssyncset.done $0x0;
	s9 =	rddreg [dreg:$0xd]  }
0x62: {  	s16 =	simm.s32 $0x0;
	s11 =	rddreg [dreg:$0xe];
	[sflag:s28] =	ssyncadd.s32 $0xFFFFE000  }
0x63: {  	[tilespmem:s10], [sflag:$0x4] =	stream.indirect.gather [hbm4b:s5+s30], $0x40, s19, s30, $0xb8;
	[tilespmem:$0x11000] =	vst v63  }
.LBB2_2:
0x64: {  	s17 =	simm.s32 $0x1;
	s16 =	sshll.u32 s16, $0xA  }
0x65: {  	_ =	swait.ge [sflag:s17], $0x2000;
	s7 =	sadd.s32 s18, s16  }
0x66: {  	s1 =	smov.u32 s18;
	[sflag:s17] =	ssyncset.done $0x0;
	s18 =	sshll.u32 s7, $0x3  }
0x67: {  	s19 =	simm.s32 $0x1000;
	[sflag:s17] =	ssyncadd.s32 $0xFFFFE000;
	s10 =	sadd.s32 s2, s18  }
0x68: {  	[hbm4b:s10+s3] =	stream.linear.scatter [tilespmem:s19], [sflag:$0x9], $0x2000, $0x38;
	[tilespmem:$0x11000] =	vst v63  }
0x69: {  	_ =	swait.ge [sflag:s6], $0x2000  }
0x6a: {  	s13 =	simm.s32 $0x9000;
	[sflag:s6] =	ssyncset.done $0x0  }
0x6b: {  	s0 =	simm.s32 $0x2;
	s17 =	sadd.s32 $0x600, s16;
	[sflag:s6] =	ssyncadd.s32 $0xFFFFE000  }
0x6c: {  	[tilespmem:s13], [sflag:$0x5] =	stream.indirect.gather [hbm4b:s5+s30], $0x40, s17, s30, $0xb8;
	[tilespmem:$0x11000] =	vst v63  }
0x6d: {  	s12 =	sadd.s32 s31, s16;
	_ =	swait.ge [sflag:s0], $0x2000  }
0x6e: {  	s18 =	sshll.u32 s12, $0x3;
	[sflag:s0] =	ssyncset.done $0x0  }
0x6f: {  	s18 =	sadd.s32 s2, s18;
	s10 =	simm.s32 $0x3000;
	[sflag:s0] =	ssyncadd.s32 $0xFFFFE000  }
0x70: {  	[hbm4b:s18+s3] =	stream.linear.scatter [tilespmem:s10], [sflag:$0xA], $0x2000, $0x38;
	[tilespmem:$0x11000] =	vst v63  }
0x71: {  	_ =	swait.ge [sflag:s29], $0x2000  }
0x72: {  	[sflag:s29] =	ssyncset.done $0x0  }
0x73: {  	s14 =	simm.s32 $0x3;
	s18 =	sadd.s32 $0x680, s16;
	[sflag:s29] =	ssyncadd.s32 $0xFFFFE000  }
0x74: {  	[tilespmem:s20], [sflag:$0x6] =	stream.indirect.gather [hbm4b:s5+s30], $0x40, s18, s30, $0xb8;
	[tilespmem:$0x11000] =	vst v63  }
0x75: {  	s7 =	smov.u32 s31;
	s31 =	sadd.s32 s9, s16;
	_ =	swait.ge [sflag:s14], $0x2000  }
0x76: {  	s31 =	sshll.u32 s31, $0x3;
	[sflag:s14] =	ssyncset.done $0x0  }
0x77: {  	s12 =	simm.s32 $0x5000;
	s31 =	sadd.s32 s2, s31;
	[sflag:s14] =	ssyncadd.s32 $0xFFFFE000  }
0x78: {  	[hbm4b:s31+s3] =	stream.linear.scatter [tilespmem:s12], [sflag:$0xB], $0x2000, $0x38;
	[tilespmem:$0x11000] =	vst v63  }
0x79: {  	_ =	swait.ge [sflag:s8], $0x2000  }
0x7a: {  	[sflag:s8] =	ssyncset.done $0x0  }
0x7b: {  	s14 =	simm.s32 $0x4;
	s31 =	sadd.s32 $0x700, s16;
	[sflag:s8] =	ssyncadd.s32 $0xFFFFE000  }
0x7c: {  	[tilespmem:s21], [sflag:$0x7] =	stream.indirect.gather [hbm4b:s5+s30], $0x40, s31, s30, $0xb8;
	[tilespmem:$0x11000] =	vst v63  }
0x7d: {  	s0 =	sadd.s32 s11, s16;
	_ =	swait.ge [sflag:s14], $0x2000  }
0x7e: {  	s0 =	sshll.u32 s0, $0x3;
	[sflag:s14] =	ssyncset.done $0x0  }
0x7f: {  	s0 =	sadd.s32 s2, s0;
	[sflag:s14] =	ssyncadd.s32 $0xFFFFE000;
	s14 =	simm.s32 $0x7000  }
0x80: {  	[hbm4b:s0+s3] =	stream.linear.scatter [tilespmem:s14], [sflag:$0xC], $0x2000, $0x38;
	[tilespmem:$0x11000] =	vst v63  }
0x81: {  	_ =	swait.ge [sflag:s15], $0x2000  }
0x82: {  	[sflag:s15] =	ssyncset.done $0x0  }
0x83: {  	s0 =	sadd.s32 $0x780, s16;
	[sflag:s15] =	ssyncadd.s32 $0xFFFFE000  }
0x84: {  	[tilespmem:s22], [sflag:$0x8] =	stream.indirect.gather [hbm4b:s5+s30], $0x40, s0, s30, $0xb8;
	[tilespmem:$0x11000] =	vst v63  }
0x85: {  	s17 =	sor.u32 s4, s17;
	_ =	swait.ge [sflag:s23], $0x2000  }
0x86: {  	s17 =	sshll.u32 s17, $0x3;
	[sflag:s23] =	ssyncset.done $0x0  }
0x87: {  	s17 =	sadd.s32 s2, s17;
	[sflag:s23] =	ssyncadd.s32 $0xFFFFE000  }
0x88: {  	[hbm4b:s17+s3] =	stream.linear.scatter [tilespmem:s13], [sflag:$0xD], $0x2000, $0x38;
	[tilespmem:$0x11000] =	vst v63  }
0x89: {  	s17 =	simm.s32 $0x9  }
0x8a: {  	_ =	swait.ge [sflag:s17], $0x2000  }
0x8b: {  	s16 =	sand.u32 $0x3FFFFC00, s16;
	[sflag:s17] =	ssyncset.done $0x0  }
0x8c: {  	[sflag:s17] =	ssyncadd.s32 $0xFFFFE000;
	s17 =	sadd.s32 $0x800, s16  }
0x8d: {  	[tilespmem:s19], [sflag:$0x1] =	stream.indirect.gather [hbm4b:s5+s30], $0x40, s17, s30, $0xb8;
	[tilespmem:$0x11000] =	vst v63  }
0x8e: {  	s19 =	simm.s32 $0x6  }
0x8f: {  	s17 =	sor.u32 s4, s18;
	_ =	swait.ge [sflag:s19], $0x2000  }
0x90: {  	s17 =	sshll.u32 s17, $0x3;
	[sflag:s19] =	ssyncset.done $0x0  }
0x91: {  	s17 =	sadd.s32 s2, s17;
	[sflag:s19] =	ssyncadd.s32 $0xFFFFE000  }
0x92: {  	[hbm4b:s17+s3] =	stream.linear.scatter [tilespmem:s20], [sflag:$0xE], $0x2000, $0x38;
	[tilespmem:$0x11000] =	vst v63  }
0x93: {  	s17 =	simm.s32 $0xA  }
0x94: {  	_ =	swait.ge [sflag:s17], $0x2000  }
0x95: {  	[sflag:s17] =	ssyncset.done $0x0  }
0x96: {  	s19 =	sadd.s32 $0x880, s16;
	[sflag:s17] =	ssyncadd.s32 $0xFFFFE000  }
0x97: {  	[tilespmem:s10], [sflag:$0x2] =	stream.indirect.gather [hbm4b:s5+s30], $0x40, s19, s30, $0xb8;
	[tilespmem:$0x11000] =	vst v63  }
0x98: {  	s19 =	sor.u32 s4, s31;
	_ =	swait.ge [sflag:s24], $0x2000  }
0x99: {  	s17 =	sshll.u32 s19, $0x3;
	[sflag:s24] =	ssyncset.done $0x0  }
0x9a: {  	s17 =	sadd.s32 s2, s17;
	[sflag:s24] =	ssyncadd.s32 $0xFFFFE000  }
0x9b: {  	[hbm4b:s17+s3] =	stream.linear.scatter [tilespmem:s21], [sflag:$0xF], $0x2000, $0x38;
	[tilespmem:$0x11000] =	vst v63  }
0x9c: {  	_ =	swait.ge [sflag:s25], $0x2000  }
0x9d: {  	[sflag:s25] =	ssyncset.done $0x0  }
0x9e: {  	s10 =	sadd.s32 $0x900, s16;
	[sflag:s25] =	ssyncadd.s32 $0xFFFFE000  }
0x9f: {  	[tilespmem:s12], [sflag:$0x3] =	stream.indirect.gather [hbm4b:s5+s30], $0x40, s10, s30, $0xb8;
	[tilespmem:$0x11000] =	vst v63  }
0xa0: {  	s0 =	sor.u32 s4, s0;
	_ =	swait.ge [sflag:s26], $0x2000  }
0xa1: {  	p1 =	por p0, p0;
	s0 =	sshll.u32 s0, $0x3;
	[sflag:s26] =	ssyncset.done $0x0  }
0xa2: {  	p0 =	por $0x0, $0x0;
	s0 =	sadd.s32 s2, s0;
	[sflag:s26] =	ssyncadd.s32 $0xFFFFE000  }
0xa3: {  	[hbm4b:s0+s3] =	stream.linear.scatter [tilespmem:s22], [sflag:$0x10], $0x2000, $0x38;
	[tilespmem:$0x11000] =	vst v63  }
.Ltmp0:
0xa4: {  	s13 =	simm.s32 $0x1000;
	s18 =	smov.u32 s1;
	(pc) =	sbr.rel @p1 .LBB2_2-.Ltmp0, $4  }
0xa5: {  	s1 =	simm.s32 $0x3000;
	s31 =	smov.u32 s7;
	_ =	swait.ge [sflag:s28], $0x2000  }
0xa6: {  	s7 =	simm.s32 $0x5000;
	s19 =	sadd.s32 $0x980, s16;
	[sflag:s28] =	ssyncset.done $0x0  }
0xa7: {  	s16 =	simm.s32 $0x1;
	s10 =	simm.s32 $0x7000;
	[sflag:s28] =	ssyncadd.s32 $0xFFFFE000  }
0xa8: {  	[tilespmem:s14], [sflag:$0x4] =	stream.indirect.gather [hbm4b:s5+s30], $0x40, s19, s30, $0xb8;
	[tilespmem:$0x11000] =	vst v63  }
0xa9: {  	s11 =	simm.s32 $0x1  }
0xaa: {  	_ =	swait.ge [sflag:s11], $0x2000  }
0xab: {  	[sflag:s11] =	ssyncset.done $0x0  }
0xac: {  	s0 =	rddreg [dreg:$0xf];
	[sflag:s11] =	ssyncadd.s32 $0xFFFFE000  }
0xad: {  	[hbm4b:s0+s3] =	stream.linear.scatter [tilespmem:s13], [sflag:$0x9], $0x2000, $0x38;
	[tilespmem:$0x11000] =	vst v63  }
0xae: {  	_ =	swait.ge [sflag:s6], $0x2000  }
0xaf: {  	s9 =	simm.s32 $0x9000;
	[sflag:s6] =	ssyncset.done $0x0  }
0xb0: {  	s19 =	simm.s32 $0xE00;
	s12 =	simm.s32 $0x2;
	[sflag:s6] =	ssyncadd.s32 $0xFFFFE000  }
0xb1: {  	[tilespmem:s9], [sflag:$0x5] =	stream.indirect.gather [hbm4b:s5+s30], $0x40, s19, s30, $0xb8;
	[tilespmem:$0x11000] =	vst v63  }
0xb2: {  	_ =	swait.ge [sflag:s12], $0x2000  }
0xb3: {  	[sflag:s12] =	ssyncset.done $0x0  }
0xb4: {  	s13 =	rddreg [dreg:$0x10];
	[sflag:s12] =	ssyncadd.s32 $0xFFFFE000  }
0xb5: {  	[hbm4b:s13+s3] =	stream.linear.scatter [tilespmem:s1], [sflag:$0xA], $0x2000, $0x38;
	[tilespmem:$0x11000] =	vst v63  }
0xb6: {  	_ =	swait.ge [sflag:s29], $0x2000  }
0xb7: {  	s14 =	simm.s32 $0xE80;
	[sflag:s29] =	ssyncset.done $0x0  }
0xb8: {  	s16 =	simm.s32 $0x3;
	s1 =	simm.s32 $0xB000;
	[sflag:s29] =	ssyncadd.s32 $0xFFFFE000  }
0xb9: {  	[tilespmem:s1], [sflag:$0x6] =	stream.indirect.gather [hbm4b:s5+s30], $0x40, s14, s30, $0xb8;
	[tilespmem:$0x11000] =	vst v63  }
0xba: {  	_ =	swait.ge [sflag:s16], $0x2000  }
0xbb: {  	[sflag:s16] =	ssyncset.done $0x0  }
0xbc: {  	s17 =	rddreg [dreg:$0x11];
	[sflag:s16] =	ssyncadd.s32 $0xFFFFE000  }
0xbd: {  	[hbm4b:s17+s3] =	stream.linear.scatter [tilespmem:s7], [sflag:$0xB], $0x2000, $0x38;
	[tilespmem:$0x11000] =	vst v63  }
0xbe: {  	_ =	swait.ge [sflag:s8], $0x2000  }
0xbf: {  	s19 =	simm.s32 $0xF00;
	[sflag:s8] =	ssyncset.done $0x0  }
0xc0: {  	s12 =	simm.s32 $0x4;
	s7 =	simm.s32 $0xD000;
	[sflag:s8] =	ssyncadd.s32 $0xFFFFE000  }
0xc1: {  	[tilespmem:s7], [sflag:$0x7] =	stream.indirect.gather [hbm4b:s5+s30], $0x40, s19, s30, $0xb8;
	[tilespmem:$0x11000] =	vst v63  }
0xc2: {  	_ =	swait.ge [sflag:s12], $0x2000  }
0xc3: {  	[sflag:s12] =	ssyncset.done $0x0  }
0xc4: {  	s13 =	rddreg [dreg:$0x12];
	[sflag:s12] =	ssyncadd.s32 $0xFFFFE000  }
0xc5: {  	[hbm4b:s13+s3] =	stream.linear.scatter [tilespmem:s10], [sflag:$0xC], $0x2000, $0x38;
	[tilespmem:$0x11000] =	vst v63  }
0xc6: {  	_ =	swait.ge [sflag:s15], $0x2000  }
0xc7: {  	s14 =	simm.s32 $0xF80;
	[sflag:s15] =	ssyncset.done $0x0  }
0xc8: {  	s16 =	simm.s32 $0x5;
	s10 =	simm.s32 $0xF000;
	[sflag:s15] =	ssyncadd.s32 $0xFFFFE000  }
0xc9: {  	[tilespmem:s10], [sflag:$0x8] =	stream.indirect.gather [hbm4b:s5+s30], $0x40, s14, s30, $0xb8;
	[tilespmem:$0x11000] =	vst v63  }
0xca: {  	_ =	swait.ge [sflag:s16], $0x2000  }
0xcb: {  	[sflag:s16] =	ssyncset.done $0x0  }
0xcc: {  	s19 =	simm.s32 $0x6;
	s17 =	rddreg [dreg:$0x13];
	[sflag:s16] =	ssyncadd.s32 $0xFFFFE000  }
0xcd: {  	[hbm4b:s17+s3] =	stream.linear.scatter [tilespmem:s9], [sflag:$0xD], $0x2000, $0x38;
	[tilespmem:$0x11000] =	vst v63  }
0xce: {  	_ =	swait.ge [sflag:s19], $0x2000  }
0xcf: {  	[sflag:s19] =	ssyncset.done $0x0  }
0xd0: {  	s9 =	rddreg [dreg:$0x14];
	[sflag:s19] =	ssyncadd.s32 $0xFFFFE000  }
0xd1: {  	[hbm4b:s9+s3] =	stream.linear.scatter [tilespmem:s1], [sflag:$0xE], $0x2000, $0x38;
	[tilespmem:$0x11000] =	vst v63  }
0xd2: {  	_ =	swait.ge [sflag:s24], $0x2000  }
0xd3: {  	[sflag:s24] =	ssyncset.done $0x0  }
0xd4: {  	s12 =	rddreg [dreg:$0x16];
	[sflag:s24] =	ssyncadd.s32 $0xFFFFE000  }
0xd5: {  	[hbm4b:s12+s3] =	stream.linear.scatter [tilespmem:s7], [sflag:$0xF], $0x2000, $0x38;
	[tilespmem:$0x11000] =	vst v63  }
0xd6: {  	_ =	swait.ge [sflag:s26], $0x2000  }
0xd7: {  	[sflag:s26] =	ssyncset.done $0x0  }
0xd8: {  	s14 =	simm.s32 $0x9;
	s13 =	rddreg [dreg:$0x17];
	[sflag:s26] =	ssyncadd.s32 $0xFFFFE000  }
0xd9: {  	[hbm4b:s13+s3] =	stream.linear.scatter [tilespmem:s10], [sflag:$0x10], $0x2000, $0x38;
	[tilespmem:$0x11000] =	vst v63  }
0xda: {  	_ =	swait.ge [sflag:s14], $0x2000  }
0xdb: {  	[sflag:s14] =	ssyncset.done $0x0  }
0xdc: {  	s16 =	simm.s32 $0xA;
	[sflag:s14] =	ssyncadd.s32 $0xFFFFE000  }
0xdd: {  	_ =	swait.ge [sflag:s16], $0x2000  }
0xde: {  	[sflag:s16] =	ssyncset.done $0x0  }
0xdf: {  	[sflag:s16] =	ssyncadd.s32 $0xFFFFE000  }
0xe0: {  	_ =	swait.ge [sflag:s25], $0x2000  }
0xe1: {  	[sflag:s25] =	ssyncset.done $0x0  }
0xe2: {  	[sflag:s25] =	ssyncadd.s32 $0xFFFFE000  }
0xe3: {  	_ =	swait.ge [sflag:s28], $0x2000  }
0xe4: {  	[sflag:s28] =	ssyncset.done $0x0  }
0xe5: {  	[sflag:s28] =	ssyncadd.s32 $0xFFFFE000  }
0xe6: {  	_ =	swait.ge [sflag:s6], $0x2000  }
0xe7: {  	[sflag:s6] =	ssyncset.done $0x0  }
0xe8: {  	[sflag:s6] =	ssyncadd.s32 $0xFFFFE000  }
0xe9: {  	_ =	swait.ge [sflag:s29], $0x2000  }
0xea: {  	[sflag:s29] =	ssyncset.done $0x0  }
0xeb: {  	[sflag:s29] =	ssyncadd.s32 $0xFFFFE000  }
0xec: {  	_ =	swait.ge [sflag:s8], $0x2000  }
0xed: {  	[sflag:s8] =	ssyncset.done $0x0  }
0xee: {  	[sflag:s8] =	ssyncadd.s32 $0xFFFFE000  }
0xef: {  	_ =	swait.ge [sflag:s15], $0x2000  }
0xf0: {  	s17 =	rddreg [dreg:$0x18]  }
0xf1: {  	s19 =	rddreg [dreg:$0x15];
	s1 =	sadd.s32 $0x1, s17  }
0xf2: {  	p0 =	sne.s32 s1, s19  }
.Ltmp1:
0xf3: {  	_ = 	snop;
	(pc) =	sbr.rel @p0 .LBB2_1-.Ltmp1, $3  }
0xf4: {  	_ =	sdelay $0x1  }
0xf5: {  	[sflag:s15] =	ssyncset.done $0x0  }
0xf6: {  	[sflag:s15] =	ssyncadd.s32 $0xFFFFE000  }
0xf7: {  	_ =	sfence.sel $0x180000  }
0xf8: {  	[bflag:$0x0] =	sbarrier.arrive $0xFFFF  }
0xf9: {  	_ =	strace $0x90000047  }
0xfa: {  	s0 =	stileid.u32;
	[bflag:$0x2] =	sbarrier.arrive $0xFFFF  }
0xfb: {  	p0 =	sne.s32 s0, $0x0;
	s0 =	rddreg [dreg:$0x3]  }
0xfc: {  	s0 =	sadd.s32 @!p0 $0x100000, s0  }
0xfd: {  	[sflag:s0] =	ssyncadd.tile.s32 @!p0 $0x1;
	_ =	shalt  }
.Lfunc_end2:
_tile_overlayer_lowered:
.L_overlay_start_2:
0xfe: {  	(tag) =	ssettag $0x2  }
0xff: {  	s0 =	rddreg [dreg:$0x0];
	s2 =	stileid.u32  }
0x100: {  	s1 =	rddreg [dreg:$0x1];
	p0 =	sne.s32 s2, $0x0  }
0x101: {  	s3 =	rddreg [dreg:$0x2];
	[bflag:$0x3] =	sbarrier.arrive $0xFFFF;
	s2 =	simm.s32 @!p0 $0x1C11  }
0x102: {  	[timem:s3], [sflag:s2] =	dma.local @!p0 [hbm:s0], s1  }
0x103: {  	s0 =	simm.s32 @!p0 $0x11  }
0x104: {  	_ =	swait.ge @!p0 [sflag:s0], s1  }
0x105: {  	s1 =	ssub.s32 @!p0 $0x0, s1;
	[sflag:s0] =	ssyncset.done @!p0 $0x0  }
0x106: {  	[sflag:s0] =	ssyncadd.s32 @!p0 s1  }
0x107: {  	[bflag:$0x3] =	sbarrier.arrive $0xFFFF  }
0x108: {  	_ =	shalt  }

// kernel: sparse-core-data-format-call.cloned.1.call-start
scs
called_computation_lowered:
.L_overlay_start_0:
0x0: {  	s2 =	sld [smem:$0x3FD9]  }
0x1: {  	s3 =	sld [smem:$0x3FFE];
	_ =	sdelay $0x1  }
0x2: {  	s1 =	srdreg.scid  }
0x3: {  	s0 =	sand.u32 $0x1, s1  }
0x4: {  	s18 =	sshll.u32 s0, $0xA;
	s2 =	sadd.s32 s3, s2  }
0x5: {  	s2 =	sadd.s32 s2, s18  }
0x6: {  	[smem:$0x3FC6] =	sst s2  }
0x7: {  	_ = 	snop  }
0x8: {  	s2 =	sld [smem:$0x3FD0];
	(tm) =	ssettm $0x1  }
0x9: {  	s19 =	sld [smem:$0x3FFB];
	_ =	sdelay $0x3  }
0xa: {  	_ =	strace s19  }
0xb: {  	s3 =	sld [smem:$0x3FFC];
	_ =	sdelay $0x3  }
0xc: {  	_ =	strace s3  }
0xd: {  	s3 =	sld [smem:$0x3FFD];
	_ =	sdelay $0x3  }
0xe: {  	_ =	strace s3  }
0xf: {  	_ =	strace $0x8FFFFFFF  }
0x10: {  	s20 =	sld [smem:$0x3FDB];
	_ =	sdelay $0x1  }
0x11: {  	s4 =	simm.s32 $_scs_section_size  }
0x12: {  	s5 =	simm.s32 $_size__tile_overlayer_lowered;
	s6 =	simm.s32 $_tile_overlayer_lowered  }
0x13: {  	s23 =	simm.s32 $0x1BFF;
	s22 =	sshll.u32 s6, $0x1;
	s3 =	sadd.s32 s4, s20  }
0x14: {  	s7 =	simm.s32 $0x0;
	s21 =	sshll.u32 s5, $0x1;
	s5 =	sadd.s32 s22, s3  }
0x15: {  	[timem:s7], [sflag:s23] =	dma.local [hbm:s5], s21  }
0x16: {  	_ =	swait.ge [sflag:s23], s21  }
0x17: {  	s4 =	ssub.s32 $0x0, s21;
	[sflag:s23] =	ssyncset.done $0x0  }
0x18: {  	[sflag:s23] =	ssyncadd.s32 s4;
	_ =	sdelay $0x1  }
0x19: {  	s24 =	simm.s32 $0x1B8B  }
0x1a: {  	_ =	swait.ge [sflag:s24], $0x1  }
0x1b: {  	[sflag:s24] =	ssyncset.done $0x0  }
0x1c: {  	s26 =	simm.s32 $0x1B8E;
	s25 =	sld [smem:$0x3FFE];
	[sflag:s24] =	ssyncadd.s32 $0xFFFFFFFF  }
0x1d: {  	s27 =	simm.s32 $execute0_lowered;
	[smem:$0x3FD2] =	sst s26  }
0x1e: {  	s5 =	sshll.u32 s27, $0x1;
	_ =	strace $0x80000049;
	[dreg:$0x1] =	wrdreg $0xFFFFFFFF  }
0x1f: {  	s28 =	simm.s32 $_size_execute0_lowered;
	s3 =	sadd.s32 s3, s5;
	[dreg:$0x0] =	wrdreg $0x0  }
0x20: {  	s5 =	sshll.u32 s28, $0x1;
	[dreg:$0x2] =	wrdreg s3  }
0x21: {  	[dreg:$0x3] =	wrdreg s5  }
0x22: {  	[dreg:$0x4] =	wrdreg $0xC0  }
0x23: {  	_ =	task [dreg:s7], $0x5FFFF  }
0x24: {  	[dreg:$0x1] =	wrdreg $0xFFFFFFFF  }
0x25: {  	[dreg:$0x0] =	wrdreg $0x60  }
0x26: {  	[dreg:$0x2] =	wrdreg s25  }
0x27: {  	[dreg:$0x3] =	wrdreg s2  }
0x28: {  	[dreg:$0x4] =	wrdreg $0x9  }
0x29: {  	_ =	task.clear_ibuf [dreg:s7], $0x5FFFF;
	_ =	strace $0x90000049  }
0x2a: {  	s29 =	simm.s32 $0x9;
	_ =	strace $0x8000004B  }
0x2b: {  	_ =	swait.ge [sflag:s29], $0x1  }
0x2c: {  	[sflag:s29] =	ssyncadd.s32 $0xFFFFFFFF  }
0x2d: {  	_ =	strace $0x9000004B  }
0x2e: {  	_ =	sfence  }
0x2f: {  	s30 =	sld [smem:$0x0];
	_ =	sdelay $0x2  }
0x30: {  	s31 =	sshll.u32 s1, $0xD;
	s1 =	sshrl.u32 s1, $0x2  }
0x31: {  	s3 =	sand.u32 $0x4000, s31;
	s1 =	sadd.s32 s1, s30  }
0x32: {  	s0 =	sor.u32 s3, s0;
	s1 =	sshll.u32 s1, $0x11  }
0x33: {  	s0 =	sor.u32 s1, s0  }
0x34: {  	s0 =	sadd.s32 $0x8F2B, s0  }
0x35: {  	[sflag:s0] =	ssyncadd.remote.s32 $0x1  }
0x36: {  	_ =	sfence.sel $0xFFFF  }
0x37: {  	[dreg:$0x0] =	wrdreg $0xFFFFFFFF;
	(pc) =	sbr.abs _section_cstart, $3  }
0x38: {  	[dreg:$0x1] =	wrdreg $0xFFFFFFFF  }
0x39: {  	_ =	task.clear_ibuf [dreg:s7], $0x2FFFF;
	_ =	strace $0x9FFFFFFF  }
0x3a: {  	(tm) =	ssettm $0x7FFFFFFF  }
0x3b: {  	_ =	shalt  }
tec
execute0_lowered:
.L_overlay_start_1:
0x0: {  	(tag) =	ssettag $0x1  }
0x1: {  	s0 =	srdreg.scid  }
0x2: {  	s1 =	sshll.u32 s0, $0x4  }
0x3: {  	s4 =	rddreg [dreg:$0x0];
	s0 =	stileid.u32;
	s1 =	sand.u32 $0x10, s1  }
0x4: {  	s2 =	rddreg [dreg:$0x1];
	s7 =	simm.s32 $0x1;
	s1 =	sor.u32 s0, s1  }
0x5: {  	s8 =	simm.s32 $0x2;
	s11 =	simm.s32 $0x0;
	s3 =	sshll.u32 s1, $0x7  }
0x6: {  	s10 =	simm.s32 $0x0;
	s4 =	sadd.s32 $0x800, s4;
	s6 =	ssub.s32 $0x20000, s3  }
.Ltmp0:
0x7: {  	s1 =	rddreg [dreg:$0x2];
	s5 =	sand.u32 $0xF80, s6;
	(pc) =	sbr.rel .LBB1_1-.Ltmp0, $4  }
0x8: {  	_ =	strace $0x8000004A;
	s9 =	smov.u32 s3;
	p0 =	sne.s32 s5, $0x0  }
0x9: {  	s6 =	sshrl.u32 s6, $0xC;
	s5 =	simm.s32 $0x1;
	s7 =	simm.s32 @!p0 $0x0  }
0xa: {  	[sflag:s5] =	ssyncpa.u1 $0x0;
	p0 =	por $0x0, $0x0;
	s6 =	sadd.s32 s7, s6  }
0xb: {  	[sflag:s8] =	ssyncpa.u1 $0x0;
	s8 =	simm.s32 $0x100000;
	s7 =	sadd.s32 $0x1, s6  }
.LBB1_4:
0xc: {  	s14 =	sshll.u32 s11, $0x3  }
0xd: {  	s15 =	sand.u32 $0x78, s11;
	s14 =	sand.u32 $0x1FC00, s14  }
0xe: {  	[tilespmem:s13+$0x810 ss:$0x81] =	vst.msk $0xffff, v2;
	s29 =	sand.u32 $0xFC000, s11;
	s30 =	sand.u32 $0x7, s11;
	s14 =	sor.u32 s15, s14  }
0xf: {  	[tilespmem:s13+$0x1020 ss:$0x81] =	vst.msk $0xffff, v0;
	s11 =	sshll.u32 s30, $0x12;
	s15 =	sadd.s32 s2, s29;
	s14 =	sshrl.u32 s14, $0x3  }
0x10: {  	[tilespmem:s13+$0x0 ss:$0x81] =	vst.msk $0xffff, v1;
	s11 =	sor.u32 $0x400, s11;
	s31 =	sadd.s32 s14, s15  }
0x11: {  	[hbm4b:s31+s11] =	stream.strided.scatter [tilespmem:s12], [sflag:$0x2], $0x2000, s8, s11, $0x20;
	[tilespmem:$0x8080] =	vst v63  }
.LBB1_5:
0x12: {  	s13 =	sadd.s32 $0x1000, s9  }
0x13: {  	p2 =	sgt.s32 s13, $0x1FFFF  }
0x14: {  	s13 =	smov.u32 @p2 s3;
	p2 =	sne.s32 s10, s7  }
.Ltmp1:
0x15: {  	p1 =	slt.u32 s10, $0x2;
	(pc) =	sbr.rel @!p2 .LBB1_6-.Ltmp1, $4  }
0x16: {  	s12 =	simm.s32 @!p1 $0x2  }
0x17: {  	s14 =	sadd.s32 $0x1, s10;
	_ =	swait.ge @!p1 [sflag:s12], $0x2000  }
0x18: {  	s11 =	smov.u32 s9;
	p0 =	por !p0, !p0;
	[sflag:s12] =	ssyncset.done @!p1 $0x0  }
0x19: {  	s10 =	smov.u32 s14;
	s9 =	smov.u32 s13;
	[sflag:s12] =	ssyncadd.s32 @!p1 $0xFFFFE000  }
.LBB1_1:
0x1a: {  	p1 =	sge.u32 s10, s6  }
0x1b: {  	s31 =	sadd.s32 $0xFFFFFFFF, s10;
	s12 =	sxor.u32 @!p1 $0xFFFFFFFF, s10;
	s13 =	sshll.u32 @!p1 s9, $0x4  }
0x1c: {  	s14 =	simm.s32 @!p1 $0x40;
	s12 =	sshll.u32 @!p1 s12, $0xD;
	s13 =	sand.u32 @!p1 $0x1FFFF0, s13  }
0x1d: {  	s15 =	simm.s32 @!p1 $0x80;
	s12 =	sand.u32 @!p1 $0x2000, s12;
	s13 =	sadd.s32 @!p1 s4, s13  }
0x1e: {  	[tilespmem:s12], [sflag:$0x1] =	stream.strided.gather @!p1 [hbm4b:s13+s14], $0x2000, s15, s14, $0x38;
	[tilespmem:$0x8080] =	vst v63  }
0x1f: {  	p1 =	sge.u32 s31, s6  }
.Ltmp2:
0x20: {  	_ = 	snop;
	(pc) =	sbr.rel @p1 .LBB1_5-.Ltmp2, $1  }
0x21: {  	_ =	sdelay $0x3  }
0x22: {  	s12 =	simm.s32 $0x1  }
0x23: {  	_ =	swait.ge [sflag:s5], $0x2000;
	s12 =	simm.s32 @!p0 $0x0  }
0x24: {  	[sflag:s5] =	ssyncset.done $0x0;
	s13 =	sshll.u32 s12, $0xD  }
0x25: {  	[sflag:s5] =	ssyncadd.s32 $0xFFFFE000;
	s16 =	sor.u32 $0x20, s13  }
0x26: {  	s12 =	smul.u32 $0x8100, s12;
	v3 =	vld [tilespmem:s16+$0x10]  }
0x27: {  	s30 =	sand.u32 $0x1, s10;
	v2 =	vld [tilespmem:s16+$0xFFFFFFF0]  }
0x28: {  	s13 =	smul.u32 $0x8100, s30;
	s12 =	sshrl.u32 s12, $0x2;
	v0 =	vld [tilespmem:s16+$0x0]  }
0x29: {  	v1 =	vld [tilespmem:s16+$0xFFFFFFE0];
	s14 =	sor.u32 $0x4000, s12  }
0x2a: {  	s31 =	sshrl.u32 s13, $0x2;
	s13 =	sadd.s32 $0x0, s14  }
0x2b: {  	s15 =	simm.s32 $0x4;
	s16 =	sadd.s32 $0x40, s16;
	s12 =	sor.u32 $0x4000, s31;
	[tilespmem:s13+$0x1830 ss:$0x81] =	vst.msk $0xffff, v3  }
.LBB1_3:
0x2c: {  	v3 =	vld [tilespmem:s16+$0x10];
	p1 =	sne.s32 s15, $0x1FC;
	[tilespmem:s13+$0x810 ss:$0x81] =	vst.msk $0xffff, v2;
	s17 =	smov.u32 s15;
	s15 =	sadd.s32 $0x4, s15  }
.Ltmp3:
0x2d: {  	v2 =	vld [tilespmem:s16+$0xFFFFFFF0];
	[tilespmem:s13+$0x1020 ss:$0x81] =	vst.msk $0xffff, v0;
	(pc) =	sbr.rel @p1 .LBB1_3-.Ltmp3, $4  }
0x2e: {  	v0 =	vld [tilespmem:s16+$0x0];
	[tilespmem:s13+$0x0 ss:$0x81] =	vst.msk $0xffff, v1  }
0x2f: {  	s13 =	sshra.s32 s17, $0x2;
	v1 =	vld [tilespmem:s16+$0xFFFFFFE0]  }
0x30: {  	s13 =	sadd.s32 s13, s14  }
0x31: {  	s16 =	sadd.s32 $0x40, s16;
	[tilespmem:s13+$0x1830 ss:$0x81] =	vst.msk $0xffff, v3  }
.Ltmp4:
0x32: {  	_ = 	snop;
	(pc) =	sbr.rel .LBB1_4-.Ltmp4, $1  }
0x33: {  	_ =	sdelay $0x3  }
.LBB1_6:
0x34: {  	_ =	sfence.sel $0x180000  }
0x35: {  	s2 =	simm.s32 $0x1;
	[bflag:$0x0] =	sbarrier.arrive $0xFFFF  }
0x36: {  	s31 =	simm.s32 $0x2;
	[sflag:s2] =	ssyncpa.u1 $0x1  }
0x37: {  	[sflag:s31] =	ssyncpa.u1 $0x1  }
0x38: {  	p0 =	sne.s32 s0, $0x0;
	_ =	strace $0x9000004A  }
0x39: {  	s0 =	sadd.s32 @!p0 $0x100000, s1;
	[bflag:$0x2] =	sbarrier.arrive $0xFFFF  }
0x3a: {  	[sflag:s0] =	ssyncadd.tile.s32 @!p0 $0x1;
	_ =	shalt  }
.Lfunc_end1:
_tile_overlayer_lowered:
.L_overlay_start_2:
0x3b: {  	(tag) =	ssettag $0x2  }
0x3c: {  	s0 =	rddreg [dreg:$0x0];
	s2 =	stileid.u32  }
0x3d: {  	s1 =	rddreg [dreg:$0x1];
	p0 =	sne.s32 s2, $0x0  }
0x3e: {  	s3 =	rddreg [dreg:$0x2];
	[bflag:$0x3] =	sbarrier.arrive $0xFFFF;
	s2 =	simm.s32 @!p0 $0x1C01  }
0x3f: {  	[timem:s3], [sflag:s2] =	dma.local @!p0 [hbm:s0], s1  }
0x40: {  	s0 =	simm.s32 @!p0 $0x1  }
0x41: {  	_ =	swait.ge @!p0 [sflag:s0], s1  }
0x42: {  	s1 =	ssub.s32 @!p0 $0x0, s1;
	[sflag:s0] =	ssyncset.done @!p0 $0x0  }
0x43: {  	[sflag:s0] =	ssyncadd.s32 @!p0 s1  }
0x44: {  	[bflag:$0x3] =	sbarrier.arrive $0xFFFF  }
0x45: {  	_ =	shalt  }

</sc_bundles>
